<compile_context>
chip_gen: v7x
topology: tpu7x:2x2x1
jax: 0.10.2.dev20260603
libtpu: 0.0.44.dev20260713+nightly
codegen_flags: <defaults>
</compile_context>

<pallas_src>
import functools

import jax
import jax.numpy as jnp
import numpy as _np
from jax import lax
from jax.experimental import pallas as pl
from jax.experimental.pallas import tpu as pltpu
from jax.experimental.pallas import tpu_sc as plsc

VOCAB = 1000000
EMBED = 32
NUM_CLASS = 20
HIDDEN = 128
BATCH = 16384
SEQ = 20
EPS = 1e-5

N_IDX = BATCH * SEQ
NUM_WORKERS = 32
PER_W = N_IDX // NUM_WORKERS
CHUNK = 128
NCHUNK = PER_W // CHUNK

_SC_MESH = plsc.VectorSubcoreMesh(
    core_axis_name="c", subcore_axis_name="s", num_cores=2, num_subcores=16
)


BAGS_W = BATCH // NUM_WORKERS
TJ_W = BAGS_W // CHUNK
NBUF = 8


@functools.partial(
    pl.kernel,
    mesh=_SC_MESH,
    compiler_params=pltpu.CompilerParams(use_tc_tiling_on_sc=False),
    out_type=jax.ShapeDtypeStruct((BATCH // 4, 4 * EMBED), jnp.float32),
    scratch_types=[
        pltpu.VMEM((TJ_W * 24, CHUNK), jnp.int32),
        pltpu.VMEM((TJ_W, CHUNK), jnp.int32),
        pltpu.VMEM((CHUNK, EMBED), jnp.float32),
        pltpu.VMEM((CHUNK, EMBED), jnp.float32),
        pltpu.VMEM((CHUNK, EMBED), jnp.float32),
        pltpu.VMEM((CHUNK, EMBED), jnp.float32),
        pltpu.VMEM((CHUNK, EMBED), jnp.float32),
        pltpu.VMEM((CHUNK, EMBED), jnp.float32),
        pltpu.VMEM((CHUNK, EMBED), jnp.float32),
        pltpu.VMEM((CHUNK, EMBED), jnp.float32),
        pltpu.VMEM((CHUNK, EMBED), jnp.float32),
        pltpu.VMEM_SHARED((BATCH // 2, EMBED), jnp.float32),
    ] + [pltpu.SemaphoreType.DMA] * 16,
)
def _sc_pool(table_hbm, xv_hbm, seg_hbm, out_hbm,
             xbuf, seg_v, r0, r1, r2, r3, r4, r5, r6, r7, zbuf, acc,
             g0, g1, g2, g3, g4, g5, g6, g7,
             s0, s1_, s2_, s3, s4, s5, s6, s7):
    wid = lax.axis_index("s") * 2 + lax.axis_index("c")
    sub = lax.axis_index("s")
    rows = (r0, r1, r2, r3, r4, r5, r6, r7)
    gsem = (g0, g1, g2, g3, g4, g5, g6, g7)
    ssem = (s0, s1_, s2_, s3, s4, s5, s6, s7)

    pltpu.sync_copy(seg_hbm.at[wid], seg_v)
    for tj in range(TJ_W):
        for ti in range(3):
            pltpu.sync_copy(
                xv_hbm.at[ti, wid * TJ_W + tj],
                xbuf.at[pl.ds(24 * tj + 8 * ti, 8)],
            )

    zero = jnp.zeros((1, 16), jnp.float32)

    @pl.loop(0, CHUNK)
    def _(r):
        zbuf[pl.ds(r, 1), pl.ds(0, 16)] = zero
        zbuf[pl.ds(r, 1), pl.ds(16, 16)] = zero

    for k in range(TJ_W):
        pltpu.sync_copy(zbuf, acc.at[pl.ds(sub * BAGS_W + k * CHUNK, CHUNK)])

    def xrow(c):
        return 24 * (c // SEQ) + (c % SEQ)

    def gather(c, j):
        pltpu.async_copy(table_hbm.at[xbuf.at[xrow(c)]], rows[j], gsem[j])

    for j in range(NBUF):
        gather(j, j)

    @pl.loop(0, NCHUNK // NBUF)
    def _(p):
        c0 = p * NBUF
        for j in range(NBUF):
            c = c0 + j
            pltpu.make_async_copy(table_hbm.at[xbuf.at[xrow(c)]],
                                  rows[j], gsem[j]).wait()
            pltpu.async_copy(rows[j], acc.at[seg_v.at[c // SEQ]],
                             ssem[j], add=True)
        for j in range(NBUF):
            c = c0 + j
            pltpu.make_async_copy(rows[j], acc.at[seg_v.at[c // SEQ]],
                                  ssem[j]).wait()

            @pl.when(c + NBUF < NCHUNK)
            def _():
                gather(c + NBUF, j)

    wpg = _MLP_COLS // BAGS_W
    u = wid % wpg
    row0 = (_MLP_COLS // 4) * (wid // wpg) + BAGS_W * (u % (wpg // 4))
    lane0 = EMBED * (u // (wpg // 4))
    pltpu.sync_copy(
        acc.at[pl.ds(sub * BAGS_W, BAGS_W)],
        out_hbm.at[pl.ds(row0, BAGS_W), pl.ds(lane0, EMBED)],
    )



_TCOLS = 65536
_TQ = _TCOLS // 4
_TGRID = (VOCAB + _TCOLS - 1) // _TCOLS
_TROWS = _TQ * _TGRID


def _transpose_body(in_ref, o_ref):
    x = in_ref[...]
    v = jnp.concatenate(
        [x[:, a * _TQ:(a + 1) * _TQ] for a in range(4)], axis=0
    )
    o_ref[...] = v.T


def _tc_transpose(table_t):
    return pl.pallas_call(
        _transpose_body,
        grid=(_TGRID,),
        in_specs=[pl.BlockSpec((EMBED, _TCOLS), lambda i: (0, i))],
        out_specs=pl.BlockSpec((_TQ, 4 * EMBED), lambda i: (i, 0)),
        out_shape=jax.ShapeDtypeStruct((_TROWS, 4 * EMBED), jnp.float32),
        compiler_params=pltpu.CompilerParams(
            dimension_semantics=("parallel",)
        ),
    )(table_t)


def _permute_idx(v):
    return _TCOLS * (v // _TCOLS) + 4 * (v % _TQ) + (v % _TCOLS) // _TQ


_MLP_COLS = 4096
_MLP_BR = _MLP_COLS // 4


def _mlp_body(p_ref, s1_ref, b1_ref, w1_ref, c1_ref, w2_ref, c2_ref, o_ref):
    p4 = p_ref[...]
    v = p4.T
    pt = jnp.concatenate(
        [v[a * EMBED:(a + 1) * EMBED] for a in range(4)], axis=1
    )
    h0 = jnp.maximum(pt * s1_ref[...] + b1_ref[...], 0.0)
    h1 = jnp.dot(w1_ref[...], h0, preferred_element_type=jnp.float32)
    h1 = jnp.maximum(h1 + c1_ref[...], 0.0)
    o_ref[...] = (
        jnp.dot(w2_ref[...], h1, preferred_element_type=jnp.float32) + c2_ref[...]
    )


def _tc_mlp(pooled4, s1, b1, w1, c1, w2, c2):
    grid = (BATCH // _MLP_COLS,)
    full = lambda r, c: pl.BlockSpec((r, c), lambda i: (0, 0))
    return pl.pallas_call(
        _mlp_body,
        grid=grid,
        in_specs=[
            pl.BlockSpec((_MLP_BR, 4 * EMBED), lambda i: (i, 0)),
            full(EMBED, 1),
            full(EMBED, 1),
            full(HIDDEN, EMBED),
            full(HIDDEN, 1),
            full(NUM_CLASS, HIDDEN),
            full(NUM_CLASS, 1),
        ],
        out_specs=pl.BlockSpec((NUM_CLASS, _MLP_COLS), lambda i: (0, i)),
        out_shape=jax.ShapeDtypeStruct((NUM_CLASS, BATCH), jnp.float32),
    )(pooled4, s1, b1, w1, c1, w2, c2)


_SEG = (
    (_np.arange(NUM_WORKERS) // 2 * BAGS_W)[:, None, None]
    + (_np.arange(TJ_W) * CHUNK)[None, :, None]
    + _np.arange(CHUNK)[None, None, :]
).astype(_np.int32)


def kernel(x, table, bn1_w, bn1_b, fc1_w, fc1_b, bn2_w, bn2_b, fc2_w, fc2_b):
    inv = 1.0 / jnp.sqrt(1.0 + EPS)
    s1 = (bn1_w * inv / SEQ).reshape(EMBED, 1)
    s2 = bn2_w * inv
    b1 = bn1_b.reshape(EMBED, 1)
    w1 = fc1_w * s2[:, None]
    c1 = (fc1_b * s2 + bn2_b).reshape(HIDDEN, 1)
    w2 = fc2_w
    c2 = fc2_b.reshape(NUM_CLASS, 1)

    xpt = _permute_idx(x.T)
    xp24 = jnp.concatenate([xpt, xpt[:4]], axis=0)
    xv = xp24.reshape(3, 8, BATCH // CHUNK, CHUNK).transpose(0, 2, 1, 3)

    table_lin = _tc_transpose(table.T).reshape(4 * _TROWS, EMBED)
    pooled4 = _sc_pool(table_lin, xv, jnp.asarray(_SEG))
    out_t = _tc_mlp(pooled4, s1, b1, w1, c1, w2, c2)
    return out_t.T

# --- scband reference (transcript-rebuilt; emitter-appended) ---
"""Pipeline reference for scband-text-classification-model-14053132992905 (READ-ONLY COPY).

The authoritative reference and input builder live on the scoring server;
editing this copy changes nothing except your own understanding.
"""

import jax, jax.numpy as jnp
import numpy as np

VOCAB = 1000000
EMBED = 32
NUM_CLASS = 20
HIDDEN = 128
BATCH = 16384
SEQ = 20
EPS = 1e-5

def setup_inputs(seed: int = 0) -> dict:
    key = jax.random.key(seed)
    ks = jax.random.split(key, 8)
    x = jax.random.randint(ks[0], (BATCH, SEQ), 0, VOCAB, dtype=jnp.int64 if jax.config.jax_enable_x64 else jnp.int32).astype(jnp.int32)
    table = jax.random.uniform(ks[1], (VOCAB, EMBED), dtype=jnp.float32, minval=-0.5, maxval=0.5)
    fc1_w = jax.random.uniform(ks[2], (HIDDEN, EMBED), dtype=jnp.float32, minval=-0.5, maxval=0.5)
    fc1_b = jnp.zeros((HIDDEN,), dtype=jnp.float32)
    fc2_w = jax.random.uniform(ks[3], (NUM_CLASS, HIDDEN), dtype=jnp.float32, minval=-0.5, maxval=0.5)
    fc2_b = jnp.zeros((NUM_CLASS,), dtype=jnp.float32)
    bn1_w = jnp.ones((EMBED,), dtype=jnp.float32)
    bn1_b = jnp.zeros((EMBED,), dtype=jnp.float32)
    bn2_w = jnp.ones((HIDDEN,), dtype=jnp.float32)
    bn2_b = jnp.zeros((HIDDEN,), dtype=jnp.float32)
    return {"x": x, "table": table, "bn1_w": bn1_w, "bn1_b": bn1_b,
            "fc1_w": fc1_w, "fc1_b": fc1_b, "bn2_w": bn2_w, "bn2_b": bn2_b,
            "fc2_w": fc2_w, "fc2_b": fc2_b}

def _bn_eval(h, w, b):
    # BatchNorm1d in eval mode with default running stats (mean=0, var=1)
    return w * (h / jnp.sqrt(1.0 + EPS)) + b

def reference(x, table, bn1_w, bn1_b, fc1_w, fc1_b, bn2_w, bn2_b, fc2_w, fc2_b):
    # nn.EmbeddingBag with default mode='mean' on 2D input: gather then mean over bag dim
    emb = jnp.take(table, x, axis=0)          # [B, L, D]
    pooled = jnp.mean(emb, axis=1)            # [B, D]
    h = jax.nn.relu(_bn_eval(pooled, bn1_w, bn1_b))
    # dropout1 is identity in eval mode
    h = jax.nn.relu(_bn_eval(h @ fc1_w.T + fc1_b, bn2_w, bn2_b))
    # dropout2 is identity in eval mode
    out = h @ fc2_w.T + fc2_b                 # [B, num_class]
    return out

if __name__ == "__main__":
    import jax
    _d = setup_inputs()
    print(jax.jit(kernel)(*tuple(_d.values())))

</pallas_src>

<mosaic_0001>
#map = affine_map<(d0, d1) -> (0, 0)>
#map1 = affine_map<(d0, d1) -> (0, 0, 0, 0)>
#map2 = affine_map<(d0, d1) -> (0, 0, 0)>
module attributes {stable_mosaic.version = 14 : i64} {
  func.func @_sc_pool(%arg0: i32, %arg1: i32, %arg2: memref<1048576x32xf32, #tpu.memory_space<hbm>>, %arg3: memref<3x128x8x128xi32, #tpu.memory_space<hbm>>, %arg4: memref<32x4x128xi32, #tpu.memory_space<hbm>>, %arg5: memref<4096x128xf32, #tpu.memory_space<hbm>>, %arg6: memref<96x128xi32, #tpu.memory_space<vmem>>, %arg7: memref<4x128xi32, #tpu.memory_space<vmem>>, %arg8: memref<128x32xf32, #tpu.memory_space<vmem>>, %arg9: memref<128x32xf32, #tpu.memory_space<vmem>>, %arg10: memref<128x32xf32, #tpu.memory_space<vmem>>, %arg11: memref<128x32xf32, #tpu.memory_space<vmem>>, %arg12: memref<128x32xf32, #tpu.memory_space<vmem>>, %arg13: memref<128x32xf32, #tpu.memory_space<vmem>>, %arg14: memref<128x32xf32, #tpu.memory_space<vmem>>, %arg15: memref<128x32xf32, #tpu.memory_space<vmem>>, %arg16: memref<128x32xf32, #tpu.memory_space<vmem>>, %arg17: memref<8192x32xf32, #tpu.memory_space<vmem_shared>>, %arg18: memref<!tpu.dma_semaphore, #tpu.memory_space<semaphore_mem>>, %arg19: memref<!tpu.dma_semaphore, #tpu.memory_space<semaphore_mem>>, %arg20: memref<!tpu.dma_semaphore, #tpu.memory_space<semaphore_mem>>, %arg21: memref<!tpu.dma_semaphore, #tpu.memory_space<semaphore_mem>>, %arg22: memref<!tpu.dma_semaphore, #tpu.memory_space<semaphore_mem>>, %arg23: memref<!tpu.dma_semaphore, #tpu.memory_space<semaphore_mem>>, %arg24: memref<!tpu.dma_semaphore, #tpu.memory_space<semaphore_mem>>, %arg25: memref<!tpu.dma_semaphore, #tpu.memory_space<semaphore_mem>>, %arg26: memref<!tpu.dma_semaphore, #tpu.memory_space<semaphore_mem>>, %arg27: memref<!tpu.dma_semaphore, #tpu.memory_space<semaphore_mem>>, %arg28: memref<!tpu.dma_semaphore, #tpu.memory_space<semaphore_mem>>, %arg29: memref<!tpu.dma_semaphore, #tpu.memory_space<semaphore_mem>>, %arg30: memref<!tpu.dma_semaphore, #tpu.memory_space<semaphore_mem>>, %arg31: memref<!tpu.dma_semaphore, #tpu.memory_space<semaphore_mem>>, %arg32: memref<!tpu.dma_semaphore, #tpu.memory_space<semaphore_mem>>, %arg33: memref<!tpu.dma_semaphore, #tpu.memory_space<semaphore_mem>>) attributes {dimension_semantics = [#tpu.dimension_semantics<core_parallel>, #tpu.dimension_semantics<subcore_parallel>], iteration_bounds = array<i64: 2, 16>, scalar_prefetch = 0 : i64, scratch_operands = 28 : i64, tpu.core_type = #tpu.core_type<sc_vector_subcore>, window_params = [{transform_indices = #map}, {transform_indices = #map1}, {transform_indices = #map2}, {transform_indices = #map}]} {
    %mul3A = arith.constant 2 : i32
    %mul3A_0 = arith.muli %arg1, %mul3A : i32
    %add3A = arith.addi %mul3A_0, %arg0 : i32
    "tpu.region"() ({
      %run_scoped3A_220 = tpu.sem_alloc : memref<!tpu.dma_semaphore, #tpu.memory_space<semaphore_mem>>
      %dma_start3A_221 = arith.constant 0 : i32
      %dma_start3A_222 = arith.constant 0 : i32
      %dma_start3A_223 = tpu.memref_slice %arg4[%add3A, %dma_start3A_221, %dma_start3A_222] : memref<32x4x128xi32, #tpu.memory_space<hbm>> -> memref<1x4x128xi32, #tpu.memory_space<hbm>>
      %dma_start3A_224 = tpu.memref_squeeze %dma_start3A_223 : memref<1x4x128xi32, #tpu.memory_space<hbm>> -> memref<4x128xi32, #tpu.memory_space<hbm>>
      %dma_start3A_225 = arith.constant 0 : i32
      %dma_start3A_226 = arith.constant 0 : i32
      %dma_start3A_227 = tpu.memref_slice %arg4[%add3A, %dma_start3A_225, %dma_start3A_226] : memref<32x4x128xi32, #tpu.memory_space<hbm>> -> memref<1x4x128xi32, #tpu.memory_space<hbm>>
      %dma_start3A_228 = tpu.memref_squeeze %dma_start3A_227 : memref<1x4x128xi32, #tpu.memory_space<hbm>> -> memref<4x128xi32, #tpu.memory_space<hbm>>
      tpu.enqueue_dma source(%dma_start3A_228 : memref<4x128xi32, #tpu.memory_space<hbm>>) target(%arg7 : memref<4x128xi32, #tpu.memory_space<vmem>>) target_semaphore(%run_scoped3A_220 : memref<!tpu.dma_semaphore, #tpu.memory_space<semaphore_mem>>)
      %dma_wait3A = arith.constant 0 : i32
      %dma_wait3A_229 = arith.constant 0 : i32
      %dma_wait3A_230 = tpu.memref_slice %arg4[%add3A, %dma_wait3A, %dma_wait3A_229] : memref<32x4x128xi32, #tpu.memory_space<hbm>> -> memref<1x4x128xi32, #tpu.memory_space<hbm>>
      %dma_wait3A_231 = tpu.memref_squeeze %dma_wait3A_230 : memref<1x4x128xi32, #tpu.memory_space<hbm>> -> memref<4x128xi32, #tpu.memory_space<hbm>>
      %dma_wait3A_232 = arith.constant 0 : i32
      %dma_wait3A_233 = arith.constant 0 : i32
      %dma_wait3A_234 = tpu.memref_slice %arg4[%add3A, %dma_wait3A_232, %dma_wait3A_233] : memref<32x4x128xi32, #tpu.memory_space<hbm>> -> memref<1x4x128xi32, #tpu.memory_space<hbm>>
      %dma_wait3A_235 = tpu.memref_squeeze %dma_wait3A_234 : memref<1x4x128xi32, #tpu.memory_space<hbm>> -> memref<4x128xi32, #tpu.memory_space<hbm>>
      tpu.wait_dma2 semaphore(%run_scoped3A_220 : memref<!tpu.dma_semaphore, #tpu.memory_space<semaphore_mem>>) src(%dma_wait3A_235 : memref<4x128xi32, #tpu.memory_space<hbm>>) dst(%arg7 : memref<4x128xi32, #tpu.memory_space<vmem>>)
      tpu.yield
    }) : () -> ()
    %mul3A_1 = arith.constant 4 : i32
    %mul3A_2 = arith.muli %add3A, %mul3A_1 : i32
    %add3A_3 = arith.constant 0 : i32
    %add3A_4 = arith.addi %mul3A_2, %add3A_3 : i32
    %run_scoped3A = arith.constant 0 : i32
    "tpu.region"() ({
      %run_scoped3A_220 = tpu.sem_alloc : memref<!tpu.dma_semaphore, #tpu.memory_space<semaphore_mem>>
      %dma_start3A_221 = arith.constant 0 : i32
      %dma_start3A_222 = arith.constant 0 : i32
      %dma_start3A_223 = tpu.memref_slice %arg6[%dma_start3A_221, %dma_start3A_222] : memref<96x128xi32, #tpu.memory_space<vmem>> -> memref<8x128xi32, #tpu.memory_space<vmem>>
      %dma_start3A_224 = arith.constant 0 : i32
      %dma_start3A_225 = arith.constant 0 : i32
      %dma_start3A_226 = tpu.memref_slice %arg3[%run_scoped3A, %add3A_4, %dma_start3A_224, %dma_start3A_225] : memref<3x128x8x128xi32, #tpu.memory_space<hbm>> -> memref<1x1x8x128xi32, #tpu.memory_space<hbm>>
      %dma_start3A_227 = tpu.memref_squeeze %dma_start3A_226 : memref<1x1x8x128xi32, #tpu.memory_space<hbm>> -> memref<8x128xi32, #tpu.memory_space<hbm>>
      %dma_start3A_228 = arith.constant 0 : i32
      %dma_start3A_229 = arith.constant 0 : i32
      %dma_start3A_230 = tpu.memref_slice %arg6[%dma_start3A_228, %dma_start3A_229] : memref<96x128xi32, #tpu.memory_space<vmem>> -> memref<8x128xi32, #tpu.memory_space<vmem>>
      %dma_start3A_231 = arith.constant 0 : i32
      %dma_start3A_232 = arith.constant 0 : i32
      %dma_start3A_233 = tpu.memref_slice %arg3[%run_scoped3A, %add3A_4, %dma_start3A_231, %dma_start3A_232] : memref<3x128x8x128xi32, #tpu.memory_space<hbm>> -> memref<1x1x8x128xi32, #tpu.memory_space<hbm>>
      %dma_start3A_234 = tpu.memref_squeeze %dma_start3A_233 : memref<1x1x8x128xi32, #tpu.memory_space<hbm>> -> memref<8x128xi32, #tpu.memory_space<hbm>>
      tpu.enqueue_dma source(%dma_start3A_234 : memref<8x128xi32, #tpu.memory_space<hbm>>) target(%dma_start3A_230 : memref<8x128xi32, #tpu.memory_space<vmem>>) target_semaphore(%run_scoped3A_220 : memref<!tpu.dma_semaphore, #tpu.memory_space<semaphore_mem>>)
      %dma_wait3A = arith.constant 0 : i32
      %dma_wait3A_235 = arith.constant 0 : i32
      %dma_wait3A_236 = tpu.memref_slice %arg6[%dma_wait3A, %dma_wait3A_235] : memref<96x128xi32, #tpu.memory_space<vmem>> -> memref<8x128xi32, #tpu.memory_space<vmem>>
      %dma_wait3A_237 = arith.constant 0 : i32
      %dma_wait3A_238 = arith.constant 0 : i32
      %dma_wait3A_239 = tpu.memref_slice %arg3[%run_scoped3A, %add3A_4, %dma_wait3A_237, %dma_wait3A_238] : memref<3x128x8x128xi32, #tpu.memory_space<hbm>> -> memref<1x1x8x128xi32, #tpu.memory_space<hbm>>
      %dma_wait3A_240 = tpu.memref_squeeze %dma_wait3A_239 : memref<1x1x8x128xi32, #tpu.memory_space<hbm>> -> memref<8x128xi32, #tpu.memory_space<hbm>>
      %dma_wait3A_241 = arith.constant 0 : i32
      %dma_wait3A_242 = arith.constant 0 : i32
      %dma_wait3A_243 = tpu.memref_slice %arg6[%dma_wait3A_241, %dma_wait3A_242] : memref<96x128xi32, #tpu.memory_space<vmem>> -> memref<8x128xi32, #tpu.memory_space<vmem>>
      %dma_wait3A_244 = arith.constant 0 : i32
      %dma_wait3A_245 = arith.constant 0 : i32
      %dma_wait3A_246 = tpu.memref_slice %arg3[%run_scoped3A, %add3A_4, %dma_wait3A_244, %dma_wait3A_245] : memref<3x128x8x128xi32, #tpu.memory_space<hbm>> -> memref<1x1x8x128xi32, #tpu.memory_space<hbm>>
      %dma_wait3A_247 = tpu.memref_squeeze %dma_wait3A_246 : memref<1x1x8x128xi32, #tpu.memory_space<hbm>> -> memref<8x128xi32, #tpu.memory_space<hbm>>
      tpu.wait_dma2 semaphore(%run_scoped3A_220 : memref<!tpu.dma_semaphore, #tpu.memory_space<semaphore_mem>>) src(%dma_wait3A_247 : memref<8x128xi32, #tpu.memory_space<hbm>>) dst(%dma_wait3A_243 : memref<8x128xi32, #tpu.memory_space<vmem>>)
      tpu.yield
    }) : () -> ()
    %mul3A_5 = arith.constant 4 : i32
    %mul3A_6 = arith.muli %add3A, %mul3A_5 : i32
    %add3A_7 = arith.constant 0 : i32
    %add3A_8 = arith.addi %mul3A_6, %add3A_7 : i32
    %run_scoped3A_9 = arith.constant 1 : i32
    "tpu.region"() ({
      %run_scoped3A_220 = tpu.sem_alloc : memref<!tpu.dma_semaphore, #tpu.memory_space<semaphore_mem>>
      %dma_start3A_221 = arith.constant 8 : i32
      %dma_start3A_222 = arith.constant 0 : i32
      %dma_start3A_223 = tpu.memref_slice %arg6[%dma_start3A_221, %dma_start3A_222] : memref<96x128xi32, #tpu.memory_space<vmem>> -> memref<8x128xi32, #tpu.memory_space<vmem>>
      %dma_start3A_224 = arith.constant 0 : i32
      %dma_start3A_225 = arith.constant 0 : i32
      %dma_start3A_226 = tpu.memref_slice %arg3[%run_scoped3A_9, %add3A_8, %dma_start3A_224, %dma_start3A_225] : memref<3x128x8x128xi32, #tpu.memory_space<hbm>> -> memref<1x1x8x128xi32, #tpu.memory_space<hbm>>
      %dma_start3A_227 = tpu.memref_squeeze %dma_start3A_226 : memref<1x1x8x128xi32, #tpu.memory_space<hbm>> -> memref<8x128xi32, #tpu.memory_space<hbm>>
      %dma_start3A_228 = arith.constant 8 : i32
      %dma_start3A_229 = arith.constant 0 : i32
      %dma_start3A_230 = tpu.memref_slice %arg6[%dma_start3A_228, %dma_start3A_229] : memref<96x128xi32, #tpu.memory_space<vmem>> -> memref<8x128xi32, #tpu.memory_space<vmem>>
      %dma_start3A_231 = arith.constant 0 : i32
      %dma_start3A_232 = arith.constant 0 : i32
      %dma_start3A_233 = tpu.memref_slice %arg3[%run_scoped3A_9, %add3A_8, %dma_start3A_231, %dma_start3A_232] : memref<3x128x8x128xi32, #tpu.memory_space<hbm>> -> memref<1x1x8x128xi32, #tpu.memory_space<hbm>>
      %dma_start3A_234 = tpu.memref_squeeze %dma_start3A_233 : memref<1x1x8x128xi32, #tpu.memory_space<hbm>> -> memref<8x128xi32, #tpu.memory_space<hbm>>
      tpu.enqueue_dma source(%dma_start3A_234 : memref<8x128xi32, #tpu.memory_space<hbm>>) target(%dma_start3A_230 : memref<8x128xi32, #tpu.memory_space<vmem>>) target_semaphore(%run_scoped3A_220 : memref<!tpu.dma_semaphore, #tpu.memory_space<semaphore_mem>>)
      %dma_wait3A = arith.constant 8 : i32
      %dma_wait3A_235 = arith.constant 0 : i32
      %dma_wait3A_236 = tpu.memref_slice %arg6[%dma_wait3A, %dma_wait3A_235] : memref<96x128xi32, #tpu.memory_space<vmem>> -> memref<8x128xi32, #tpu.memory_space<vmem>>
      %dma_wait3A_237 = arith.constant 0 : i32
      %dma_wait3A_238 = arith.constant 0 : i32
      %dma_wait3A_239 = tpu.memref_slice %arg3[%run_scoped3A_9, %add3A_8, %dma_wait3A_237, %dma_wait3A_238] : memref<3x128x8x128xi32, #tpu.memory_space<hbm>> -> memref<1x1x8x128xi32, #tpu.memory_space<hbm>>
      %dma_wait3A_240 = tpu.memref_squeeze %dma_wait3A_239 : memref<1x1x8x128xi32, #tpu.memory_space<hbm>> -> memref<8x128xi32, #tpu.memory_space<hbm>>
      %dma_wait3A_241 = arith.constant 8 : i32
      %dma_wait3A_242 = arith.constant 0 : i32
      %dma_wait3A_243 = tpu.memref_slice %arg6[%dma_wait3A_241, %dma_wait3A_242] : memref<96x128xi32, #tpu.memory_space<vmem>> -> memref<8x128xi32, #tpu.memory_space<vmem>>
      %dma_wait3A_244 = arith.constant 0 : i32
      %dma_wait3A_245 = arith.constant 0 : i32
      %dma_wait3A_246 = tpu.memref_slice %arg3[%run_scoped3A_9, %add3A_8, %dma_wait3A_244, %dma_wait3A_245] : memref<3x128x8x128xi32, #tpu.memory_space<hbm>> -> memref<1x1x8x128xi32, #tpu.memory_space<hbm>>
      %dma_wait3A_247 = tpu.memref_squeeze %dma_wait3A_246 : memref<1x1x8x128xi32, #tpu.memory_space<hbm>> -> memref<8x128xi32, #tpu.memory_space<hbm>>
      tpu.wait_dma2 semaphore(%run_scoped3A_220 : memref<!tpu.dma_semaphore, #tpu.memory_space<semaphore_mem>>) src(%dma_wait3A_247 : memref<8x128xi32, #tpu.memory_space<hbm>>) dst(%dma_wait3A_243 : memref<8x128xi32, #tpu.memory_space<vmem>>)
      tpu.yield
    }) : () -> ()
    %mul3A_10 = arith.constant 4 : i32
    %mul3A_11 = arith.muli %add3A, %mul3A_10 : i32
    %add3A_12 = arith.constant 0 : i32
    %add3A_13 = arith.addi %mul3A_11, %add3A_12 : i32
    %run_scoped3A_14 = arith.constant 2 : i32
    "tpu.region"() ({
      %run_scoped3A_220 = tpu.sem_alloc : memref<!tpu.dma_semaphore, #tpu.memory_space<semaphore_mem>>
      %dma_start3A_221 = arith.constant 16 : i32
      %dma_start3A_222 = arith.constant 0 : i32
      %dma_start3A_223 = tpu.memref_slice %arg6[%dma_start3A_221, %dma_start3A_222] : memref<96x128xi32, #tpu.memory_space<vmem>> -> memref<8x128xi32, #tpu.memory_space<vmem>>
      %dma_start3A_224 = arith.constant 0 : i32
      %dma_start3A_225 = arith.constant 0 : i32
      %dma_start3A_226 = tpu.memref_slice %arg3[%run_scoped3A_14, %add3A_13, %dma_start3A_224, %dma_start3A_225] : memref<3x128x8x128xi32, #tpu.memory_space<hbm>> -> memref<1x1x8x128xi32, #tpu.memory_space<hbm>>
      %dma_start3A_227 = tpu.memref_squeeze %dma_start3A_226 : memref<1x1x8x128xi32, #tpu.memory_space<hbm>> -> memref<8x128xi32, #tpu.memory_space<hbm>>
      %dma_start3A_228 = arith.constant 16 : i32
      %dma_start3A_229 = arith.constant 0 : i32
      %dma_start3A_230 = tpu.memref_slice %arg6[%dma_start3A_228, %dma_start3A_229] : memref<96x128xi32, #tpu.memory_space<vmem>> -> memref<8x128xi32, #tpu.memory_space<vmem>>
      %dma_start3A_231 = arith.constant 0 : i32
      %dma_start3A_232 = arith.constant 0 : i32
      %dma_start3A_233 = tpu.memref_slice %arg3[%run_scoped3A_14, %add3A_13, %dma_start3A_231, %dma_start3A_232] : memref<3x128x8x128xi32, #tpu.memory_space<hbm>> -> memref<1x1x8x128xi32, #tpu.memory_space<hbm>>
      %dma_start3A_234 = tpu.memref_squeeze %dma_start3A_233 : memref<1x1x8x128xi32, #tpu.memory_space<hbm>> -> memref<8x128xi32, #tpu.memory_space<hbm>>
      tpu.enqueue_dma source(%dma_start3A_234 : memref<8x128xi32, #tpu.memory_space<hbm>>) target(%dma_start3A_230 : memref<8x128xi32, #tpu.memory_space<vmem>>) target_semaphore(%run_scoped3A_220 : memref<!tpu.dma_semaphore, #tpu.memory_space<semaphore_mem>>)
      %dma_wait3A = arith.constant 16 : i32
      %dma_wait3A_235 = arith.constant 0 : i32
      %dma_wait3A_236 = tpu.memref_slice %arg6[%dma_wait3A, %dma_wait3A_235] : memref<96x128xi32, #tpu.memory_space<vmem>> -> memref<8x128xi32, #tpu.memory_space<vmem>>
      %dma_wait3A_237 = arith.constant 0 : i32
      %dma_wait3A_238 = arith.constant 0 : i32
      %dma_wait3A_239 = tpu.memref_slice %arg3[%run_scoped3A_14, %add3A_13, %dma_wait3A_237, %dma_wait3A_238] : memref<3x128x8x128xi32, #tpu.memory_space<hbm>> -> memref<1x1x8x128xi32, #tpu.memory_space<hbm>>
      %dma_wait3A_240 = tpu.memref_squeeze %dma_wait3A_239 : memref<1x1x8x128xi32, #tpu.memory_space<hbm>> -> memref<8x128xi32, #tpu.memory_space<hbm>>
      %dma_wait3A_241 = arith.constant 16 : i32
      %dma_wait3A_242 = arith.constant 0 : i32
      %dma_wait3A_243 = tpu.memref_slice %arg6[%dma_wait3A_241, %dma_wait3A_242] : memref<96x128xi32, #tpu.memory_space<vmem>> -> memref<8x128xi32, #tpu.memory_space<vmem>>
      %dma_wait3A_244 = arith.constant 0 : i32
      %dma_wait3A_245 = arith.constant 0 : i32
      %dma_wait3A_246 = tpu.memref_slice %arg3[%run_scoped3A_14, %add3A_13, %dma_wait3A_244, %dma_wait3A_245] : memref<3x128x8x128xi32, #tpu.memory_space<hbm>> -> memref<1x1x8x128xi32, #tpu.memory_space<hbm>>
      %dma_wait3A_247 = tpu.memref_squeeze %dma_wait3A_246 : memref<1x1x8x128xi32, #tpu.memory_space<hbm>> -> memref<8x128xi32, #tpu.memory_space<hbm>>
      tpu.wait_dma2 semaphore(%run_scoped3A_220 : memref<!tpu.dma_semaphore, #tpu.memory_space<semaphore_mem>>) src(%dma_wait3A_247 : memref<8x128xi32, #tpu.memory_space<hbm>>) dst(%dma_wait3A_243 : memref<8x128xi32, #tpu.memory_space<vmem>>)
      tpu.yield
    }) : () -> ()
    %mul3A_15 = arith.constant 4 : i32
    %mul3A_16 = arith.muli %add3A, %mul3A_15 : i32
    %add3A_17 = arith.constant 1 : i32
    %add3A_18 = arith.addi %mul3A_16, %add3A_17 : i32
    %run_scoped3A_19 = arith.constant 0 : i32
    "tpu.region"() ({
      %run_scoped3A_220 = tpu.sem_alloc : memref<!tpu.dma_semaphore, #tpu.memory_space<semaphore_mem>>
      %dma_start3A_221 = arith.constant 24 : i32
      %dma_start3A_222 = arith.constant 0 : i32
      %dma_start3A_223 = tpu.memref_slice %arg6[%dma_start3A_221, %dma_start3A_222] : memref<96x128xi32, #tpu.memory_space<vmem>> -> memref<8x128xi32, #tpu.memory_space<vmem>>
      %dma_start3A_224 = arith.constant 0 : i32
      %dma_start3A_225 = arith.constant 0 : i32
      %dma_start3A_226 = tpu.memref_slice %arg3[%run_scoped3A_19, %add3A_18, %dma_start3A_224, %dma_start3A_225] : memref<3x128x8x128xi32, #tpu.memory_space<hbm>> -> memref<1x1x8x128xi32, #tpu.memory_space<hbm>>
      %dma_start3A_227 = tpu.memref_squeeze %dma_start3A_226 : memref<1x1x8x128xi32, #tpu.memory_space<hbm>> -> memref<8x128xi32, #tpu.memory_space<hbm>>
      %dma_start3A_228 = arith.constant 24 : i32
      %dma_start3A_229 = arith.constant 0 : i32
      %dma_start3A_230 = tpu.memref_slice %arg6[%dma_start3A_228, %dma_start3A_229] : memref<96x128xi32, #tpu.memory_space<vmem>> -> memref<8x128xi32, #tpu.memory_space<vmem>>
      %dma_start3A_231 = arith.constant 0 : i32
      %dma_start3A_232 = arith.constant 0 : i32
      %dma_start3A_233 = tpu.memref_slice %arg3[%run_scoped3A_19, %add3A_18, %dma_start3A_231, %dma_start3A_232] : memref<3x128x8x128xi32, #tpu.memory_space<hbm>> -> memref<1x1x8x128xi32, #tpu.memory_space<hbm>>
      %dma_start3A_234 = tpu.memref_squeeze %dma_start3A_233 : memref<1x1x8x128xi32, #tpu.memory_space<hbm>> -> memref<8x128xi32, #tpu.memory_space<hbm>>
      tpu.enqueue_dma source(%dma_start3A_234 : memref<8x128xi32, #tpu.memory_space<hbm>>) target(%dma_start3A_230 : memref<8x128xi32, #tpu.memory_space<vmem>>) target_semaphore(%run_scoped3A_220 : memref<!tpu.dma_semaphore, #tpu.memory_space<semaphore_mem>>)
      %dma_wait3A = arith.constant 24 : i32
      %dma_wait3A_235 = arith.constant 0 : i32
      %dma_wait3A_236 = tpu.memref_slice %arg6[%dma_wait3A, %dma_wait3A_235] : memref<96x128xi32, #tpu.memory_space<vmem>> -> memref<8x128xi32, #tpu.memory_space<vmem>>
      %dma_wait3A_237 = arith.constant 0 : i32
      %dma_wait3A_238 = arith.constant 0 : i32
      %dma_wait3A_239 = tpu.memref_slice %arg3[%run_scoped3A_19, %add3A_18, %dma_wait3A_237, %dma_wait3A_238] : memref<3x128x8x128xi32, #tpu.memory_space<hbm>> -> memref<1x1x8x128xi32, #tpu.memory_space<hbm>>
      %dma_wait3A_240 = tpu.memref_squeeze %dma_wait3A_239 : memref<1x1x8x128xi32, #tpu.memory_space<hbm>> -> memref<8x128xi32, #tpu.memory_space<hbm>>
      %dma_wait3A_241 = arith.constant 24 : i32
      %dma_wait3A_242 = arith.constant 0 : i32
      %dma_wait3A_243 = tpu.memref_slice %arg6[%dma_wait3A_241, %dma_wait3A_242] : memref<96x128xi32, #tpu.memory_space<vmem>> -> memref<8x128xi32, #tpu.memory_space<vmem>>
      %dma_wait3A_244 = arith.constant 0 : i32
      %dma_wait3A_245 = arith.constant 0 : i32
      %dma_wait3A_246 = tpu.memref_slice %arg3[%run_scoped3A_19, %add3A_18, %dma_wait3A_244, %dma_wait3A_245] : memref<3x128x8x128xi32, #tpu.memory_space<hbm>> -> memref<1x1x8x128xi32, #tpu.memory_space<hbm>>
      %dma_wait3A_247 = tpu.memref_squeeze %dma_wait3A_246 : memref<1x1x8x128xi32, #tpu.memory_space<hbm>> -> memref<8x128xi32, #tpu.memory_space<hbm>>
      tpu.wait_dma2 semaphore(%run_scoped3A_220 : memref<!tpu.dma_semaphore, #tpu.memory_space<semaphore_mem>>) src(%dma_wait3A_247 : memref<8x128xi32, #tpu.memory_space<hbm>>) dst(%dma_wait3A_243 : memref<8x128xi32, #tpu.memory_space<vmem>>)
      tpu.yield
    }) : () -> ()
    %mul3A_20 = arith.constant 4 : i32
    %mul3A_21 = arith.muli %add3A, %mul3A_20 : i32
    %add3A_22 = arith.constant 1 : i32
    %add3A_23 = arith.addi %mul3A_21, %add3A_22 : i32
    %run_scoped3A_24 = arith.constant 1 : i32
    "tpu.region"() ({
      %run_scoped3A_220 = tpu.sem_alloc : memref<!tpu.dma_semaphore, #tpu.memory_space<semaphore_mem>>
      %dma_start3A_221 = arith.constant 32 : i32
      %dma_start3A_222 = arith.constant 0 : i32
      %dma_start3A_223 = tpu.memref_slice %arg6[%dma_start3A_221, %dma_start3A_222] : memref<96x128xi32, #tpu.memory_space<vmem>> -> memref<8x128xi32, #tpu.memory_space<vmem>>
      %dma_start3A_224 = arith.constant 0 : i32
      %dma_start3A_225 = arith.constant 0 : i32
      %dma_start3A_226 = tpu.memref_slice %arg3[%run_scoped3A_24, %add3A_23, %dma_start3A_224, %dma_start3A_225] : memref<3x128x8x128xi32, #tpu.memory_space<hbm>> -> memref<1x1x8x128xi32, #tpu.memory_space<hbm>>
      %dma_start3A_227 = tpu.memref_squeeze %dma_start3A_226 : memref<1x1x8x128xi32, #tpu.memory_space<hbm>> -> memref<8x128xi32, #tpu.memory_space<hbm>>
      %dma_start3A_228 = arith.constant 32 : i32
      %dma_start3A_229 = arith.constant 0 : i32
      %dma_start3A_230 = tpu.memref_slice %arg6[%dma_start3A_228, %dma_start3A_229] : memref<96x128xi32, #tpu.memory_space<vmem>> -> memref<8x128xi32, #tpu.memory_space<vmem>>
      %dma_start3A_231 = arith.constant 0 : i32
      %dma_start3A_232 = arith.constant 0 : i32
      %dma_start3A_233 = tpu.memref_slice %arg3[%run_scoped3A_24, %add3A_23, %dma_start3A_231, %dma_start3A_232] : memref<3x128x8x128xi32, #tpu.memory_space<hbm>> -> memref<1x1x8x128xi32, #tpu.memory_space<hbm>>
      %dma_start3A_234 = tpu.memref_squeeze %dma_start3A_233 : memref<1x1x8x128xi32, #tpu.memory_space<hbm>> -> memref<8x128xi32, #tpu.memory_space<hbm>>
      tpu.enqueue_dma source(%dma_start3A_234 : memref<8x128xi32, #tpu.memory_space<hbm>>) target(%dma_start3A_230 : memref<8x128xi32, #tpu.memory_space<vmem>>) target_semaphore(%run_scoped3A_220 : memref<!tpu.dma_semaphore, #tpu.memory_space<semaphore_mem>>)
      %dma_wait3A = arith.constant 32 : i32
      %dma_wait3A_235 = arith.constant 0 : i32
      %dma_wait3A_236 = tpu.memref_slice %arg6[%dma_wait3A, %dma_wait3A_235] : memref<96x128xi32, #tpu.memory_space<vmem>> -> memref<8x128xi32, #tpu.memory_space<vmem>>
      %dma_wait3A_237 = arith.constant 0 : i32
      %dma_wait3A_238 = arith.constant 0 : i32
      %dma_wait3A_239 = tpu.memref_slice %arg3[%run_scoped3A_24, %add3A_23, %dma_wait3A_237, %dma_wait3A_238] : memref<3x128x8x128xi32, #tpu.memory_space<hbm>> -> memref<1x1x8x128xi32, #tpu.memory_space<hbm>>
      %dma_wait3A_240 = tpu.memref_squeeze %dma_wait3A_239 : memref<1x1x8x128xi32, #tpu.memory_space<hbm>> -> memref<8x128xi32, #tpu.memory_space<hbm>>
      %dma_wait3A_241 = arith.constant 32 : i32
      %dma_wait3A_242 = arith.constant 0 : i32
      %dma_wait3A_243 = tpu.memref_slice %arg6[%dma_wait3A_241, %dma_wait3A_242] : memref<96x128xi32, #tpu.memory_space<vmem>> -> memref<8x128xi32, #tpu.memory_space<vmem>>
      %dma_wait3A_244 = arith.constant 0 : i32
      %dma_wait3A_245 = arith.constant 0 : i32
      %dma_wait3A_246 = tpu.memref_slice %arg3[%run_scoped3A_24, %add3A_23, %dma_wait3A_244, %dma_wait3A_245] : memref<3x128x8x128xi32, #tpu.memory_space<hbm>> -> memref<1x1x8x128xi32, #tpu.memory_space<hbm>>
      %dma_wait3A_247 = tpu.memref_squeeze %dma_wait3A_246 : memref<1x1x8x128xi32, #tpu.memory_space<hbm>> -> memref<8x128xi32, #tpu.memory_space<hbm>>
      tpu.wait_dma2 semaphore(%run_scoped3A_220 : memref<!tpu.dma_semaphore, #tpu.memory_space<semaphore_mem>>) src(%dma_wait3A_247 : memref<8x128xi32, #tpu.memory_space<hbm>>) dst(%dma_wait3A_243 : memref<8x128xi32, #tpu.memory_space<vmem>>)
      tpu.yield
    }) : () -> ()
    %mul3A_25 = arith.constant 4 : i32
    %mul3A_26 = arith.muli %add3A, %mul3A_25 : i32
    %add3A_27 = arith.constant 1 : i32
    %add3A_28 = arith.addi %mul3A_26, %add3A_27 : i32
    %run_scoped3A_29 = arith.constant 2 : i32
    "tpu.region"() ({
      %run_scoped3A_220 = tpu.sem_alloc : memref<!tpu.dma_semaphore, #tpu.memory_space<semaphore_mem>>
      %dma_start3A_221 = arith.constant 40 : i32
      %dma_start3A_222 = arith.constant 0 : i32
      %dma_start3A_223 = tpu.memref_slice %arg6[%dma_start3A_221, %dma_start3A_222] : memref<96x128xi32, #tpu.memory_space<vmem>> -> memref<8x128xi32, #tpu.memory_space<vmem>>
      %dma_start3A_224 = arith.constant 0 : i32
      %dma_start3A_225 = arith.constant 0 : i32
      %dma_start3A_226 = tpu.memref_slice %arg3[%run_scoped3A_29, %add3A_28, %dma_start3A_224, %dma_start3A_225] : memref<3x128x8x128xi32, #tpu.memory_space<hbm>> -> memref<1x1x8x128xi32, #tpu.memory_space<hbm>>
      %dma_start3A_227 = tpu.memref_squeeze %dma_start3A_226 : memref<1x1x8x128xi32, #tpu.memory_space<hbm>> -> memref<8x128xi32, #tpu.memory_space<hbm>>
      %dma_start3A_228 = arith.constant 40 : i32
      %dma_start3A_229 = arith.constant 0 : i32
      %dma_start3A_230 = tpu.memref_slice %arg6[%dma_start3A_228, %dma_start3A_229] : memref<96x128xi32, #tpu.memory_space<vmem>> -> memref<8x128xi32, #tpu.memory_space<vmem>>
      %dma_start3A_231 = arith.constant 0 : i32
      %dma_start3A_232 = arith.constant 0 : i32
      %dma_start3A_233 = tpu.memref_slice %arg3[%run_scoped3A_29, %add3A_28, %dma_start3A_231, %dma_start3A_232] : memref<3x128x8x128xi32, #tpu.memory_space<hbm>> -> memref<1x1x8x128xi32, #tpu.memory_space<hbm>>
      %dma_start3A_234 = tpu.memref_squeeze %dma_start3A_233 : memref<1x1x8x128xi32, #tpu.memory_space<hbm>> -> memref<8x128xi32, #tpu.memory_space<hbm>>
      tpu.enqueue_dma source(%dma_start3A_234 : memref<8x128xi32, #tpu.memory_space<hbm>>) target(%dma_start3A_230 : memref<8x128xi32, #tpu.memory_space<vmem>>) target_semaphore(%run_scoped3A_220 : memref<!tpu.dma_semaphore, #tpu.memory_space<semaphore_mem>>)
      %dma_wait3A = arith.constant 40 : i32
      %dma_wait3A_235 = arith.constant 0 : i32
      %dma_wait3A_236 = tpu.memref_slice %arg6[%dma_wait3A, %dma_wait3A_235] : memref<96x128xi32, #tpu.memory_space<vmem>> -> memref<8x128xi32, #tpu.memory_space<vmem>>
      %dma_wait3A_237 = arith.constant 0 : i32
      %dma_wait3A_238 = arith.constant 0 : i32
      %dma_wait3A_239 = tpu.memref_slice %arg3[%run_scoped3A_29, %add3A_28, %dma_wait3A_237, %dma_wait3A_238] : memref<3x128x8x128xi32, #tpu.memory_space<hbm>> -> memref<1x1x8x128xi32, #tpu.memory_space<hbm>>
      %dma_wait3A_240 = tpu.memref_squeeze %dma_wait3A_239 : memref<1x1x8x128xi32, #tpu.memory_space<hbm>> -> memref<8x128xi32, #tpu.memory_space<hbm>>
      %dma_wait3A_241 = arith.constant 40 : i32
      %dma_wait3A_242 = arith.constant 0 : i32
      %dma_wait3A_243 = tpu.memref_slice %arg6[%dma_wait3A_241, %dma_wait3A_242] : memref<96x128xi32, #tpu.memory_space<vmem>> -> memref<8x128xi32, #tpu.memory_space<vmem>>
      %dma_wait3A_244 = arith.constant 0 : i32
      %dma_wait3A_245 = arith.constant 0 : i32
      %dma_wait3A_246 = tpu.memref_slice %arg3[%run_scoped3A_29, %add3A_28, %dma_wait3A_244, %dma_wait3A_245] : memref<3x128x8x128xi32, #tpu.memory_space<hbm>> -> memref<1x1x8x128xi32, #tpu.memory_space<hbm>>
      %dma_wait3A_247 = tpu.memref_squeeze %dma_wait3A_246 : memref<1x1x8x128xi32, #tpu.memory_space<hbm>> -> memref<8x128xi32, #tpu.memory_space<hbm>>
      tpu.wait_dma2 semaphore(%run_scoped3A_220 : memref<!tpu.dma_semaphore, #tpu.memory_space<semaphore_mem>>) src(%dma_wait3A_247 : memref<8x128xi32, #tpu.memory_space<hbm>>) dst(%dma_wait3A_243 : memref<8x128xi32, #tpu.memory_space<vmem>>)
      tpu.yield
    }) : () -> ()
    %mul3A_30 = arith.constant 4 : i32
    %mul3A_31 = arith.muli %add3A, %mul3A_30 : i32
    %add3A_32 = arith.constant 2 : i32
    %add3A_33 = arith.addi %mul3A_31, %add3A_32 : i32
    %run_scoped3A_34 = arith.constant 0 : i32
    "tpu.region"() ({
      %run_scoped3A_220 = tpu.sem_alloc : memref<!tpu.dma_semaphore, #tpu.memory_space<semaphore_mem>>
      %dma_start3A_221 = arith.constant 48 : i32
      %dma_start3A_222 = arith.constant 0 : i32
      %dma_start3A_223 = tpu.memref_slice %arg6[%dma_start3A_221, %dma_start3A_222] : memref<96x128xi32, #tpu.memory_space<vmem>> -> memref<8x128xi32, #tpu.memory_space<vmem>>
      %dma_start3A_224 = arith.constant 0 : i32
      %dma_start3A_225 = arith.constant 0 : i32
      %dma_start3A_226 = tpu.memref_slice %arg3[%run_scoped3A_34, %add3A_33, %dma_start3A_224, %dma_start3A_225] : memref<3x128x8x128xi32, #tpu.memory_space<hbm>> -> memref<1x1x8x128xi32, #tpu.memory_space<hbm>>
      %dma_start3A_227 = tpu.memref_squeeze %dma_start3A_226 : memref<1x1x8x128xi32, #tpu.memory_space<hbm>> -> memref<8x128xi32, #tpu.memory_space<hbm>>
      %dma_start3A_228 = arith.constant 48 : i32
      %dma_start3A_229 = arith.constant 0 : i32
      %dma_start3A_230 = tpu.memref_slice %arg6[%dma_start3A_228, %dma_start3A_229] : memref<96x128xi32, #tpu.memory_space<vmem>> -> memref<8x128xi32, #tpu.memory_space<vmem>>
      %dma_start3A_231 = arith.constant 0 : i32
      %dma_start3A_232 = arith.constant 0 : i32
      %dma_start3A_233 = tpu.memref_slice %arg3[%run_scoped3A_34, %add3A_33, %dma_start3A_231, %dma_start3A_232] : memref<3x128x8x128xi32, #tpu.memory_space<hbm>> -> memref<1x1x8x128xi32, #tpu.memory_space<hbm>>
      %dma_start3A_234 = tpu.memref_squeeze %dma_start3A_233 : memref<1x1x8x128xi32, #tpu.memory_space<hbm>> -> memref<8x128xi32, #tpu.memory_space<hbm>>
      tpu.enqueue_dma source(%dma_start3A_234 : memref<8x128xi32, #tpu.memory_space<hbm>>) target(%dma_start3A_230 : memref<8x128xi32, #tpu.memory_space<vmem>>) target_semaphore(%run_scoped3A_220 : memref<!tpu.dma_semaphore, #tpu.memory_space<semaphore_mem>>)
      %dma_wait3A = arith.constant 48 : i32
      %dma_wait3A_235 = arith.constant 0 : i32
      %dma_wait3A_236 = tpu.memref_slice %arg6[%dma_wait3A, %dma_wait3A_235] : memref<96x128xi32, #tpu.memory_space<vmem>> -> memref<8x128xi32, #tpu.memory_space<vmem>>
      %dma_wait3A_237 = arith.constant 0 : i32
      %dma_wait3A_238 = arith.constant 0 : i32
      %dma_wait3A_239 = tpu.memref_slice %arg3[%run_scoped3A_34, %add3A_33, %dma_wait3A_237, %dma_wait3A_238] : memref<3x128x8x128xi32, #tpu.memory_space<hbm>> -> memref<1x1x8x128xi32, #tpu.memory_space<hbm>>
      %dma_wait3A_240 = tpu.memref_squeeze %dma_wait3A_239 : memref<1x1x8x128xi32, #tpu.memory_space<hbm>> -> memref<8x128xi32, #tpu.memory_space<hbm>>
      %dma_wait3A_241 = arith.constant 48 : i32
      %dma_wait3A_242 = arith.constant 0 : i32
      %dma_wait3A_243 = tpu.memref_slice %arg6[%dma_wait3A_241, %dma_wait3A_242] : memref<96x128xi32, #tpu.memory_space<vmem>> -> memref<8x128xi32, #tpu.memory_space<vmem>>
      %dma_wait3A_244 = arith.constant 0 : i32
      %dma_wait3A_245 = arith.constant 0 : i32
      %dma_wait3A_246 = tpu.memref_slice %arg3[%run_scoped3A_34, %add3A_33, %dma_wait3A_244, %dma_wait3A_245] : memref<3x128x8x128xi32, #tpu.memory_space<hbm>> -> memref<1x1x8x128xi32, #tpu.memory_space<hbm>>
      %dma_wait3A_247 = tpu.memref_squeeze %dma_wait3A_246 : memref<1x1x8x128xi32, #tpu.memory_space<hbm>> -> memref<8x128xi32, #tpu.memory_space<hbm>>
      tpu.wait_dma2 semaphore(%run_scoped3A_220 : memref<!tpu.dma_semaphore, #tpu.memory_space<semaphore_mem>>) src(%dma_wait3A_247 : memref<8x128xi32, #tpu.memory_space<hbm>>) dst(%dma_wait3A_243 : memref<8x128xi32, #tpu.memory_space<vmem>>)
      tpu.yield
    }) : () -> ()
    %mul3A_35 = arith.constant 4 : i32
    %mul3A_36 = arith.muli %add3A, %mul3A_35 : i32
    %add3A_37 = arith.constant 2 : i32
    %add3A_38 = arith.addi %mul3A_36, %add3A_37 : i32
    %run_scoped3A_39 = arith.constant 1 : i32
    "tpu.region"() ({
      %run_scoped3A_220 = tpu.sem_alloc : memref<!tpu.dma_semaphore, #tpu.memory_space<semaphore_mem>>
      %dma_start3A_221 = arith.constant 56 : i32
      %dma_start3A_222 = arith.constant 0 : i32
      %dma_start3A_223 = tpu.memref_slice %arg6[%dma_start3A_221, %dma_start3A_222] : memref<96x128xi32, #tpu.memory_space<vmem>> -> memref<8x128xi32, #tpu.memory_space<vmem>>
      %dma_start3A_224 = arith.constant 0 : i32
      %dma_start3A_225 = arith.constant 0 : i32
      %dma_start3A_226 = tpu.memref_slice %arg3[%run_scoped3A_39, %add3A_38, %dma_start3A_224, %dma_start3A_225] : memref<3x128x8x128xi32, #tpu.memory_space<hbm>> -> memref<1x1x8x128xi32, #tpu.memory_space<hbm>>
      %dma_start3A_227 = tpu.memref_squeeze %dma_start3A_226 : memref<1x1x8x128xi32, #tpu.memory_space<hbm>> -> memref<8x128xi32, #tpu.memory_space<hbm>>
      %dma_start3A_228 = arith.constant 56 : i32
      %dma_start3A_229 = arith.constant 0 : i32
      %dma_start3A_230 = tpu.memref_slice %arg6[%dma_start3A_228, %dma_start3A_229] : memref<96x128xi32, #tpu.memory_space<vmem>> -> memref<8x128xi32, #tpu.memory_space<vmem>>
      %dma_start3A_231 = arith.constant 0 : i32
      %dma_start3A_232 = arith.constant 0 : i32
      %dma_start3A_233 = tpu.memref_slice %arg3[%run_scoped3A_39, %add3A_38, %dma_start3A_231, %dma_start3A_232] : memref<3x128x8x128xi32, #tpu.memory_space<hbm>> -> memref<1x1x8x128xi32, #tpu.memory_space<hbm>>
      %dma_start3A_234 = tpu.memref_squeeze %dma_start3A_233 : memref<1x1x8x128xi32, #tpu.memory_space<hbm>> -> memref<8x128xi32, #tpu.memory_space<hbm>>
      tpu.enqueue_dma source(%dma_start3A_234 : memref<8x128xi32, #tpu.memory_space<hbm>>) target(%dma_start3A_230 : memref<8x128xi32, #tpu.memory_space<vmem>>) target_semaphore(%run_scoped3A_220 : memref<!tpu.dma_semaphore, #tpu.memory_space<semaphore_mem>>)
      %dma_wait3A = arith.constant 56 : i32
      %dma_wait3A_235 = arith.constant 0 : i32
      %dma_wait3A_236 = tpu.memref_slice %arg6[%dma_wait3A, %dma_wait3A_235] : memref<96x128xi32, #tpu.memory_space<vmem>> -> memref<8x128xi32, #tpu.memory_space<vmem>>
      %dma_wait3A_237 = arith.constant 0 : i32
      %dma_wait3A_238 = arith.constant 0 : i32
      %dma_wait3A_239 = tpu.memref_slice %arg3[%run_scoped3A_39, %add3A_38, %dma_wait3A_237, %dma_wait3A_238] : memref<3x128x8x128xi32, #tpu.memory_space<hbm>> -> memref<1x1x8x128xi32, #tpu.memory_space<hbm>>
      %dma_wait3A_240 = tpu.memref_squeeze %dma_wait3A_239 : memref<1x1x8x128xi32, #tpu.memory_space<hbm>> -> memref<8x128xi32, #tpu.memory_space<hbm>>
      %dma_wait3A_241 = arith.constant 56 : i32
      %dma_wait3A_242 = arith.constant 0 : i32
      %dma_wait3A_243 = tpu.memref_slice %arg6[%dma_wait3A_241, %dma_wait3A_242] : memref<96x128xi32, #tpu.memory_space<vmem>> -> memref<8x128xi32, #tpu.memory_space<vmem>>
      %dma_wait3A_244 = arith.constant 0 : i32
      %dma_wait3A_245 = arith.constant 0 : i32
      %dma_wait3A_246 = tpu.memref_slice %arg3[%run_scoped3A_39, %add3A_38, %dma_wait3A_244, %dma_wait3A_245] : memref<3x128x8x128xi32, #tpu.memory_space<hbm>> -> memref<1x1x8x128xi32, #tpu.memory_space<hbm>>
      %dma_wait3A_247 = tpu.memref_squeeze %dma_wait3A_246 : memref<1x1x8x128xi32, #tpu.memory_space<hbm>> -> memref<8x128xi32, #tpu.memory_space<hbm>>
      tpu.wait_dma2 semaphore(%run_scoped3A_220 : memref<!tpu.dma_semaphore, #tpu.memory_space<semaphore_mem>>) src(%dma_wait3A_247 : memref<8x128xi32, #tpu.memory_space<hbm>>) dst(%dma_wait3A_243 : memref<8x128xi32, #tpu.memory_space<vmem>>)
      tpu.yield
    }) : () -> ()
    %mul3A_40 = arith.constant 4 : i32
    %mul3A_41 = arith.muli %add3A, %mul3A_40 : i32
    %add3A_42 = arith.constant 2 : i32
    %add3A_43 = arith.addi %mul3A_41, %add3A_42 : i32
    %run_scoped3A_44 = arith.constant 2 : i32
    "tpu.region"() ({
      %run_scoped3A_220 = tpu.sem_alloc : memref<!tpu.dma_semaphore, #tpu.memory_space<semaphore_mem>>
      %dma_start3A_221 = arith.constant 64 : i32
      %dma_start3A_222 = arith.constant 0 : i32
      %dma_start3A_223 = tpu.memref_slice %arg6[%dma_start3A_221, %dma_start3A_222] : memref<96x128xi32, #tpu.memory_space<vmem>> -> memref<8x128xi32, #tpu.memory_space<vmem>>
      %dma_start3A_224 = arith.constant 0 : i32
      %dma_start3A_225 = arith.constant 0 : i32
      %dma_start3A_226 = tpu.memref_slice %arg3[%run_scoped3A_44, %add3A_43, %dma_start3A_224, %dma_start3A_225] : memref<3x128x8x128xi32, #tpu.memory_space<hbm>> -> memref<1x1x8x128xi32, #tpu.memory_space<hbm>>
      %dma_start3A_227 = tpu.memref_squeeze %dma_start3A_226 : memref<1x1x8x128xi32, #tpu.memory_space<hbm>> -> memref<8x128xi32, #tpu.memory_space<hbm>>
      %dma_start3A_228 = arith.constant 64 : i32
      %dma_start3A_229 = arith.constant 0 : i32
      %dma_start3A_230 = tpu.memref_slice %arg6[%dma_start3A_228, %dma_start3A_229] : memref<96x128xi32, #tpu.memory_space<vmem>> -> memref<8x128xi32, #tpu.memory_space<vmem>>
      %dma_start3A_231 = arith.constant 0 : i32
      %dma_start3A_232 = arith.constant 0 : i32
      %dma_start3A_233 = tpu.memref_slice %arg3[%run_scoped3A_44, %add3A_43, %dma_start3A_231, %dma_start3A_232] : memref<3x128x8x128xi32, #tpu.memory_space<hbm>> -> memref<1x1x8x128xi32, #tpu.memory_space<hbm>>
      %dma_start3A_234 = tpu.memref_squeeze %dma_start3A_233 : memref<1x1x8x128xi32, #tpu.memory_space<hbm>> -> memref<8x128xi32, #tpu.memory_space<hbm>>
      tpu.enqueue_dma source(%dma_start3A_234 : memref<8x128xi32, #tpu.memory_space<hbm>>) target(%dma_start3A_230 : memref<8x128xi32, #tpu.memory_space<vmem>>) target_semaphore(%run_scoped3A_220 : memref<!tpu.dma_semaphore, #tpu.memory_space<semaphore_mem>>)
      %dma_wait3A = arith.constant 64 : i32
      %dma_wait3A_235 = arith.constant 0 : i32
      %dma_wait3A_236 = tpu.memref_slice %arg6[%dma_wait3A, %dma_wait3A_235] : memref<96x128xi32, #tpu.memory_space<vmem>> -> memref<8x128xi32, #tpu.memory_space<vmem>>
      %dma_wait3A_237 = arith.constant 0 : i32
      %dma_wait3A_238 = arith.constant 0 : i32
      %dma_wait3A_239 = tpu.memref_slice %arg3[%run_scoped3A_44, %add3A_43, %dma_wait3A_237, %dma_wait3A_238] : memref<3x128x8x128xi32, #tpu.memory_space<hbm>> -> memref<1x1x8x128xi32, #tpu.memory_space<hbm>>
      %dma_wait3A_240 = tpu.memref_squeeze %dma_wait3A_239 : memref<1x1x8x128xi32, #tpu.memory_space<hbm>> -> memref<8x128xi32, #tpu.memory_space<hbm>>
      %dma_wait3A_241 = arith.constant 64 : i32
      %dma_wait3A_242 = arith.constant 0 : i32
      %dma_wait3A_243 = tpu.memref_slice %arg6[%dma_wait3A_241, %dma_wait3A_242] : memref<96x128xi32, #tpu.memory_space<vmem>> -> memref<8x128xi32, #tpu.memory_space<vmem>>
      %dma_wait3A_244 = arith.constant 0 : i32
      %dma_wait3A_245 = arith.constant 0 : i32
      %dma_wait3A_246 = tpu.memref_slice %arg3[%run_scoped3A_44, %add3A_43, %dma_wait3A_244, %dma_wait3A_245] : memref<3x128x8x128xi32, #tpu.memory_space<hbm>> -> memref<1x1x8x128xi32, #tpu.memory_space<hbm>>
      %dma_wait3A_247 = tpu.memref_squeeze %dma_wait3A_246 : memref<1x1x8x128xi32, #tpu.memory_space<hbm>> -> memref<8x128xi32, #tpu.memory_space<hbm>>
      tpu.wait_dma2 semaphore(%run_scoped3A_220 : memref<!tpu.dma_semaphore, #tpu.memory_space<semaphore_mem>>) src(%dma_wait3A_247 : memref<8x128xi32, #tpu.memory_space<hbm>>) dst(%dma_wait3A_243 : memref<8x128xi32, #tpu.memory_space<vmem>>)
      tpu.yield
    }) : () -> ()
    %mul3A_45 = arith.constant 4 : i32
    %mul3A_46 = arith.muli %add3A, %mul3A_45 : i32
    %add3A_47 = arith.constant 3 : i32
    %add3A_48 = arith.addi %mul3A_46, %add3A_47 : i32
    %run_scoped3A_49 = arith.constant 0 : i32
    "tpu.region"() ({
      %run_scoped3A_220 = tpu.sem_alloc : memref<!tpu.dma_semaphore, #tpu.memory_space<semaphore_mem>>
      %dma_start3A_221 = arith.constant 72 : i32
      %dma_start3A_222 = arith.constant 0 : i32
      %dma_start3A_223 = tpu.memref_slice %arg6[%dma_start3A_221, %dma_start3A_222] : memref<96x128xi32, #tpu.memory_space<vmem>> -> memref<8x128xi32, #tpu.memory_space<vmem>>
      %dma_start3A_224 = arith.constant 0 : i32
      %dma_start3A_225 = arith.constant 0 : i32
      %dma_start3A_226 = tpu.memref_slice %arg3[%run_scoped3A_49, %add3A_48, %dma_start3A_224, %dma_start3A_225] : memref<3x128x8x128xi32, #tpu.memory_space<hbm>> -> memref<1x1x8x128xi32, #tpu.memory_space<hbm>>
      %dma_start3A_227 = tpu.memref_squeeze %dma_start3A_226 : memref<1x1x8x128xi32, #tpu.memory_space<hbm>> -> memref<8x128xi32, #tpu.memory_space<hbm>>
      %dma_start3A_228 = arith.constant 72 : i32
      %dma_start3A_229 = arith.constant 0 : i32
      %dma_start3A_230 = tpu.memref_slice %arg6[%dma_start3A_228, %dma_start3A_229] : memref<96x128xi32, #tpu.memory_space<vmem>> -> memref<8x128xi32, #tpu.memory_space<vmem>>
      %dma_start3A_231 = arith.constant 0 : i32
      %dma_start3A_232 = arith.constant 0 : i32
      %dma_start3A_233 = tpu.memref_slice %arg3[%run_scoped3A_49, %add3A_48, %dma_start3A_231, %dma_start3A_232] : memref<3x128x8x128xi32, #tpu.memory_space<hbm>> -> memref<1x1x8x128xi32, #tpu.memory_space<hbm>>
      %dma_start3A_234 = tpu.memref_squeeze %dma_start3A_233 : memref<1x1x8x128xi32, #tpu.memory_space<hbm>> -> memref<8x128xi32, #tpu.memory_space<hbm>>
      tpu.enqueue_dma source(%dma_start3A_234 : memref<8x128xi32, #tpu.memory_space<hbm>>) target(%dma_start3A_230 : memref<8x128xi32, #tpu.memory_space<vmem>>) target_semaphore(%run_scoped3A_220 : memref<!tpu.dma_semaphore, #tpu.memory_space<semaphore_mem>>)
      %dma_wait3A = arith.constant 72 : i32
      %dma_wait3A_235 = arith.constant 0 : i32
      %dma_wait3A_236 = tpu.memref_slice %arg6[%dma_wait3A, %dma_wait3A_235] : memref<96x128xi32, #tpu.memory_space<vmem>> -> memref<8x128xi32, #tpu.memory_space<vmem>>
      %dma_wait3A_237 = arith.constant 0 : i32
      %dma_wait3A_238 = arith.constant 0 : i32
      %dma_wait3A_239 = tpu.memref_slice %arg3[%run_scoped3A_49, %add3A_48, %dma_wait3A_237, %dma_wait3A_238] : memref<3x128x8x128xi32, #tpu.memory_space<hbm>> -> memref<1x1x8x128xi32, #tpu.memory_space<hbm>>
      %dma_wait3A_240 = tpu.memref_squeeze %dma_wait3A_239 : memref<1x1x8x128xi32, #tpu.memory_space<hbm>> -> memref<8x128xi32, #tpu.memory_space<hbm>>
      %dma_wait3A_241 = arith.constant 72 : i32
      %dma_wait3A_242 = arith.constant 0 : i32
      %dma_wait3A_243 = tpu.memref_slice %arg6[%dma_wait3A_241, %dma_wait3A_242] : memref<96x128xi32, #tpu.memory_space<vmem>> -> memref<8x128xi32, #tpu.memory_space<vmem>>
      %dma_wait3A_244 = arith.constant 0 : i32
      %dma_wait3A_245 = arith.constant 0 : i32
      %dma_wait3A_246 = tpu.memref_slice %arg3[%run_scoped3A_49, %add3A_48, %dma_wait3A_244, %dma_wait3A_245] : memref<3x128x8x128xi32, #tpu.memory_space<hbm>> -> memref<1x1x8x128xi32, #tpu.memory_space<hbm>>
      %dma_wait3A_247 = tpu.memref_squeeze %dma_wait3A_246 : memref<1x1x8x128xi32, #tpu.memory_space<hbm>> -> memref<8x128xi32, #tpu.memory_space<hbm>>
      tpu.wait_dma2 semaphore(%run_scoped3A_220 : memref<!tpu.dma_semaphore, #tpu.memory_space<semaphore_mem>>) src(%dma_wait3A_247 : memref<8x128xi32, #tpu.memory_space<hbm>>) dst(%dma_wait3A_243 : memref<8x128xi32, #tpu.memory_space<vmem>>)
      tpu.yield
    }) : () -> ()
    %mul3A_50 = arith.constant 4 : i32
    %mul3A_51 = arith.muli %add3A, %mul3A_50 : i32
    %add3A_52 = arith.constant 3 : i32
    %add3A_53 = arith.addi %mul3A_51, %add3A_52 : i32
    %run_scoped3A_54 = arith.constant 1 : i32
    "tpu.region"() ({
      %run_scoped3A_220 = tpu.sem_alloc : memref<!tpu.dma_semaphore, #tpu.memory_space<semaphore_mem>>
      %dma_start3A_221 = arith.constant 80 : i32
      %dma_start3A_222 = arith.constant 0 : i32
      %dma_start3A_223 = tpu.memref_slice %arg6[%dma_start3A_221, %dma_start3A_222] : memref<96x128xi32, #tpu.memory_space<vmem>> -> memref<8x128xi32, #tpu.memory_space<vmem>>
      %dma_start3A_224 = arith.constant 0 : i32
      %dma_start3A_225 = arith.constant 0 : i32
      %dma_start3A_226 = tpu.memref_slice %arg3[%run_scoped3A_54, %add3A_53, %dma_start3A_224, %dma_start3A_225] : memref<3x128x8x128xi32, #tpu.memory_space<hbm>> -> memref<1x1x8x128xi32, #tpu.memory_space<hbm>>
      %dma_start3A_227 = tpu.memref_squeeze %dma_start3A_226 : memref<1x1x8x128xi32, #tpu.memory_space<hbm>> -> memref<8x128xi32, #tpu.memory_space<hbm>>
      %dma_start3A_228 = arith.constant 80 : i32
      %dma_start3A_229 = arith.constant 0 : i32
      %dma_start3A_230 = tpu.memref_slice %arg6[%dma_start3A_228, %dma_start3A_229] : memref<96x128xi32, #tpu.memory_space<vmem>> -> memref<8x128xi32, #tpu.memory_space<vmem>>
      %dma_start3A_231 = arith.constant 0 : i32
      %dma_start3A_232 = arith.constant 0 : i32
      %dma_start3A_233 = tpu.memref_slice %arg3[%run_scoped3A_54, %add3A_53, %dma_start3A_231, %dma_start3A_232] : memref<3x128x8x128xi32, #tpu.memory_space<hbm>> -> memref<1x1x8x128xi32, #tpu.memory_space<hbm>>
      %dma_start3A_234 = tpu.memref_squeeze %dma_start3A_233 : memref<1x1x8x128xi32, #tpu.memory_space<hbm>> -> memref<8x128xi32, #tpu.memory_space<hbm>>
      tpu.enqueue_dma source(%dma_start3A_234 : memref<8x128xi32, #tpu.memory_space<hbm>>) target(%dma_start3A_230 : memref<8x128xi32, #tpu.memory_space<vmem>>) target_semaphore(%run_scoped3A_220 : memref<!tpu.dma_semaphore, #tpu.memory_space<semaphore_mem>>)
      %dma_wait3A = arith.constant 80 : i32
      %dma_wait3A_235 = arith.constant 0 : i32
      %dma_wait3A_236 = tpu.memref_slice %arg6[%dma_wait3A, %dma_wait3A_235] : memref<96x128xi32, #tpu.memory_space<vmem>> -> memref<8x128xi32, #tpu.memory_space<vmem>>
      %dma_wait3A_237 = arith.constant 0 : i32
      %dma_wait3A_238 = arith.constant 0 : i32
      %dma_wait3A_239 = tpu.memref_slice %arg3[%run_scoped3A_54, %add3A_53, %dma_wait3A_237, %dma_wait3A_238] : memref<3x128x8x128xi32, #tpu.memory_space<hbm>> -> memref<1x1x8x128xi32, #tpu.memory_space<hbm>>
      %dma_wait3A_240 = tpu.memref_squeeze %dma_wait3A_239 : memref<1x1x8x128xi32, #tpu.memory_space<hbm>> -> memref<8x128xi32, #tpu.memory_space<hbm>>
      %dma_wait3A_241 = arith.constant 80 : i32
      %dma_wait3A_242 = arith.constant 0 : i32
      %dma_wait3A_243 = tpu.memref_slice %arg6[%dma_wait3A_241, %dma_wait3A_242] : memref<96x128xi32, #tpu.memory_space<vmem>> -> memref<8x128xi32, #tpu.memory_space<vmem>>
      %dma_wait3A_244 = arith.constant 0 : i32
      %dma_wait3A_245 = arith.constant 0 : i32
      %dma_wait3A_246 = tpu.memref_slice %arg3[%run_scoped3A_54, %add3A_53, %dma_wait3A_244, %dma_wait3A_245] : memref<3x128x8x128xi32, #tpu.memory_space<hbm>> -> memref<1x1x8x128xi32, #tpu.memory_space<hbm>>
      %dma_wait3A_247 = tpu.memref_squeeze %dma_wait3A_246 : memref<1x1x8x128xi32, #tpu.memory_space<hbm>> -> memref<8x128xi32, #tpu.memory_space<hbm>>
      tpu.wait_dma2 semaphore(%run_scoped3A_220 : memref<!tpu.dma_semaphore, #tpu.memory_space<semaphore_mem>>) src(%dma_wait3A_247 : memref<8x128xi32, #tpu.memory_space<hbm>>) dst(%dma_wait3A_243 : memref<8x128xi32, #tpu.memory_space<vmem>>)
      tpu.yield
    }) : () -> ()
    %mul3A_55 = arith.constant 4 : i32
    %mul3A_56 = arith.muli %add3A, %mul3A_55 : i32
    %add3A_57 = arith.constant 3 : i32
    %add3A_58 = arith.addi %mul3A_56, %add3A_57 : i32
    %run_scoped3A_59 = arith.constant 2 : i32
    "tpu.region"() ({
      %run_scoped3A_220 = tpu.sem_alloc : memref<!tpu.dma_semaphore, #tpu.memory_space<semaphore_mem>>
      %dma_start3A_221 = arith.constant 88 : i32
      %dma_start3A_222 = arith.constant 0 : i32
      %dma_start3A_223 = tpu.memref_slice %arg6[%dma_start3A_221, %dma_start3A_222] : memref<96x128xi32, #tpu.memory_space<vmem>> -> memref<8x128xi32, #tpu.memory_space<vmem>>
      %dma_start3A_224 = arith.constant 0 : i32
      %dma_start3A_225 = arith.constant 0 : i32
      %dma_start3A_226 = tpu.memref_slice %arg3[%run_scoped3A_59, %add3A_58, %dma_start3A_224, %dma_start3A_225] : memref<3x128x8x128xi32, #tpu.memory_space<hbm>> -> memref<1x1x8x128xi32, #tpu.memory_space<hbm>>
      %dma_start3A_227 = tpu.memref_squeeze %dma_start3A_226 : memref<1x1x8x128xi32, #tpu.memory_space<hbm>> -> memref<8x128xi32, #tpu.memory_space<hbm>>
      %dma_start3A_228 = arith.constant 88 : i32
      %dma_start3A_229 = arith.constant 0 : i32
      %dma_start3A_230 = tpu.memref_slice %arg6[%dma_start3A_228, %dma_start3A_229] : memref<96x128xi32, #tpu.memory_space<vmem>> -> memref<8x128xi32, #tpu.memory_space<vmem>>
      %dma_start3A_231 = arith.constant 0 : i32
      %dma_start3A_232 = arith.constant 0 : i32
      %dma_start3A_233 = tpu.memref_slice %arg3[%run_scoped3A_59, %add3A_58, %dma_start3A_231, %dma_start3A_232] : memref<3x128x8x128xi32, #tpu.memory_space<hbm>> -> memref<1x1x8x128xi32, #tpu.memory_space<hbm>>
      %dma_start3A_234 = tpu.memref_squeeze %dma_start3A_233 : memref<1x1x8x128xi32, #tpu.memory_space<hbm>> -> memref<8x128xi32, #tpu.memory_space<hbm>>
      tpu.enqueue_dma source(%dma_start3A_234 : memref<8x128xi32, #tpu.memory_space<hbm>>) target(%dma_start3A_230 : memref<8x128xi32, #tpu.memory_space<vmem>>) target_semaphore(%run_scoped3A_220 : memref<!tpu.dma_semaphore, #tpu.memory_space<semaphore_mem>>)
      %dma_wait3A = arith.constant 88 : i32
      %dma_wait3A_235 = arith.constant 0 : i32
      %dma_wait3A_236 = tpu.memref_slice %arg6[%dma_wait3A, %dma_wait3A_235] : memref<96x128xi32, #tpu.memory_space<vmem>> -> memref<8x128xi32, #tpu.memory_space<vmem>>
      %dma_wait3A_237 = arith.constant 0 : i32
      %dma_wait3A_238 = arith.constant 0 : i32
      %dma_wait3A_239 = tpu.memref_slice %arg3[%run_scoped3A_59, %add3A_58, %dma_wait3A_237, %dma_wait3A_238] : memref<3x128x8x128xi32, #tpu.memory_space<hbm>> -> memref<1x1x8x128xi32, #tpu.memory_space<hbm>>
      %dma_wait3A_240 = tpu.memref_squeeze %dma_wait3A_239 : memref<1x1x8x128xi32, #tpu.memory_space<hbm>> -> memref<8x128xi32, #tpu.memory_space<hbm>>
      %dma_wait3A_241 = arith.constant 88 : i32
      %dma_wait3A_242 = arith.constant 0 : i32
      %dma_wait3A_243 = tpu.memref_slice %arg6[%dma_wait3A_241, %dma_wait3A_242] : memref<96x128xi32, #tpu.memory_space<vmem>> -> memref<8x128xi32, #tpu.memory_space<vmem>>
      %dma_wait3A_244 = arith.constant 0 : i32
      %dma_wait3A_245 = arith.constant 0 : i32
      %dma_wait3A_246 = tpu.memref_slice %arg3[%run_scoped3A_59, %add3A_58, %dma_wait3A_244, %dma_wait3A_245] : memref<3x128x8x128xi32, #tpu.memory_space<hbm>> -> memref<1x1x8x128xi32, #tpu.memory_space<hbm>>
      %dma_wait3A_247 = tpu.memref_squeeze %dma_wait3A_246 : memref<1x1x8x128xi32, #tpu.memory_space<hbm>> -> memref<8x128xi32, #tpu.memory_space<hbm>>
      tpu.wait_dma2 semaphore(%run_scoped3A_220 : memref<!tpu.dma_semaphore, #tpu.memory_space<semaphore_mem>>) src(%dma_wait3A_247 : memref<8x128xi32, #tpu.memory_space<hbm>>) dst(%dma_wait3A_243 : memref<8x128xi32, #tpu.memory_space<vmem>>)
      tpu.yield
    }) : () -> ()
    %broadcast_in_dim3A = arith.constant 0.000000e+00 : f32
    %broadcast_in_dim3A_60 = vector.broadcast %broadcast_in_dim3A : f32 to vector<1x16xf32>
    %scan3A = arith.constant 0 : i32
    %scan3A_61 = arith.constant 128 : i32
    %scan3A_62 = arith.addi %scan3A, %scan3A_61 : i32
    %scan3A_63 = arith.constant 1 : i32
    scf.for %scan3A_220 = %scan3A to %scan3A_62 step %scan3A_63  : i32 {
      %mul3A_221 = arith.constant 1 : i32
      %mul3A_222 = arith.muli %scan3A_220, %mul3A_221 : i32
      %add3A_223 = arith.constant 0 : i32
      %add3A_224 = arith.addi %add3A_223, %mul3A_222 : i32
      %swap3A = arith.index_cast %add3A_224 : i32 to index
      %swap3A_225 = arith.constant 0 : index
      %swap3A_226 = tpu.vector_load %arg16[%swap3A, %swap3A_225] {strides = array<i32>} : memref<128x32xf32, #tpu.memory_space<vmem>>, vector<1x16xf32>,
      %swap3A_227 = vector.shape_cast %swap3A_226 : vector<1x16xf32> to vector<1x16xf32>
      %swap3A_228 = vector.shape_cast %broadcast_in_dim3A_60 : vector<1x16xf32> to vector<1x16xf32>
      tpu.vector_store %arg16[%swap3A, %swap3A_225], %swap3A_228 {strides = array<i32>} : memref<128x32xf32, #tpu.memory_space<vmem>>, vector<1x16xf32>,
      %swap3A_229 = arith.index_cast %add3A_224 : i32 to index
      %swap3A_230 = arith.constant 16 : index
      %swap3A_231 = tpu.vector_load %arg16[%swap3A_229, %swap3A_230] {strides = array<i32>} : memref<128x32xf32, #tpu.memory_space<vmem>>, vector<1x16xf32>,
      %swap3A_232 = vector.shape_cast %swap3A_231 : vector<1x16xf32> to vector<1x16xf32>
      %swap3A_233 = vector.shape_cast %broadcast_in_dim3A_60 : vector<1x16xf32> to vector<1x16xf32>
      tpu.vector_store %arg16[%swap3A_229, %swap3A_230], %swap3A_233 {strides = array<i32>} : memref<128x32xf32, #tpu.memory_space<vmem>>, vector<1x16xf32>,
    }
    %scan3A_64 = arith.constant 128 : i32
    %mul3A_65 = arith.constant 512 : i32
    %mul3A_66 = arith.muli %arg1, %mul3A_65 : i32
    %add3A_67 = arith.constant 0 : i32
    %add3A_68 = arith.addi %mul3A_66, %add3A_67 : i32
    "tpu.region"() ({
      %run_scoped3A_220 = tpu.sem_alloc : memref<!tpu.dma_semaphore, #tpu.memory_space<semaphore_mem>>
      %dma_start3A_221 = arith.constant 0 : i32
      %dma_start3A_222 = tpu.memref_slice %arg17[%add3A_68, %dma_start3A_221] : memref<8192x32xf32, #tpu.memory_space<vmem_shared>> -> memref<128x32xf32, #tpu.memory_space<vmem_shared>>
      %dma_start3A_223 = arith.constant 0 : i32
      %dma_start3A_224 = tpu.memref_slice %arg17[%add3A_68, %dma_start3A_223] : memref<8192x32xf32, #tpu.memory_space<vmem_shared>> -> memref<128x32xf32, #tpu.memory_space<vmem_shared>>
      tpu.enqueue_dma source(%arg16 : memref<128x32xf32, #tpu.memory_space<vmem>>) target(%dma_start3A_224 : memref<128x32xf32, #tpu.memory_space<vmem_shared>>) target_semaphore(%run_scoped3A_220 : memref<!tpu.dma_semaphore, #tpu.memory_space<semaphore_mem>>)
      %dma_wait3A = arith.constant 0 : i32
      %dma_wait3A_225 = tpu.memref_slice %arg17[%add3A_68, %dma_wait3A] : memref<8192x32xf32, #tpu.memory_space<vmem_shared>> -> memref<128x32xf32, #tpu.memory_space<vmem_shared>>
      %dma_wait3A_226 = arith.constant 0 : i32
      %dma_wait3A_227 = tpu.memref_slice %arg17[%add3A_68, %dma_wait3A_226] : memref<8192x32xf32, #tpu.memory_space<vmem_shared>> -> memref<128x32xf32, #tpu.memory_space<vmem_shared>>
      tpu.wait_dma2 semaphore(%run_scoped3A_220 : memref<!tpu.dma_semaphore, #tpu.memory_space<semaphore_mem>>) src(%arg16 : memref<128x32xf32, #tpu.memory_space<vmem>>) dst(%dma_wait3A_227 : memref<128x32xf32, #tpu.memory_space<vmem_shared>>)
      tpu.yield
    }) : () -> ()
    %mul3A_69 = arith.constant 512 : i32
    %mul3A_70 = arith.muli %arg1, %mul3A_69 : i32
    %add3A_71 = arith.constant 128 : i32
    %add3A_72 = arith.addi %mul3A_70, %add3A_71 : i32
    "tpu.region"() ({
      %run_scoped3A_220 = tpu.sem_alloc : memref<!tpu.dma_semaphore, #tpu.memory_space<semaphore_mem>>
      %dma_start3A_221 = arith.constant 0 : i32
      %dma_start3A_222 = tpu.memref_slice %arg17[%add3A_72, %dma_start3A_221] : memref<8192x32xf32, #tpu.memory_space<vmem_shared>> -> memref<128x32xf32, #tpu.memory_space<vmem_shared>>
      %dma_start3A_223 = arith.constant 0 : i32
      %dma_start3A_224 = tpu.memref_slice %arg17[%add3A_72, %dma_start3A_223] : memref<8192x32xf32, #tpu.memory_space<vmem_shared>> -> memref<128x32xf32, #tpu.memory_space<vmem_shared>>
      tpu.enqueue_dma source(%arg16 : memref<128x32xf32, #tpu.memory_space<vmem>>) target(%dma_start3A_224 : memref<128x32xf32, #tpu.memory_space<vmem_shared>>) target_semaphore(%run_scoped3A_220 : memref<!tpu.dma_semaphore, #tpu.memory_space<semaphore_mem>>)
      %dma_wait3A = arith.constant 0 : i32
      %dma_wait3A_225 = tpu.memref_slice %arg17[%add3A_72, %dma_wait3A] : memref<8192x32xf32, #tpu.memory_space<vmem_shared>> -> memref<128x32xf32, #tpu.memory_space<vmem_shared>>
      %dma_wait3A_226 = arith.constant 0 : i32
      %dma_wait3A_227 = tpu.memref_slice %arg17[%add3A_72, %dma_wait3A_226] : memref<8192x32xf32, #tpu.memory_space<vmem_shared>> -> memref<128x32xf32, #tpu.memory_space<vmem_shared>>
      tpu.wait_dma2 semaphore(%run_scoped3A_220 : memref<!tpu.dma_semaphore, #tpu.memory_space<semaphore_mem>>) src(%arg16 : memref<128x32xf32, #tpu.memory_space<vmem>>) dst(%dma_wait3A_227 : memref<128x32xf32, #tpu.memory_space<vmem_shared>>)
      tpu.yield
    }) : () -> ()
    %mul3A_73 = arith.constant 512 : i32
    %mul3A_74 = arith.muli %arg1, %mul3A_73 : i32
    %add3A_75 = arith.constant 256 : i32
    %add3A_76 = arith.addi %mul3A_74, %add3A_75 : i32
    "tpu.region"() ({
      %run_scoped3A_220 = tpu.sem_alloc : memref<!tpu.dma_semaphore, #tpu.memory_space<semaphore_mem>>
      %dma_start3A_221 = arith.constant 0 : i32
      %dma_start3A_222 = tpu.memref_slice %arg17[%add3A_76, %dma_start3A_221] : memref<8192x32xf32, #tpu.memory_space<vmem_shared>> -> memref<128x32xf32, #tpu.memory_space<vmem_shared>>
      %dma_start3A_223 = arith.constant 0 : i32
      %dma_start3A_224 = tpu.memref_slice %arg17[%add3A_76, %dma_start3A_223] : memref<8192x32xf32, #tpu.memory_space<vmem_shared>> -> memref<128x32xf32, #tpu.memory_space<vmem_shared>>
      tpu.enqueue_dma source(%arg16 : memref<128x32xf32, #tpu.memory_space<vmem>>) target(%dma_start3A_224 : memref<128x32xf32, #tpu.memory_space<vmem_shared>>) target_semaphore(%run_scoped3A_220 : memref<!tpu.dma_semaphore, #tpu.memory_space<semaphore_mem>>)
      %dma_wait3A = arith.constant 0 : i32
      %dma_wait3A_225 = tpu.memref_slice %arg17[%add3A_76, %dma_wait3A] : memref<8192x32xf32, #tpu.memory_space<vmem_shared>> -> memref<128x32xf32, #tpu.memory_space<vmem_shared>>
      %dma_wait3A_226 = arith.constant 0 : i32
      %dma_wait3A_227 = tpu.memref_slice %arg17[%add3A_76, %dma_wait3A_226] : memref<8192x32xf32, #tpu.memory_space<vmem_shared>> -> memref<128x32xf32, #tpu.memory_space<vmem_shared>>
      tpu.wait_dma2 semaphore(%run_scoped3A_220 : memref<!tpu.dma_semaphore, #tpu.memory_space<semaphore_mem>>) src(%arg16 : memref<128x32xf32, #tpu.memory_space<vmem>>) dst(%dma_wait3A_227 : memref<128x32xf32, #tpu.memory_space<vmem_shared>>)
      tpu.yield
    }) : () -> ()
    %mul3A_77 = arith.constant 512 : i32
    %mul3A_78 = arith.muli %arg1, %mul3A_77 : i32
    %add3A_79 = arith.constant 384 : i32
    %add3A_80 = arith.addi %mul3A_78, %add3A_79 : i32
    "tpu.region"() ({
      %run_scoped3A_220 = tpu.sem_alloc : memref<!tpu.dma_semaphore, #tpu.memory_space<semaphore_mem>>
      %dma_start3A_221 = arith.constant 0 : i32
      %dma_start3A_222 = tpu.memref_slice %arg17[%add3A_80, %dma_start3A_221] : memref<8192x32xf32, #tpu.memory_space<vmem_shared>> -> memref<128x32xf32, #tpu.memory_space<vmem_shared>>
      %dma_start3A_223 = arith.constant 0 : i32
      %dma_start3A_224 = tpu.memref_slice %arg17[%add3A_80, %dma_start3A_223] : memref<8192x32xf32, #tpu.memory_space<vmem_shared>> -> memref<128x32xf32, #tpu.memory_space<vmem_shared>>
      tpu.enqueue_dma source(%arg16 : memref<128x32xf32, #tpu.memory_space<vmem>>) target(%dma_start3A_224 : memref<128x32xf32, #tpu.memory_space<vmem_shared>>) target_semaphore(%run_scoped3A_220 : memref<!tpu.dma_semaphore, #tpu.memory_space<semaphore_mem>>)
      %dma_wait3A = arith.constant 0 : i32
      %dma_wait3A_225 = tpu.memref_slice %arg17[%add3A_80, %dma_wait3A] : memref<8192x32xf32, #tpu.memory_space<vmem_shared>> -> memref<128x32xf32, #tpu.memory_space<vmem_shared>>
      %dma_wait3A_226 = arith.constant 0 : i32
      %dma_wait3A_227 = tpu.memref_slice %arg17[%add3A_80, %dma_wait3A_226] : memref<8192x32xf32, #tpu.memory_space<vmem_shared>> -> memref<128x32xf32, #tpu.memory_space<vmem_shared>>
      tpu.wait_dma2 semaphore(%run_scoped3A_220 : memref<!tpu.dma_semaphore, #tpu.memory_space<semaphore_mem>>) src(%arg16 : memref<128x32xf32, #tpu.memory_space<vmem>>) dst(%dma_wait3A_227 : memref<128x32xf32, #tpu.memory_space<vmem_shared>>)
      tpu.yield
    }) : () -> ()
    %dma_start3A = arith.constant 0 : i32
    %dma_start3A_81 = arith.constant 0 : i32
    %dma_start3A_82 = tpu.memref_slice %arg6[%dma_start3A, %dma_start3A_81] : memref<96x128xi32, #tpu.memory_space<vmem>> -> memref<1x128xi32, #tpu.memory_space<vmem>>
    %dma_start3A_83 = tpu.memref_squeeze %dma_start3A_82 : memref<1x128xi32, #tpu.memory_space<vmem>> -> memref<128xi32, #tpu.memory_space<vmem>>
    %dma_start3A_84 = arith.constant 0 : i32
    %dma_start3A_85 = arith.constant 0 : i32
    %dma_start3A_86 = tpu.memref_slice %arg2[%dma_start3A_84, %dma_start3A_85] : memref<1048576x32xf32, #tpu.memory_space<hbm>> -> memref<1048576x32xf32, #tpu.memory_space<hbm>>
    tpu.enqueue_indirect_dma source(%dma_start3A_86 : memref<1048576x32xf32, #tpu.memory_space<hbm>>) target(%arg8 : memref<128x32xf32, #tpu.memory_space<vmem>>) offsets(%dma_start3A_83 : memref<128xi32, #tpu.memory_space<vmem>>) semaphore(%arg18 : memref<!tpu.dma_semaphore, #tpu.memory_space<semaphore_mem>>)
    %dma_start3A_87 = arith.constant 1 : i32
    %dma_start3A_88 = arith.constant 0 : i32
    %dma_start3A_89 = tpu.memref_slice %arg6[%dma_start3A_87, %dma_start3A_88] : memref<96x128xi32, #tpu.memory_space<vmem>> -> memref<1x128xi32, #tpu.memory_space<vmem>>
    %dma_start3A_90 = tpu.memref_squeeze %dma_start3A_89 : memref<1x128xi32, #tpu.memory_space<vmem>> -> memref<128xi32, #tpu.memory_space<vmem>>
    %dma_start3A_91 = arith.constant 0 : i32
    %dma_start3A_92 = arith.constant 0 : i32
    %dma_start3A_93 = tpu.memref_slice %arg2[%dma_start3A_91, %dma_start3A_92] : memref<1048576x32xf32, #tpu.memory_space<hbm>> -> memref<1048576x32xf32, #tpu.memory_space<hbm>>
    tpu.enqueue_indirect_dma source(%dma_start3A_93 : memref<1048576x32xf32, #tpu.memory_space<hbm>>) target(%arg9 : memref<128x32xf32, #tpu.memory_space<vmem>>) offsets(%dma_start3A_90 : memref<128xi32, #tpu.memory_space<vmem>>) semaphore(%arg19 : memref<!tpu.dma_semaphore, #tpu.memory_space<semaphore_mem>>)
    %dma_start3A_94 = arith.constant 2 : i32
    %dma_start3A_95 = arith.constant 0 : i32
    %dma_start3A_96 = tpu.memref_slice %arg6[%dma_start3A_94, %dma_start3A_95] : memref<96x128xi32, #tpu.memory_space<vmem>> -> memref<1x128xi32, #tpu.memory_space<vmem>>
    %dma_start3A_97 = tpu.memref_squeeze %dma_start3A_96 : memref<1x128xi32, #tpu.memory_space<vmem>> -> memref<128xi32, #tpu.memory_space<vmem>>
    %dma_start3A_98 = arith.constant 0 : i32
    %dma_start3A_99 = arith.constant 0 : i32
    %dma_start3A_100 = tpu.memref_slice %arg2[%dma_start3A_98, %dma_start3A_99] : memref<1048576x32xf32, #tpu.memory_space<hbm>> -> memref<1048576x32xf32, #tpu.memory_space<hbm>>
    tpu.enqueue_indirect_dma source(%dma_start3A_100 : memref<1048576x32xf32, #tpu.memory_space<hbm>>) target(%arg10 : memref<128x32xf32, #tpu.memory_space<vmem>>) offsets(%dma_start3A_97 : memref<128xi32, #tpu.memory_space<vmem>>) semaphore(%arg20 : memref<!tpu.dma_semaphore, #tpu.memory_space<semaphore_mem>>)
    %dma_start3A_101 = arith.constant 3 : i32
    %dma_start3A_102 = arith.constant 0 : i32
    %dma_start3A_103 = tpu.memref_slice %arg6[%dma_start3A_101, %dma_start3A_102] : memref<96x128xi32, #tpu.memory_space<vmem>> -> memref<1x128xi32, #tpu.memory_space<vmem>>
    %dma_start3A_104 = tpu.memref_squeeze %dma_start3A_103 : memref<1x128xi32, #tpu.memory_space<vmem>> -> memref<128xi32, #tpu.memory_space<vmem>>
    %dma_start3A_105 = arith.constant 0 : i32
    %dma_start3A_106 = arith.constant 0 : i32
    %dma_start3A_107 = tpu.memref_slice %arg2[%dma_start3A_105, %dma_start3A_106] : memref<1048576x32xf32, #tpu.memory_space<hbm>> -> memref<1048576x32xf32, #tpu.memory_space<hbm>>
    tpu.enqueue_indirect_dma source(%dma_start3A_107 : memref<1048576x32xf32, #tpu.memory_space<hbm>>) target(%arg11 : memref<128x32xf32, #tpu.memory_space<vmem>>) offsets(%dma_start3A_104 : memref<128xi32, #tpu.memory_space<vmem>>) semaphore(%arg21 : memref<!tpu.dma_semaphore, #tpu.memory_space<semaphore_mem>>)
    %dma_start3A_108 = arith.constant 4 : i32
    %dma_start3A_109 = arith.constant 0 : i32
    %dma_start3A_110 = tpu.memref_slice %arg6[%dma_start3A_108, %dma_start3A_109] : memref<96x128xi32, #tpu.memory_space<vmem>> -> memref<1x128xi32, #tpu.memory_space<vmem>>
    %dma_start3A_111 = tpu.memref_squeeze %dma_start3A_110 : memref<1x128xi32, #tpu.memory_space<vmem>> -> memref<128xi32, #tpu.memory_space<vmem>>
    %dma_start3A_112 = arith.constant 0 : i32
    %dma_start3A_113 = arith.constant 0 : i32
    %dma_start3A_114 = tpu.memref_slice %arg2[%dma_start3A_112, %dma_start3A_113] : memref<1048576x32xf32, #tpu.memory_space<hbm>> -> memref<1048576x32xf32, #tpu.memory_space<hbm>>
    tpu.enqueue_indirect_dma source(%dma_start3A_114 : memref<1048576x32xf32, #tpu.memory_space<hbm>>) target(%arg12 : memref<128x32xf32, #tpu.memory_space<vmem>>) offsets(%dma_start3A_111 : memref<128xi32, #tpu.memory_space<vmem>>) semaphore(%arg22 : memref<!tpu.dma_semaphore, #tpu.memory_space<semaphore_mem>>)
    %dma_start3A_115 = arith.constant 5 : i32
    %dma_start3A_116 = arith.constant 0 : i32
    %dma_start3A_117 = tpu.memref_slice %arg6[%dma_start3A_115, %dma_start3A_116] : memref<96x128xi32, #tpu.memory_space<vmem>> -> memref<1x128xi32, #tpu.memory_space<vmem>>
    %dma_start3A_118 = tpu.memref_squeeze %dma_start3A_117 : memref<1x128xi32, #tpu.memory_space<vmem>> -> memref<128xi32, #tpu.memory_space<vmem>>
    %dma_start3A_119 = arith.constant 0 : i32
    %dma_start3A_120 = arith.constant 0 : i32
    %dma_start3A_121 = tpu.memref_slice %arg2[%dma_start3A_119, %dma_start3A_120] : memref<1048576x32xf32, #tpu.memory_space<hbm>> -> memref<1048576x32xf32, #tpu.memory_space<hbm>>
    tpu.enqueue_indirect_dma source(%dma_start3A_121 : memref<1048576x32xf32, #tpu.memory_space<hbm>>) target(%arg13 : memref<128x32xf32, #tpu.memory_space<vmem>>) offsets(%dma_start3A_118 : memref<128xi32, #tpu.memory_space<vmem>>) semaphore(%arg23 : memref<!tpu.dma_semaphore, #tpu.memory_space<semaphore_mem>>)
    %dma_start3A_122 = arith.constant 6 : i32
    %dma_start3A_123 = arith.constant 0 : i32
    %dma_start3A_124 = tpu.memref_slice %arg6[%dma_start3A_122, %dma_start3A_123] : memref<96x128xi32, #tpu.memory_space<vmem>> -> memref<1x128xi32, #tpu.memory_space<vmem>>
    %dma_start3A_125 = tpu.memref_squeeze %dma_start3A_124 : memref<1x128xi32, #tpu.memory_space<vmem>> -> memref<128xi32, #tpu.memory_space<vmem>>
    %dma_start3A_126 = arith.constant 0 : i32
    %dma_start3A_127 = arith.constant 0 : i32
    %dma_start3A_128 = tpu.memref_slice %arg2[%dma_start3A_126, %dma_start3A_127] : memref<1048576x32xf32, #tpu.memory_space<hbm>> -> memref<1048576x32xf32, #tpu.memory_space<hbm>>
    tpu.enqueue_indirect_dma source(%dma_start3A_128 : memref<1048576x32xf32, #tpu.memory_space<hbm>>) target(%arg14 : memref<128x32xf32, #tpu.memory_space<vmem>>) offsets(%dma_start3A_125 : memref<128xi32, #tpu.memory_space<vmem>>) semaphore(%arg24 : memref<!tpu.dma_semaphore, #tpu.memory_space<semaphore_mem>>)
    %dma_start3A_129 = arith.constant 7 : i32
    %dma_start3A_130 = arith.constant 0 : i32
    %dma_start3A_131 = tpu.memref_slice %arg6[%dma_start3A_129, %dma_start3A_130] : memref<96x128xi32, #tpu.memory_space<vmem>> -> memref<1x128xi32, #tpu.memory_space<vmem>>
    %dma_start3A_132 = tpu.memref_squeeze %dma_start3A_131 : memref<1x128xi32, #tpu.memory_space<vmem>> -> memref<128xi32, #tpu.memory_space<vmem>>
    %dma_start3A_133 = arith.constant 0 : i32
    %dma_start3A_134 = arith.constant 0 : i32
    %dma_start3A_135 = tpu.memref_slice %arg2[%dma_start3A_133, %dma_start3A_134] : memref<1048576x32xf32, #tpu.memory_space<hbm>> -> memref<1048576x32xf32, #tpu.memory_space<hbm>>
    tpu.enqueue_indirect_dma source(%dma_start3A_135 : memref<1048576x32xf32, #tpu.memory_space<hbm>>) target(%arg15 : memref<128x32xf32, #tpu.memory_space<vmem>>) offsets(%dma_start3A_132 : memref<128xi32, #tpu.memory_space<vmem>>) semaphore(%arg25 : memref<!tpu.dma_semaphore, #tpu.memory_space<semaphore_mem>>)
    %scan3A_136 = arith.constant 0 : i32
    %scan3A_137 = arith.constant 10 : i32
    %scan3A_138 = arith.addi %scan3A_136, %scan3A_137 : i32
    %scan3A_139 = arith.constant 1 : i32
    scf.for %scan3A_220 = %scan3A_136 to %scan3A_138 step %scan3A_139  : i32 {
      %mul3A_221 = arith.constant 1 : i32
      %mul3A_222 = arith.muli %scan3A_220, %mul3A_221 : i32
      %add3A_223 = arith.constant 0 : i32
      %add3A_224 = arith.addi %add3A_223, %mul3A_222 : i32
      %mul3A_225 = arith.constant 8 : i32
      %mul3A_226 = arith.muli %add3A_224, %mul3A_225 : i32
      %add3A_227 = arith.constant 0 : i32
      %add3A_228 = arith.addi %mul3A_226, %add3A_227 : i32
      %jit3A_229 = arith.constant 20 : i32
      %div3A_230 = arith.divsi %add3A_228, %jit3A_229 : i32
      %sign3A_231 = arith.constant 0 : i32
      %sign3A_232 = arith.cmpi sgt, %add3A_228, %sign3A_231 : i32
      %sign3A_233 = arith.extui %sign3A_232 : i1 to i32
      %sign3A_234 = arith.constant 0 : i32
      %sign3A_235 = arith.cmpi slt, %add3A_228, %sign3A_234 : i32
      %sign3A_236 = arith.extui %sign3A_235 : i1 to i32
      %sign3A_237 = arith.subi %sign3A_233, %sign3A_236 : i32
      %sign3A_238 = arith.constant 0 : i32
      %sign3A_239 = arith.cmpi sgt, %jit3A_229, %sign3A_238 : i32
      %sign3A_240 = arith.extui %sign3A_239 : i1 to i32
      %sign3A_241 = arith.constant 0 : i32
      %sign3A_242 = arith.cmpi slt, %jit3A_229, %sign3A_241 : i32
      %sign3A_243 = arith.extui %sign3A_242 : i1 to i32
      %sign3A_244 = arith.subi %sign3A_240, %sign3A_243 : i32
      %ne3A_245 = arith.cmpi ne, %sign3A_237, %sign3A_244 : i32
      %rem3A_246 = arith.remsi %add3A_228, %jit3A_229 : i32
      %ne3A_247 = arith.constant 0 : i32
      %ne3A_248 = arith.cmpi ne, %rem3A_246, %ne3A_247 : i32
      %and3A_249 = arith.andi %ne3A_245, %ne3A_248 : i1
      %sub3A_250 = arith.constant 1 : i32
      %sub3A_251 = arith.subi %div3A_230, %sub3A_250 : i32
      %select_n3A_252 = arith.select %and3A_249, %sub3A_251, %div3A_230 : i32
      %mul3A_253 = arith.constant 24 : i32
      %mul3A_254 = arith.muli %mul3A_253, %select_n3A_252 : i32
      %jit3A_255 = arith.constant 20 : i32
      %eq3A_256 = arith.constant 0 : i32
      %eq3A_257 = arith.cmpi eq, %jit3A_255, %eq3A_256 : i32
      %jit3A_258 = arith.constant 1 : i32
      %select_n3A_259 = arith.select %eq3A_257, %jit3A_258, %jit3A_255 : i32
      %rem3A_260 = arith.remsi %add3A_228, %select_n3A_259 : i32
      %ne3A_261 = arith.constant 0 : i32
      %ne3A_262 = arith.cmpi ne, %rem3A_260, %ne3A_261 : i32
      %lt3A_263 = arith.constant 0 : i32
      %lt3A_264 = arith.cmpi slt, %rem3A_260, %lt3A_263 : i32
      %lt3A_265 = arith.constant 0 : i32
      %lt3A_266 = arith.cmpi slt, %select_n3A_259, %lt3A_265 : i32
      %ne3A_267 = arith.xori %lt3A_264, %lt3A_266 : i1
      %and3A_268 = arith.andi %ne3A_267, %ne3A_262 : i1
      %add3A_269 = arith.addi %rem3A_260, %select_n3A_259 : i32
      %select_n3A_270 = arith.select %and3A_268, %add3A_269, %rem3A_260 : i32
      %add3A_271 = arith.addi %mul3A_254, %select_n3A_270 : i32
      %dma_wait3A = arith.constant 0 : i32
      %dma_wait3A_272 = tpu.memref_slice %arg6[%add3A_271, %dma_wait3A] : memref<96x128xi32, #tpu.memory_space<vmem>> -> memref<1x128xi32, #tpu.memory_space<vmem>>
      %dma_wait3A_273 = tpu.memref_squeeze %dma_wait3A_272 : memref<1x128xi32, #tpu.memory_space<vmem>> -> memref<128xi32, #tpu.memory_space<vmem>>
      %dma_wait3A_274 = arith.constant 0 : i32
      %dma_wait3A_275 = arith.constant 0 : i32
      %dma_wait3A_276 = tpu.memref_slice %arg2[%dma_wait3A_274, %dma_wait3A_275] : memref<1048576x32xf32, #tpu.memory_space<hbm>> -> memref<1048576x32xf32, #tpu.memory_space<hbm>>
      tpu.wait_indirect_dma semaphore(%arg18 : memref<!tpu.dma_semaphore, #tpu.memory_space<semaphore_mem>>) src(%dma_wait3A_276 : memref<1048576x32xf32, #tpu.memory_space<hbm>>) dst(%arg8 : memref<128x32xf32, #tpu.memory_space<vmem>>)
      %jit3A_277 = arith.constant 20 : i32
      %div3A_278 = arith.divsi %add3A_228, %jit3A_277 : i32
      %sign3A_279 = arith.constant 0 : i32
      %sign3A_280 = arith.cmpi sgt, %add3A_228, %sign3A_279 : i32
      %sign3A_281 = arith.extui %sign3A_280 : i1 to i32
      %sign3A_282 = arith.constant 0 : i32
      %sign3A_283 = arith.cmpi slt, %add3A_228, %sign3A_282 : i32
      %sign3A_284 = arith.extui %sign3A_283 : i1 to i32
      %sign3A_285 = arith.subi %sign3A_281, %sign3A_284 : i32
      %sign3A_286 = arith.constant 0 : i32
      %sign3A_287 = arith.cmpi sgt, %jit3A_277, %sign3A_286 : i32
      %sign3A_288 = arith.extui %sign3A_287 : i1 to i32
      %sign3A_289 = arith.constant 0 : i32
      %sign3A_290 = arith.cmpi slt, %jit3A_277, %sign3A_289 : i32
      %sign3A_291 = arith.extui %sign3A_290 : i1 to i32
      %sign3A_292 = arith.subi %sign3A_288, %sign3A_291 : i32
      %ne3A_293 = arith.cmpi ne, %sign3A_285, %sign3A_292 : i32
      %rem3A_294 = arith.remsi %add3A_228, %jit3A_277 : i32
      %ne3A_295 = arith.constant 0 : i32
      %ne3A_296 = arith.cmpi ne, %rem3A_294, %ne3A_295 : i32
      %and3A_297 = arith.andi %ne3A_293, %ne3A_296 : i1
      %sub3A_298 = arith.constant 1 : i32
      %sub3A_299 = arith.subi %div3A_278, %sub3A_298 : i32
      %select_n3A_300 = arith.select %and3A_297, %sub3A_299, %div3A_278 : i32
      %dma_start3A_301 = arith.constant 0 : i32
      %dma_start3A_302 = tpu.memref_slice %arg7[%select_n3A_300, %dma_start3A_301] : memref<4x128xi32, #tpu.memory_space<vmem>> -> memref<1x128xi32, #tpu.memory_space<vmem>>
      %dma_start3A_303 = tpu.memref_squeeze %dma_start3A_302 : memref<1x128xi32, #tpu.memory_space<vmem>> -> memref<128xi32, #tpu.memory_space<vmem>>
      %dma_start3A_304 = arith.constant 0 : i32
      %dma_start3A_305 = arith.constant 0 : i32
      %dma_start3A_306 = tpu.memref_slice %arg17[%dma_start3A_304, %dma_start3A_305] : memref<8192x32xf32, #tpu.memory_space<vmem_shared>> -> memref<8192x32xf32, #tpu.memory_space<vmem_shared>>
      tpu.enqueue_indirect_dma source(%arg8 : memref<128x32xf32, #tpu.memory_space<vmem>>) target(%dma_start3A_306 : memref<8192x32xf32, #tpu.memory_space<vmem_shared>>) offsets(%dma_start3A_303 : memref<128xi32, #tpu.memory_space<vmem>>) semaphore(%arg26 : memref<!tpu.dma_semaphore, #tpu.memory_space<semaphore_mem>>) {add = true}
      %add3A_307 = arith.constant 1 : i32
      %add3A_308 = arith.addi %mul3A_226, %add3A_307 : i32
      %jit3A_309 = arith.constant 20 : i32
      %div3A_310 = arith.divsi %add3A_308, %jit3A_309 : i32
      %sign3A_311 = arith.constant 0 : i32
      %sign3A_312 = arith.cmpi sgt, %add3A_308, %sign3A_311 : i32
      %sign3A_313 = arith.extui %sign3A_312 : i1 to i32
      %sign3A_314 = arith.constant 0 : i32
      %sign3A_315 = arith.cmpi slt, %add3A_308, %sign3A_314 : i32
      %sign3A_316 = arith.extui %sign3A_315 : i1 to i32
      %sign3A_317 = arith.subi %sign3A_313, %sign3A_316 : i32
      %sign3A_318 = arith.constant 0 : i32
      %sign3A_319 = arith.cmpi sgt, %jit3A_309, %sign3A_318 : i32
      %sign3A_320 = arith.extui %sign3A_319 : i1 to i32
      %sign3A_321 = arith.constant 0 : i32
      %sign3A_322 = arith.cmpi slt, %jit3A_309, %sign3A_321 : i32
      %sign3A_323 = arith.extui %sign3A_322 : i1 to i32
      %sign3A_324 = arith.subi %sign3A_320, %sign3A_323 : i32
      %ne3A_325 = arith.cmpi ne, %sign3A_317, %sign3A_324 : i32
      %rem3A_326 = arith.remsi %add3A_308, %jit3A_309 : i32
      %ne3A_327 = arith.constant 0 : i32
      %ne3A_328 = arith.cmpi ne, %rem3A_326, %ne3A_327 : i32
      %and3A_329 = arith.andi %ne3A_325, %ne3A_328 : i1
      %sub3A_330 = arith.constant 1 : i32
      %sub3A_331 = arith.subi %div3A_310, %sub3A_330 : i32
      %select_n3A_332 = arith.select %and3A_329, %sub3A_331, %div3A_310 : i32
      %mul3A_333 = arith.constant 24 : i32
      %mul3A_334 = arith.muli %mul3A_333, %select_n3A_332 : i32
      %jit3A_335 = arith.constant 20 : i32
      %eq3A_336 = arith.constant 0 : i32
      %eq3A_337 = arith.cmpi eq, %jit3A_335, %eq3A_336 : i32
      %jit3A_338 = arith.constant 1 : i32
      %select_n3A_339 = arith.select %eq3A_337, %jit3A_338, %jit3A_335 : i32
      %rem3A_340 = arith.remsi %add3A_308, %select_n3A_339 : i32
      %ne3A_341 = arith.constant 0 : i32
      %ne3A_342 = arith.cmpi ne, %rem3A_340, %ne3A_341 : i32
      %lt3A_343 = arith.constant 0 : i32
      %lt3A_344 = arith.cmpi slt, %rem3A_340, %lt3A_343 : i32
      %lt3A_345 = arith.constant 0 : i32
      %lt3A_346 = arith.cmpi slt, %select_n3A_339, %lt3A_345 : i32
      %ne3A_347 = arith.xori %lt3A_344, %lt3A_346 : i1
      %and3A_348 = arith.andi %ne3A_347, %ne3A_342 : i1
      %add3A_349 = arith.addi %rem3A_340, %select_n3A_339 : i32
      %select_n3A_350 = arith.select %and3A_348, %add3A_349, %rem3A_340 : i32
      %add3A_351 = arith.addi %mul3A_334, %select_n3A_350 : i32
      %dma_wait3A_352 = arith.constant 0 : i32
      %dma_wait3A_353 = tpu.memref_slice %arg6[%add3A_351, %dma_wait3A_352] : memref<96x128xi32, #tpu.memory_space<vmem>> -> memref<1x128xi32, #tpu.memory_space<vmem>>
      %dma_wait3A_354 = tpu.memref_squeeze %dma_wait3A_353 : memref<1x128xi32, #tpu.memory_space<vmem>> -> memref<128xi32, #tpu.memory_space<vmem>>
      %dma_wait3A_355 = arith.constant 0 : i32
      %dma_wait3A_356 = arith.constant 0 : i32
      %dma_wait3A_357 = tpu.memref_slice %arg2[%dma_wait3A_355, %dma_wait3A_356] : memref<1048576x32xf32, #tpu.memory_space<hbm>> -> memref<1048576x32xf32, #tpu.memory_space<hbm>>
      tpu.wait_indirect_dma semaphore(%arg19 : memref<!tpu.dma_semaphore, #tpu.memory_space<semaphore_mem>>) src(%dma_wait3A_357 : memref<1048576x32xf32, #tpu.memory_space<hbm>>) dst(%arg9 : memref<128x32xf32, #tpu.memory_space<vmem>>)
      %jit3A_358 = arith.constant 20 : i32
      %div3A_359 = arith.divsi %add3A_308, %jit3A_358 : i32
      %sign3A_360 = arith.constant 0 : i32
      %sign3A_361 = arith.cmpi sgt, %add3A_308, %sign3A_360 : i32
      %sign3A_362 = arith.extui %sign3A_361 : i1 to i32
      %sign3A_363 = arith.constant 0 : i32
      %sign3A_364 = arith.cmpi slt, %add3A_308, %sign3A_363 : i32
      %sign3A_365 = arith.extui %sign3A_364 : i1 to i32
      %sign3A_366 = arith.subi %sign3A_362, %sign3A_365 : i32
      %sign3A_367 = arith.constant 0 : i32
      %sign3A_368 = arith.cmpi sgt, %jit3A_358, %sign3A_367 : i32
      %sign3A_369 = arith.extui %sign3A_368 : i1 to i32
      %sign3A_370 = arith.constant 0 : i32
      %sign3A_371 = arith.cmpi slt, %jit3A_358, %sign3A_370 : i32
      %sign3A_372 = arith.extui %sign3A_371 : i1 to i32
      %sign3A_373 = arith.subi %sign3A_369, %sign3A_372 : i32
      %ne3A_374 = arith.cmpi ne, %sign3A_366, %sign3A_373 : i32
      %rem3A_375 = arith.remsi %add3A_308, %jit3A_358 : i32
      %ne3A_376 = arith.constant 0 : i32
      %ne3A_377 = arith.cmpi ne, %rem3A_375, %ne3A_376 : i32
      %and3A_378 = arith.andi %ne3A_374, %ne3A_377 : i1
      %sub3A_379 = arith.constant 1 : i32
      %sub3A_380 = arith.subi %div3A_359, %sub3A_379 : i32
      %select_n3A_381 = arith.select %and3A_378, %sub3A_380, %div3A_359 : i32
      %dma_start3A_382 = arith.constant 0 : i32
      %dma_start3A_383 = tpu.memref_slice %arg7[%select_n3A_381, %dma_start3A_382] : memref<4x128xi32, #tpu.memory_space<vmem>> -> memref<1x128xi32, #tpu.memory_space<vmem>>
      %dma_start3A_384 = tpu.memref_squeeze %dma_start3A_383 : memref<1x128xi32, #tpu.memory_space<vmem>> -> memref<128xi32, #tpu.memory_space<vmem>>
      %dma_start3A_385 = arith.constant 0 : i32
      %dma_start3A_386 = arith.constant 0 : i32
      %dma_start3A_387 = tpu.memref_slice %arg17[%dma_start3A_385, %dma_start3A_386] : memref<8192x32xf32, #tpu.memory_space<vmem_shared>> -> memref<8192x32xf32, #tpu.memory_space<vmem_shared>>
      tpu.enqueue_indirect_dma source(%arg9 : memref<128x32xf32, #tpu.memory_space<vmem>>) target(%dma_start3A_387 : memref<8192x32xf32, #tpu.memory_space<vmem_shared>>) offsets(%dma_start3A_384 : memref<128xi32, #tpu.memory_space<vmem>>) semaphore(%arg27 : memref<!tpu.dma_semaphore, #tpu.memory_space<semaphore_mem>>) {add = true}
      %add3A_388 = arith.constant 2 : i32
      %add3A_389 = arith.addi %mul3A_226, %add3A_388 : i32
      %jit3A_390 = arith.constant 20 : i32
      %div3A_391 = arith.divsi %add3A_389, %jit3A_390 : i32
      %sign3A_392 = arith.constant 0 : i32
      %sign3A_393 = arith.cmpi sgt, %add3A_389, %sign3A_392 : i32
      %sign3A_394 = arith.extui %sign3A_393 : i1 to i32
      %sign3A_395 = arith.constant 0 : i32
      %sign3A_396 = arith.cmpi slt, %add3A_389, %sign3A_395 : i32
      %sign3A_397 = arith.extui %sign3A_396 : i1 to i32
      %sign3A_398 = arith.subi %sign3A_394, %sign3A_397 : i32
      %sign3A_399 = arith.constant 0 : i32
      %sign3A_400 = arith.cmpi sgt, %jit3A_390, %sign3A_399 : i32
      %sign3A_401 = arith.extui %sign3A_400 : i1 to i32
      %sign3A_402 = arith.constant 0 : i32
      %sign3A_403 = arith.cmpi slt, %jit3A_390, %sign3A_402 : i32
      %sign3A_404 = arith.extui %sign3A_403 : i1 to i32
      %sign3A_405 = arith.subi %sign3A_401, %sign3A_404 : i32
      %ne3A_406 = arith.cmpi ne, %sign3A_398, %sign3A_405 : i32
      %rem3A_407 = arith.remsi %add3A_389, %jit3A_390 : i32
      %ne3A_408 = arith.constant 0 : i32
      %ne3A_409 = arith.cmpi ne, %rem3A_407, %ne3A_408 : i32
      %and3A_410 = arith.andi %ne3A_406, %ne3A_409 : i1
      %sub3A_411 = arith.constant 1 : i32
      %sub3A_412 = arith.subi %div3A_391, %sub3A_411 : i32
      %select_n3A_413 = arith.select %and3A_410, %sub3A_412, %div3A_391 : i32
      %mul3A_414 = arith.constant 24 : i32
      %mul3A_415 = arith.muli %mul3A_414, %select_n3A_413 : i32
      %jit3A_416 = arith.constant 20 : i32
      %eq3A_417 = arith.constant 0 : i32
      %eq3A_418 = arith.cmpi eq, %jit3A_416, %eq3A_417 : i32
      %jit3A_419 = arith.constant 1 : i32
      %select_n3A_420 = arith.select %eq3A_418, %jit3A_419, %jit3A_416 : i32
      %rem3A_421 = arith.remsi %add3A_389, %select_n3A_420 : i32
      %ne3A_422 = arith.constant 0 : i32
      %ne3A_423 = arith.cmpi ne, %rem3A_421, %ne3A_422 : i32
      %lt3A_424 = arith.constant 0 : i32
      %lt3A_425 = arith.cmpi slt, %rem3A_421, %lt3A_424 : i32
      %lt3A_426 = arith.constant 0 : i32
      %lt3A_427 = arith.cmpi slt, %select_n3A_420, %lt3A_426 : i32
      %ne3A_428 = arith.xori %lt3A_425, %lt3A_427 : i1
      %and3A_429 = arith.andi %ne3A_428, %ne3A_423 : i1
      %add3A_430 = arith.addi %rem3A_421, %select_n3A_420 : i32
      %select_n3A_431 = arith.select %and3A_429, %add3A_430, %rem3A_421 : i32
      %add3A_432 = arith.addi %mul3A_415, %select_n3A_431 : i32
      %dma_wait3A_433 = arith.constant 0 : i32
      %dma_wait3A_434 = tpu.memref_slice %arg6[%add3A_432, %dma_wait3A_433] : memref<96x128xi32, #tpu.memory_space<vmem>> -> memref<1x128xi32, #tpu.memory_space<vmem>>
      %dma_wait3A_435 = tpu.memref_squeeze %dma_wait3A_434 : memref<1x128xi32, #tpu.memory_space<vmem>> -> memref<128xi32, #tpu.memory_space<vmem>>
      %dma_wait3A_436 = arith.constant 0 : i32
      %dma_wait3A_437 = arith.constant 0 : i32
      %dma_wait3A_438 = tpu.memref_slice %arg2[%dma_wait3A_436, %dma_wait3A_437] : memref<1048576x32xf32, #tpu.memory_space<hbm>> -> memref<1048576x32xf32, #tpu.memory_space<hbm>>
      tpu.wait_indirect_dma semaphore(%arg20 : memref<!tpu.dma_semaphore, #tpu.memory_space<semaphore_mem>>) src(%dma_wait3A_438 : memref<1048576x32xf32, #tpu.memory_space<hbm>>) dst(%arg10 : memref<128x32xf32, #tpu.memory_space<vmem>>)
      %jit3A_439 = arith.constant 20 : i32
      %div3A_440 = arith.divsi %add3A_389, %jit3A_439 : i32
      %sign3A_441 = arith.constant 0 : i32
      %sign3A_442 = arith.cmpi sgt, %add3A_389, %sign3A_441 : i32
      %sign3A_443 = arith.extui %sign3A_442 : i1 to i32
      %sign3A_444 = arith.constant 0 : i32
      %sign3A_445 = arith.cmpi slt, %add3A_389, %sign3A_444 : i32
      %sign3A_446 = arith.extui %sign3A_445 : i1 to i32
      %sign3A_447 = arith.subi %sign3A_443, %sign3A_446 : i32
      %sign3A_448 = arith.constant 0 : i32
      %sign3A_449 = arith.cmpi sgt, %jit3A_439, %sign3A_448 : i32
      %sign3A_450 = arith.extui %sign3A_449 : i1 to i32
      %sign3A_451 = arith.constant 0 : i32
      %sign3A_452 = arith.cmpi slt, %jit3A_439, %sign3A_451 : i32
      %sign3A_453 = arith.extui %sign3A_452 : i1 to i32
      %sign3A_454 = arith.subi %sign3A_450, %sign3A_453 : i32
      %ne3A_455 = arith.cmpi ne, %sign3A_447, %sign3A_454 : i32
      %rem3A_456 = arith.remsi %add3A_389, %jit3A_439 : i32
      %ne3A_457 = arith.constant 0 : i32
      %ne3A_458 = arith.cmpi ne, %rem3A_456, %ne3A_457 : i32
      %and3A_459 = arith.andi %ne3A_455, %ne3A_458 : i1
      %sub3A_460 = arith.constant 1 : i32
      %sub3A_461 = arith.subi %div3A_440, %sub3A_460 : i32
      %select_n3A_462 = arith.select %and3A_459, %sub3A_461, %div3A_440 : i32
      %dma_start3A_463 = arith.constant 0 : i32
      %dma_start3A_464 = tpu.memref_slice %arg7[%select_n3A_462, %dma_start3A_463] : memref<4x128xi32, #tpu.memory_space<vmem>> -> memref<1x128xi32, #tpu.memory_space<vmem>>
      %dma_start3A_465 = tpu.memref_squeeze %dma_start3A_464 : memref<1x128xi32, #tpu.memory_space<vmem>> -> memref<128xi32, #tpu.memory_space<vmem>>
      %dma_start3A_466 = arith.constant 0 : i32
      %dma_start3A_467 = arith.constant 0 : i32
      %dma_start3A_468 = tpu.memref_slice %arg17[%dma_start3A_466, %dma_start3A_467] : memref<8192x32xf32, #tpu.memory_space<vmem_shared>> -> memref<8192x32xf32, #tpu.memory_space<vmem_shared>>
      tpu.enqueue_indirect_dma source(%arg10 : memref<128x32xf32, #tpu.memory_space<vmem>>) target(%dma_start3A_468 : memref<8192x32xf32, #tpu.memory_space<vmem_shared>>) offsets(%dma_start3A_465 : memref<128xi32, #tpu.memory_space<vmem>>) semaphore(%arg28 : memref<!tpu.dma_semaphore, #tpu.memory_space<semaphore_mem>>) {add = true}
      %add3A_469 = arith.constant 3 : i32
      %add3A_470 = arith.addi %mul3A_226, %add3A_469 : i32
      %jit3A_471 = arith.constant 20 : i32
      %div3A_472 = arith.divsi %add3A_470, %jit3A_471 : i32
      %sign3A_473 = arith.constant 0 : i32
      %sign3A_474 = arith.cmpi sgt, %add3A_470, %sign3A_473 : i32
      %sign3A_475 = arith.extui %sign3A_474 : i1 to i32
      %sign3A_476 = arith.constant 0 : i32
      %sign3A_477 = arith.cmpi slt, %add3A_470, %sign3A_476 : i32
      %sign3A_478 = arith.extui %sign3A_477 : i1 to i32
      %sign3A_479 = arith.subi %sign3A_475, %sign3A_478 : i32
      %sign3A_480 = arith.constant 0 : i32
      %sign3A_481 = arith.cmpi sgt, %jit3A_471, %sign3A_480 : i32
      %sign3A_482 = arith.extui %sign3A_481 : i1 to i32
      %sign3A_483 = arith.constant 0 : i32
      %sign3A_484 = arith.cmpi slt, %jit3A_471, %sign3A_483 : i32
      %sign3A_485 = arith.extui %sign3A_484 : i1 to i32
      %sign3A_486 = arith.subi %sign3A_482, %sign3A_485 : i32
      %ne3A_487 = arith.cmpi ne, %sign3A_479, %sign3A_486 : i32
      %rem3A_488 = arith.remsi %add3A_470, %jit3A_471 : i32
      %ne3A_489 = arith.constant 0 : i32
      %ne3A_490 = arith.cmpi ne, %rem3A_488, %ne3A_489 : i32
      %and3A_491 = arith.andi %ne3A_487, %ne3A_490 : i1
      %sub3A_492 = arith.constant 1 : i32
      %sub3A_493 = arith.subi %div3A_472, %sub3A_492 : i32
      %select_n3A_494 = arith.select %and3A_491, %sub3A_493, %div3A_472 : i32
      %mul3A_495 = arith.constant 24 : i32
      %mul3A_496 = arith.muli %mul3A_495, %select_n3A_494 : i32
      %jit3A_497 = arith.constant 20 : i32
      %eq3A_498 = arith.constant 0 : i32
      %eq3A_499 = arith.cmpi eq, %jit3A_497, %eq3A_498 : i32
      %jit3A_500 = arith.constant 1 : i32
      %select_n3A_501 = arith.select %eq3A_499, %jit3A_500, %jit3A_497 : i32
      %rem3A_502 = arith.remsi %add3A_470, %select_n3A_501 : i32
      %ne3A_503 = arith.constant 0 : i32
      %ne3A_504 = arith.cmpi ne, %rem3A_502, %ne3A_503 : i32
      %lt3A_505 = arith.constant 0 : i32
      %lt3A_506 = arith.cmpi slt, %rem3A_502, %lt3A_505 : i32
      %lt3A_507 = arith.constant 0 : i32
      %lt3A_508 = arith.cmpi slt, %select_n3A_501, %lt3A_507 : i32
      %ne3A_509 = arith.xori %lt3A_506, %lt3A_508 : i1
      %and3A_510 = arith.andi %ne3A_509, %ne3A_504 : i1
      %add3A_511 = arith.addi %rem3A_502, %select_n3A_501 : i32
      %select_n3A_512 = arith.select %and3A_510, %add3A_511, %rem3A_502 : i32
      %add3A_513 = arith.addi %mul3A_496, %select_n3A_512 : i32
      %dma_wait3A_514 = arith.constant 0 : i32
      %dma_wait3A_515 = tpu.memref_slice %arg6[%add3A_513, %dma_wait3A_514] : memref<96x128xi32, #tpu.memory_space<vmem>> -> memref<1x128xi32, #tpu.memory_space<vmem>>
      %dma_wait3A_516 = tpu.memref_squeeze %dma_wait3A_515 : memref<1x128xi32, #tpu.memory_space<vmem>> -> memref<128xi32, #tpu.memory_space<vmem>>
      %dma_wait3A_517 = arith.constant 0 : i32
      %dma_wait3A_518 = arith.constant 0 : i32
      %dma_wait3A_519 = tpu.memref_slice %arg2[%dma_wait3A_517, %dma_wait3A_518] : memref<1048576x32xf32, #tpu.memory_space<hbm>> -> memref<1048576x32xf32, #tpu.memory_space<hbm>>
      tpu.wait_indirect_dma semaphore(%arg21 : memref<!tpu.dma_semaphore, #tpu.memory_space<semaphore_mem>>) src(%dma_wait3A_519 : memref<1048576x32xf32, #tpu.memory_space<hbm>>) dst(%arg11 : memref<128x32xf32, #tpu.memory_space<vmem>>)
      %jit3A_520 = arith.constant 20 : i32
      %div3A_521 = arith.divsi %add3A_470, %jit3A_520 : i32
      %sign3A_522 = arith.constant 0 : i32
      %sign3A_523 = arith.cmpi sgt, %add3A_470, %sign3A_522 : i32
      %sign3A_524 = arith.extui %sign3A_523 : i1 to i32
      %sign3A_525 = arith.constant 0 : i32
      %sign3A_526 = arith.cmpi slt, %add3A_470, %sign3A_525 : i32
      %sign3A_527 = arith.extui %sign3A_526 : i1 to i32
      %sign3A_528 = arith.subi %sign3A_524, %sign3A_527 : i32
      %sign3A_529 = arith.constant 0 : i32
      %sign3A_530 = arith.cmpi sgt, %jit3A_520, %sign3A_529 : i32
      %sign3A_531 = arith.extui %sign3A_530 : i1 to i32
      %sign3A_532 = arith.constant 0 : i32
      %sign3A_533 = arith.cmpi slt, %jit3A_520, %sign3A_532 : i32
      %sign3A_534 = arith.extui %sign3A_533 : i1 to i32
      %sign3A_535 = arith.subi %sign3A_531, %sign3A_534 : i32
      %ne3A_536 = arith.cmpi ne, %sign3A_528, %sign3A_535 : i32
      %rem3A_537 = arith.remsi %add3A_470, %jit3A_520 : i32
      %ne3A_538 = arith.constant 0 : i32
      %ne3A_539 = arith.cmpi ne, %rem3A_537, %ne3A_538 : i32
      %and3A_540 = arith.andi %ne3A_536, %ne3A_539 : i1
      %sub3A_541 = arith.constant 1 : i32
      %sub3A_542 = arith.subi %div3A_521, %sub3A_541 : i32
      %select_n3A_543 = arith.select %and3A_540, %sub3A_542, %div3A_521 : i32
      %dma_start3A_544 = arith.constant 0 : i32
      %dma_start3A_545 = tpu.memref_slice %arg7[%select_n3A_543, %dma_start3A_544] : memref<4x128xi32, #tpu.memory_space<vmem>> -> memref<1x128xi32, #tpu.memory_space<vmem>>
      %dma_start3A_546 = tpu.memref_squeeze %dma_start3A_545 : memref<1x128xi32, #tpu.memory_space<vmem>> -> memref<128xi32, #tpu.memory_space<vmem>>
      %dma_start3A_547 = arith.constant 0 : i32
      %dma_start3A_548 = arith.constant 0 : i32
      %dma_start3A_549 = tpu.memref_slice %arg17[%dma_start3A_547, %dma_start3A_548] : memref<8192x32xf32, #tpu.memory_space<vmem_shared>> -> memref<8192x32xf32, #tpu.memory_space<vmem_shared>>
      tpu.enqueue_indirect_dma source(%arg11 : memref<128x32xf32, #tpu.memory_space<vmem>>) target(%dma_start3A_549 : memref<8192x32xf32, #tpu.memory_space<vmem_shared>>) offsets(%dma_start3A_546 : memref<128xi32, #tpu.memory_space<vmem>>) semaphore(%arg29 : memref<!tpu.dma_semaphore, #tpu.memory_space<semaphore_mem>>) {add = true}
      %add3A_550 = arith.constant 4 : i32
      %add3A_551 = arith.addi %mul3A_226, %add3A_550 : i32
      %jit3A_552 = arith.constant 20 : i32
      %div3A_553 = arith.divsi %add3A_551, %jit3A_552 : i32
      %sign3A_554 = arith.constant 0 : i32
      %sign3A_555 = arith.cmpi sgt, %add3A_551, %sign3A_554 : i32
      %sign3A_556 = arith.extui %sign3A_555 : i1 to i32
      %sign3A_557 = arith.constant 0 : i32
      %sign3A_558 = arith.cmpi slt, %add3A_551, %sign3A_557 : i32
      %sign3A_559 = arith.extui %sign3A_558 : i1 to i32
      %sign3A_560 = arith.subi %sign3A_556, %sign3A_559 : i32
      %sign3A_561 = arith.constant 0 : i32
      %sign3A_562 = arith.cmpi sgt, %jit3A_552, %sign3A_561 : i32
      %sign3A_563 = arith.extui %sign3A_562 : i1 to i32
      %sign3A_564 = arith.constant 0 : i32
      %sign3A_565 = arith.cmpi slt, %jit3A_552, %sign3A_564 : i32
      %sign3A_566 = arith.extui %sign3A_565 : i1 to i32
      %sign3A_567 = arith.subi %sign3A_563, %sign3A_566 : i32
      %ne3A_568 = arith.cmpi ne, %sign3A_560, %sign3A_567 : i32
      %rem3A_569 = arith.remsi %add3A_551, %jit3A_552 : i32
      %ne3A_570 = arith.constant 0 : i32
      %ne3A_571 = arith.cmpi ne, %rem3A_569, %ne3A_570 : i32
      %and3A_572 = arith.andi %ne3A_568, %ne3A_571 : i1
      %sub3A_573 = arith.constant 1 : i32
      %sub3A_574 = arith.subi %div3A_553, %sub3A_573 : i32
      %select_n3A_575 = arith.select %and3A_572, %sub3A_574, %div3A_553 : i32
      %mul3A_576 = arith.constant 24 : i32
      %mul3A_577 = arith.muli %mul3A_576, %select_n3A_575 : i32
      %jit3A_578 = arith.constant 20 : i32
      %eq3A_579 = arith.constant 0 : i32
      %eq3A_580 = arith.cmpi eq, %jit3A_578, %eq3A_579 : i32
      %jit3A_581 = arith.constant 1 : i32
      %select_n3A_582 = arith.select %eq3A_580, %jit3A_581, %jit3A_578 : i32
      %rem3A_583 = arith.remsi %add3A_551, %select_n3A_582 : i32
      %ne3A_584 = arith.constant 0 : i32
      %ne3A_585 = arith.cmpi ne, %rem3A_583, %ne3A_584 : i32
      %lt3A_586 = arith.constant 0 : i32
      %lt3A_587 = arith.cmpi slt, %rem3A_583, %lt3A_586 : i32
      %lt3A_588 = arith.constant 0 : i32
      %lt3A_589 = arith.cmpi slt, %select_n3A_582, %lt3A_588 : i32
      %ne3A_590 = arith.xori %lt3A_587, %lt3A_589 : i1
      %and3A_591 = arith.andi %ne3A_590, %ne3A_585 : i1
      %add3A_592 = arith.addi %rem3A_583, %select_n3A_582 : i32
      %select_n3A_593 = arith.select %and3A_591, %add3A_592, %rem3A_583 : i32
      %add3A_594 = arith.addi %mul3A_577, %select_n3A_593 : i32
      %dma_wait3A_595 = arith.constant 0 : i32
      %dma_wait3A_596 = tpu.memref_slice %arg6[%add3A_594, %dma_wait3A_595] : memref<96x128xi32, #tpu.memory_space<vmem>> -> memref<1x128xi32, #tpu.memory_space<vmem>>
      %dma_wait3A_597 = tpu.memref_squeeze %dma_wait3A_596 : memref<1x128xi32, #tpu.memory_space<vmem>> -> memref<128xi32, #tpu.memory_space<vmem>>
      %dma_wait3A_598 = arith.constant 0 : i32
      %dma_wait3A_599 = arith.constant 0 : i32
      %dma_wait3A_600 = tpu.memref_slice %arg2[%dma_wait3A_598, %dma_wait3A_599] : memref<1048576x32xf32, #tpu.memory_space<hbm>> -> memref<1048576x32xf32, #tpu.memory_space<hbm>>
      tpu.wait_indirect_dma semaphore(%arg22 : memref<!tpu.dma_semaphore, #tpu.memory_space<semaphore_mem>>) src(%dma_wait3A_600 : memref<1048576x32xf32, #tpu.memory_space<hbm>>) dst(%arg12 : memref<128x32xf32, #tpu.memory_space<vmem>>)
      %jit3A_601 = arith.constant 20 : i32
      %div3A_602 = arith.divsi %add3A_551, %jit3A_601 : i32
      %sign3A_603 = arith.constant 0 : i32
      %sign3A_604 = arith.cmpi sgt, %add3A_551, %sign3A_603 : i32
      %sign3A_605 = arith.extui %sign3A_604 : i1 to i32
      %sign3A_606 = arith.constant 0 : i32
      %sign3A_607 = arith.cmpi slt, %add3A_551, %sign3A_606 : i32
      %sign3A_608 = arith.extui %sign3A_607 : i1 to i32
      %sign3A_609 = arith.subi %sign3A_605, %sign3A_608 : i32
      %sign3A_610 = arith.constant 0 : i32
      %sign3A_611 = arith.cmpi sgt, %jit3A_601, %sign3A_610 : i32
      %sign3A_612 = arith.extui %sign3A_611 : i1 to i32
      %sign3A_613 = arith.constant 0 : i32
      %sign3A_614 = arith.cmpi slt, %jit3A_601, %sign3A_613 : i32
      %sign3A_615 = arith.extui %sign3A_614 : i1 to i32
      %sign3A_616 = arith.subi %sign3A_612, %sign3A_615 : i32
      %ne3A_617 = arith.cmpi ne, %sign3A_609, %sign3A_616 : i32
      %rem3A_618 = arith.remsi %add3A_551, %jit3A_601 : i32
      %ne3A_619 = arith.constant 0 : i32
      %ne3A_620 = arith.cmpi ne, %rem3A_618, %ne3A_619 : i32
      %and3A_621 = arith.andi %ne3A_617, %ne3A_620 : i1
      %sub3A_622 = arith.constant 1 : i32
      %sub3A_623 = arith.subi %div3A_602, %sub3A_622 : i32
      %select_n3A_624 = arith.select %and3A_621, %sub3A_623, %div3A_602 : i32
      %dma_start3A_625 = arith.constant 0 : i32
      %dma_start3A_626 = tpu.memref_slice %arg7[%select_n3A_624, %dma_start3A_625] : memref<4x128xi32, #tpu.memory_space<vmem>> -> memref<1x128xi32, #tpu.memory_space<vmem>>
      %dma_start3A_627 = tpu.memref_squeeze %dma_start3A_626 : memref<1x128xi32, #tpu.memory_space<vmem>> -> memref<128xi32, #tpu.memory_space<vmem>>
      %dma_start3A_628 = arith.constant 0 : i32
      %dma_start3A_629 = arith.constant 0 : i32
      %dma_start3A_630 = tpu.memref_slice %arg17[%dma_start3A_628, %dma_start3A_629] : memref<8192x32xf32, #tpu.memory_space<vmem_shared>> -> memref<8192x32xf32, #tpu.memory_space<vmem_shared>>
      tpu.enqueue_indirect_dma source(%arg12 : memref<128x32xf32, #tpu.memory_space<vmem>>) target(%dma_start3A_630 : memref<8192x32xf32, #tpu.memory_space<vmem_shared>>) offsets(%dma_start3A_627 : memref<128xi32, #tpu.memory_space<vmem>>) semaphore(%arg30 : memref<!tpu.dma_semaphore, #tpu.memory_space<semaphore_mem>>) {add = true}
      %add3A_631 = arith.constant 5 : i32
      %add3A_632 = arith.addi %mul3A_226, %add3A_631 : i32
      %jit3A_633 = arith.constant 20 : i32
      %div3A_634 = arith.divsi %add3A_632, %jit3A_633 : i32
      %sign3A_635 = arith.constant 0 : i32
      %sign3A_636 = arith.cmpi sgt, %add3A_632, %sign3A_635 : i32
      %sign3A_637 = arith.extui %sign3A_636 : i1 to i32
      %sign3A_638 = arith.constant 0 : i32
      %sign3A_639 = arith.cmpi slt, %add3A_632, %sign3A_638 : i32
      %sign3A_640 = arith.extui %sign3A_639 : i1 to i32
      %sign3A_641 = arith.subi %sign3A_637, %sign3A_640 : i32
      %sign3A_642 = arith.constant 0 : i32
      %sign3A_643 = arith.cmpi sgt, %jit3A_633, %sign3A_642 : i32
      %sign3A_644 = arith.extui %sign3A_643 : i1 to i32
      %sign3A_645 = arith.constant 0 : i32
      %sign3A_646 = arith.cmpi slt, %jit3A_633, %sign3A_645 : i32
      %sign3A_647 = arith.extui %sign3A_646 : i1 to i32
      %sign3A_648 = arith.subi %sign3A_644, %sign3A_647 : i32
      %ne3A_649 = arith.cmpi ne, %sign3A_641, %sign3A_648 : i32
      %rem3A_650 = arith.remsi %add3A_632, %jit3A_633 : i32
      %ne3A_651 = arith.constant 0 : i32
      %ne3A_652 = arith.cmpi ne, %rem3A_650, %ne3A_651 : i32
      %and3A_653 = arith.andi %ne3A_649, %ne3A_652 : i1
      %sub3A_654 = arith.constant 1 : i32
      %sub3A_655 = arith.subi %div3A_634, %sub3A_654 : i32
      %select_n3A_656 = arith.select %and3A_653, %sub3A_655, %div3A_634 : i32
      %mul3A_657 = arith.constant 24 : i32
      %mul3A_658 = arith.muli %mul3A_657, %select_n3A_656 : i32
      %jit3A_659 = arith.constant 20 : i32
      %eq3A_660 = arith.constant 0 : i32
      %eq3A_661 = arith.cmpi eq, %jit3A_659, %eq3A_660 : i32
      %jit3A_662 = arith.constant 1 : i32
      %select_n3A_663 = arith.select %eq3A_661, %jit3A_662, %jit3A_659 : i32
      %rem3A_664 = arith.remsi %add3A_632, %select_n3A_663 : i32
      %ne3A_665 = arith.constant 0 : i32
      %ne3A_666 = arith.cmpi ne, %rem3A_664, %ne3A_665 : i32
      %lt3A_667 = arith.constant 0 : i32
      %lt3A_668 = arith.cmpi slt, %rem3A_664, %lt3A_667 : i32
      %lt3A_669 = arith.constant 0 : i32
      %lt3A_670 = arith.cmpi slt, %select_n3A_663, %lt3A_669 : i32
      %ne3A_671 = arith.xori %lt3A_668, %lt3A_670 : i1
      %and3A_672 = arith.andi %ne3A_671, %ne3A_666 : i1
      %add3A_673 = arith.addi %rem3A_664, %select_n3A_663 : i32
      %select_n3A_674 = arith.select %and3A_672, %add3A_673, %rem3A_664 : i32
      %add3A_675 = arith.addi %mul3A_658, %select_n3A_674 : i32
      %dma_wait3A_676 = arith.constant 0 : i32
      %dma_wait3A_677 = tpu.memref_slice %arg6[%add3A_675, %dma_wait3A_676] : memref<96x128xi32, #tpu.memory_space<vmem>> -> memref<1x128xi32, #tpu.memory_space<vmem>>
      %dma_wait3A_678 = tpu.memref_squeeze %dma_wait3A_677 : memref<1x128xi32, #tpu.memory_space<vmem>> -> memref<128xi32, #tpu.memory_space<vmem>>
      %dma_wait3A_679 = arith.constant 0 : i32
      %dma_wait3A_680 = arith.constant 0 : i32
      %dma_wait3A_681 = tpu.memref_slice %arg2[%dma_wait3A_679, %dma_wait3A_680] : memref<1048576x32xf32, #tpu.memory_space<hbm>> -> memref<1048576x32xf32, #tpu.memory_space<hbm>>
      tpu.wait_indirect_dma semaphore(%arg23 : memref<!tpu.dma_semaphore, #tpu.memory_space<semaphore_mem>>) src(%dma_wait3A_681 : memref<1048576x32xf32, #tpu.memory_space<hbm>>) dst(%arg13 : memref<128x32xf32, #tpu.memory_space<vmem>>)
      %jit3A_682 = arith.constant 20 : i32
      %div3A_683 = arith.divsi %add3A_632, %jit3A_682 : i32
      %sign3A_684 = arith.constant 0 : i32
      %sign3A_685 = arith.cmpi sgt, %add3A_632, %sign3A_684 : i32
      %sign3A_686 = arith.extui %sign3A_685 : i1 to i32
      %sign3A_687 = arith.constant 0 : i32
      %sign3A_688 = arith.cmpi slt, %add3A_632, %sign3A_687 : i32
      %sign3A_689 = arith.extui %sign3A_688 : i1 to i32
      %sign3A_690 = arith.subi %sign3A_686, %sign3A_689 : i32
      %sign3A_691 = arith.constant 0 : i32
      %sign3A_692 = arith.cmpi sgt, %jit3A_682, %sign3A_691 : i32
      %sign3A_693 = arith.extui %sign3A_692 : i1 to i32
      %sign3A_694 = arith.constant 0 : i32
      %sign3A_695 = arith.cmpi slt, %jit3A_682, %sign3A_694 : i32
      %sign3A_696 = arith.extui %sign3A_695 : i1 to i32
      %sign3A_697 = arith.subi %sign3A_693, %sign3A_696 : i32
      %ne3A_698 = arith.cmpi ne, %sign3A_690, %sign3A_697 : i32
      %rem3A_699 = arith.remsi %add3A_632, %jit3A_682 : i32
      %ne3A_700 = arith.constant 0 : i32
      %ne3A_701 = arith.cmpi ne, %rem3A_699, %ne3A_700 : i32
      %and3A_702 = arith.andi %ne3A_698, %ne3A_701 : i1
      %sub3A_703 = arith.constant 1 : i32
      %sub3A_704 = arith.subi %div3A_683, %sub3A_703 : i32
      %select_n3A_705 = arith.select %and3A_702, %sub3A_704, %div3A_683 : i32
      %dma_start3A_706 = arith.constant 0 : i32
      %dma_start3A_707 = tpu.memref_slice %arg7[%select_n3A_705, %dma_start3A_706] : memref<4x128xi32, #tpu.memory_space<vmem>> -> memref<1x128xi32, #tpu.memory_space<vmem>>
      %dma_start3A_708 = tpu.memref_squeeze %dma_start3A_707 : memref<1x128xi32, #tpu.memory_space<vmem>> -> memref<128xi32, #tpu.memory_space<vmem>>
      %dma_start3A_709 = arith.constant 0 : i32
      %dma_start3A_710 = arith.constant 0 : i32
      %dma_start3A_711 = tpu.memref_slice %arg17[%dma_start3A_709, %dma_start3A_710] : memref<8192x32xf32, #tpu.memory_space<vmem_shared>> -> memref<8192x32xf32, #tpu.memory_space<vmem_shared>>
      tpu.enqueue_indirect_dma source(%arg13 : memref<128x32xf32, #tpu.memory_space<vmem>>) target(%dma_start3A_711 : memref<8192x32xf32, #tpu.memory_space<vmem_shared>>) offsets(%dma_start3A_708 : memref<128xi32, #tpu.memory_space<vmem>>) semaphore(%arg31 : memref<!tpu.dma_semaphore, #tpu.memory_space<semaphore_mem>>) {add = true}
      %add3A_712 = arith.constant 6 : i32
      %add3A_713 = arith.addi %mul3A_226, %add3A_712 : i32
      %jit3A_714 = arith.constant 20 : i32
      %div3A_715 = arith.divsi %add3A_713, %jit3A_714 : i32
      %sign3A_716 = arith.constant 0 : i32
      %sign3A_717 = arith.cmpi sgt, %add3A_713, %sign3A_716 : i32
      %sign3A_718 = arith.extui %sign3A_717 : i1 to i32
      %sign3A_719 = arith.constant 0 : i32
      %sign3A_720 = arith.cmpi slt, %add3A_713, %sign3A_719 : i32
      %sign3A_721 = arith.extui %sign3A_720 : i1 to i32
      %sign3A_722 = arith.subi %sign3A_718, %sign3A_721 : i32
      %sign3A_723 = arith.constant 0 : i32
      %sign3A_724 = arith.cmpi sgt, %jit3A_714, %sign3A_723 : i32
      %sign3A_725 = arith.extui %sign3A_724 : i1 to i32
      %sign3A_726 = arith.constant 0 : i32
      %sign3A_727 = arith.cmpi slt, %jit3A_714, %sign3A_726 : i32
      %sign3A_728 = arith.extui %sign3A_727 : i1 to i32
      %sign3A_729 = arith.subi %sign3A_725, %sign3A_728 : i32
      %ne3A_730 = arith.cmpi ne, %sign3A_722, %sign3A_729 : i32
      %rem3A_731 = arith.remsi %add3A_713, %jit3A_714 : i32
      %ne3A_732 = arith.constant 0 : i32
      %ne3A_733 = arith.cmpi ne, %rem3A_731, %ne3A_732 : i32
      %and3A_734 = arith.andi %ne3A_730, %ne3A_733 : i1
      %sub3A_735 = arith.constant 1 : i32
      %sub3A_736 = arith.subi %div3A_715, %sub3A_735 : i32
      %select_n3A_737 = arith.select %and3A_734, %sub3A_736, %div3A_715 : i32
      %mul3A_738 = arith.constant 24 : i32
      %mul3A_739 = arith.muli %mul3A_738, %select_n3A_737 : i32
      %jit3A_740 = arith.constant 20 : i32
      %eq3A_741 = arith.constant 0 : i32
      %eq3A_742 = arith.cmpi eq, %jit3A_740, %eq3A_741 : i32
      %jit3A_743 = arith.constant 1 : i32
      %select_n3A_744 = arith.select %eq3A_742, %jit3A_743, %jit3A_740 : i32
      %rem3A_745 = arith.remsi %add3A_713, %select_n3A_744 : i32
      %ne3A_746 = arith.constant 0 : i32
      %ne3A_747 = arith.cmpi ne, %rem3A_745, %ne3A_746 : i32
      %lt3A_748 = arith.constant 0 : i32
      %lt3A_749 = arith.cmpi slt, %rem3A_745, %lt3A_748 : i32
      %lt3A_750 = arith.constant 0 : i32
      %lt3A_751 = arith.cmpi slt, %select_n3A_744, %lt3A_750 : i32
      %ne3A_752 = arith.xori %lt3A_749, %lt3A_751 : i1
      %and3A_753 = arith.andi %ne3A_752, %ne3A_747 : i1
      %add3A_754 = arith.addi %rem3A_745, %select_n3A_744 : i32
      %select_n3A_755 = arith.select %and3A_753, %add3A_754, %rem3A_745 : i32
      %add3A_756 = arith.addi %mul3A_739, %select_n3A_755 : i32
      %dma_wait3A_757 = arith.constant 0 : i32
      %dma_wait3A_758 = tpu.memref_slice %arg6[%add3A_756, %dma_wait3A_757] : memref<96x128xi32, #tpu.memory_space<vmem>> -> memref<1x128xi32, #tpu.memory_space<vmem>>
      %dma_wait3A_759 = tpu.memref_squeeze %dma_wait3A_758 : memref<1x128xi32, #tpu.memory_space<vmem>> -> memref<128xi32, #tpu.memory_space<vmem>>
      %dma_wait3A_760 = arith.constant 0 : i32
      %dma_wait3A_761 = arith.constant 0 : i32
      %dma_wait3A_762 = tpu.memref_slice %arg2[%dma_wait3A_760, %dma_wait3A_761] : memref<1048576x32xf32, #tpu.memory_space<hbm>> -> memref<1048576x32xf32, #tpu.memory_space<hbm>>
      tpu.wait_indirect_dma semaphore(%arg24 : memref<!tpu.dma_semaphore, #tpu.memory_space<semaphore_mem>>) src(%dma_wait3A_762 : memref<1048576x32xf32, #tpu.memory_space<hbm>>) dst(%arg14 : memref<128x32xf32, #tpu.memory_space<vmem>>)
      %jit3A_763 = arith.constant 20 : i32
      %div3A_764 = arith.divsi %add3A_713, %jit3A_763 : i32
      %sign3A_765 = arith.constant 0 : i32
      %sign3A_766 = arith.cmpi sgt, %add3A_713, %sign3A_765 : i32
      %sign3A_767 = arith.extui %sign3A_766 : i1 to i32
      %sign3A_768 = arith.constant 0 : i32
      %sign3A_769 = arith.cmpi slt, %add3A_713, %sign3A_768 : i32
      %sign3A_770 = arith.extui %sign3A_769 : i1 to i32
      %sign3A_771 = arith.subi %sign3A_767, %sign3A_770 : i32
      %sign3A_772 = arith.constant 0 : i32
      %sign3A_773 = arith.cmpi sgt, %jit3A_763, %sign3A_772 : i32
      %sign3A_774 = arith.extui %sign3A_773 : i1 to i32
      %sign3A_775 = arith.constant 0 : i32
      %sign3A_776 = arith.cmpi slt, %jit3A_763, %sign3A_775 : i32
      %sign3A_777 = arith.extui %sign3A_776 : i1 to i32
      %sign3A_778 = arith.subi %sign3A_774, %sign3A_777 : i32
      %ne3A_779 = arith.cmpi ne, %sign3A_771, %sign3A_778 : i32
      %rem3A_780 = arith.remsi %add3A_713, %jit3A_763 : i32
      %ne3A_781 = arith.constant 0 : i32
      %ne3A_782 = arith.cmpi ne, %rem3A_780, %ne3A_781 : i32
      %and3A_783 = arith.andi %ne3A_779, %ne3A_782 : i1
      %sub3A_784 = arith.constant 1 : i32
      %sub3A_785 = arith.subi %div3A_764, %sub3A_784 : i32
      %select_n3A_786 = arith.select %and3A_783, %sub3A_785, %div3A_764 : i32
      %dma_start3A_787 = arith.constant 0 : i32
      %dma_start3A_788 = tpu.memref_slice %arg7[%select_n3A_786, %dma_start3A_787] : memref<4x128xi32, #tpu.memory_space<vmem>> -> memref<1x128xi32, #tpu.memory_space<vmem>>
      %dma_start3A_789 = tpu.memref_squeeze %dma_start3A_788 : memref<1x128xi32, #tpu.memory_space<vmem>> -> memref<128xi32, #tpu.memory_space<vmem>>
      %dma_start3A_790 = arith.constant 0 : i32
      %dma_start3A_791 = arith.constant 0 : i32
      %dma_start3A_792 = tpu.memref_slice %arg17[%dma_start3A_790, %dma_start3A_791] : memref<8192x32xf32, #tpu.memory_space<vmem_shared>> -> memref<8192x32xf32, #tpu.memory_space<vmem_shared>>
      tpu.enqueue_indirect_dma source(%arg14 : memref<128x32xf32, #tpu.memory_space<vmem>>) target(%dma_start3A_792 : memref<8192x32xf32, #tpu.memory_space<vmem_shared>>) offsets(%dma_start3A_789 : memref<128xi32, #tpu.memory_space<vmem>>) semaphore(%arg32 : memref<!tpu.dma_semaphore, #tpu.memory_space<semaphore_mem>>) {add = true}
      %add3A_793 = arith.constant 7 : i32
      %add3A_794 = arith.addi %mul3A_226, %add3A_793 : i32
      %jit3A_795 = arith.constant 20 : i32
      %div3A_796 = arith.divsi %add3A_794, %jit3A_795 : i32
      %sign3A_797 = arith.constant 0 : i32
      %sign3A_798 = arith.cmpi sgt, %add3A_794, %sign3A_797 : i32
      %sign3A_799 = arith.extui %sign3A_798 : i1 to i32
      %sign3A_800 = arith.constant 0 : i32
      %sign3A_801 = arith.cmpi slt, %add3A_794, %sign3A_800 : i32
      %sign3A_802 = arith.extui %sign3A_801 : i1 to i32
      %sign3A_803 = arith.subi %sign3A_799, %sign3A_802 : i32
      %sign3A_804 = arith.constant 0 : i32
      %sign3A_805 = arith.cmpi sgt, %jit3A_795, %sign3A_804 : i32
      %sign3A_806 = arith.extui %sign3A_805 : i1 to i32
      %sign3A_807 = arith.constant 0 : i32
      %sign3A_808 = arith.cmpi slt, %jit3A_795, %sign3A_807 : i32
      %sign3A_809 = arith.extui %sign3A_808 : i1 to i32
      %sign3A_810 = arith.subi %sign3A_806, %sign3A_809 : i32
      %ne3A_811 = arith.cmpi ne, %sign3A_803, %sign3A_810 : i32
      %rem3A_812 = arith.remsi %add3A_794, %jit3A_795 : i32
      %ne3A_813 = arith.constant 0 : i32
      %ne3A_814 = arith.cmpi ne, %rem3A_812, %ne3A_813 : i32
      %and3A_815 = arith.andi %ne3A_811, %ne3A_814 : i1
      %sub3A_816 = arith.constant 1 : i32
      %sub3A_817 = arith.subi %div3A_796, %sub3A_816 : i32
      %select_n3A_818 = arith.select %and3A_815, %sub3A_817, %div3A_796 : i32
      %mul3A_819 = arith.constant 24 : i32
      %mul3A_820 = arith.muli %mul3A_819, %select_n3A_818 : i32
      %jit3A_821 = arith.constant 20 : i32
      %eq3A_822 = arith.constant 0 : i32
      %eq3A_823 = arith.cmpi eq, %jit3A_821, %eq3A_822 : i32
      %jit3A_824 = arith.constant 1 : i32
      %select_n3A_825 = arith.select %eq3A_823, %jit3A_824, %jit3A_821 : i32
      %rem3A_826 = arith.remsi %add3A_794, %select_n3A_825 : i32
      %ne3A_827 = arith.constant 0 : i32
      %ne3A_828 = arith.cmpi ne, %rem3A_826, %ne3A_827 : i32
      %lt3A_829 = arith.constant 0 : i32
      %lt3A_830 = arith.cmpi slt, %rem3A_826, %lt3A_829 : i32
      %lt3A_831 = arith.constant 0 : i32
      %lt3A_832 = arith.cmpi slt, %select_n3A_825, %lt3A_831 : i32
      %ne3A_833 = arith.xori %lt3A_830, %lt3A_832 : i1
      %and3A_834 = arith.andi %ne3A_833, %ne3A_828 : i1
      %add3A_835 = arith.addi %rem3A_826, %select_n3A_825 : i32
      %select_n3A_836 = arith.select %and3A_834, %add3A_835, %rem3A_826 : i32
      %add3A_837 = arith.addi %mul3A_820, %select_n3A_836 : i32
      %dma_wait3A_838 = arith.constant 0 : i32
      %dma_wait3A_839 = tpu.memref_slice %arg6[%add3A_837, %dma_wait3A_838] : memref<96x128xi32, #tpu.memory_space<vmem>> -> memref<1x128xi32, #tpu.memory_space<vmem>>
      %dma_wait3A_840 = tpu.memref_squeeze %dma_wait3A_839 : memref<1x128xi32, #tpu.memory_space<vmem>> -> memref<128xi32, #tpu.memory_space<vmem>>
      %dma_wait3A_841 = arith.constant 0 : i32
      %dma_wait3A_842 = arith.constant 0 : i32
      %dma_wait3A_843 = tpu.memref_slice %arg2[%dma_wait3A_841, %dma_wait3A_842] : memref<1048576x32xf32, #tpu.memory_space<hbm>> -> memref<1048576x32xf32, #tpu.memory_space<hbm>>
      tpu.wait_indirect_dma semaphore(%arg25 : memref<!tpu.dma_semaphore, #tpu.memory_space<semaphore_mem>>) src(%dma_wait3A_843 : memref<1048576x32xf32, #tpu.memory_space<hbm>>) dst(%arg15 : memref<128x32xf32, #tpu.memory_space<vmem>>)
      %jit3A_844 = arith.constant 20 : i32
      %div3A_845 = arith.divsi %add3A_794, %jit3A_844 : i32
      %sign3A_846 = arith.constant 0 : i32
      %sign3A_847 = arith.cmpi sgt, %add3A_794, %sign3A_846 : i32
      %sign3A_848 = arith.extui %sign3A_847 : i1 to i32
      %sign3A_849 = arith.constant 0 : i32
      %sign3A_850 = arith.cmpi slt, %add3A_794, %sign3A_849 : i32
      %sign3A_851 = arith.extui %sign3A_850 : i1 to i32
      %sign3A_852 = arith.subi %sign3A_848, %sign3A_851 : i32
      %sign3A_853 = arith.constant 0 : i32
      %sign3A_854 = arith.cmpi sgt, %jit3A_844, %sign3A_853 : i32
      %sign3A_855 = arith.extui %sign3A_854 : i1 to i32
      %sign3A_856 = arith.constant 0 : i32
      %sign3A_857 = arith.cmpi slt, %jit3A_844, %sign3A_856 : i32
      %sign3A_858 = arith.extui %sign3A_857 : i1 to i32
      %sign3A_859 = arith.subi %sign3A_855, %sign3A_858 : i32
      %ne3A_860 = arith.cmpi ne, %sign3A_852, %sign3A_859 : i32
      %rem3A_861 = arith.remsi %add3A_794, %jit3A_844 : i32
      %ne3A_862 = arith.constant 0 : i32
      %ne3A_863 = arith.cmpi ne, %rem3A_861, %ne3A_862 : i32
      %and3A_864 = arith.andi %ne3A_860, %ne3A_863 : i1
      %sub3A_865 = arith.constant 1 : i32
      %sub3A_866 = arith.subi %div3A_845, %sub3A_865 : i32
      %select_n3A_867 = arith.select %and3A_864, %sub3A_866, %div3A_845 : i32
      %dma_start3A_868 = arith.constant 0 : i32
      %dma_start3A_869 = tpu.memref_slice %arg7[%select_n3A_867, %dma_start3A_868] : memref<4x128xi32, #tpu.memory_space<vmem>> -> memref<1x128xi32, #tpu.memory_space<vmem>>
      %dma_start3A_870 = tpu.memref_squeeze %dma_start3A_869 : memref<1x128xi32, #tpu.memory_space<vmem>> -> memref<128xi32, #tpu.memory_space<vmem>>
      %dma_start3A_871 = arith.constant 0 : i32
      %dma_start3A_872 = arith.constant 0 : i32
      %dma_start3A_873 = tpu.memref_slice %arg17[%dma_start3A_871, %dma_start3A_872] : memref<8192x32xf32, #tpu.memory_space<vmem_shared>> -> memref<8192x32xf32, #tpu.memory_space<vmem_shared>>
      tpu.enqueue_indirect_dma source(%arg15 : memref<128x32xf32, #tpu.memory_space<vmem>>) target(%dma_start3A_873 : memref<8192x32xf32, #tpu.memory_space<vmem_shared>>) offsets(%dma_start3A_870 : memref<128xi32, #tpu.memory_space<vmem>>) semaphore(%arg33 : memref<!tpu.dma_semaphore, #tpu.memory_space<semaphore_mem>>) {add = true}
      %add3A_874 = arith.constant 0 : i32
      %add3A_875 = arith.addi %mul3A_226, %add3A_874 : i32
      %jit3A_876 = arith.constant 20 : i32
      %div3A_877 = arith.divsi %add3A_875, %jit3A_876 : i32
      %sign3A_878 = arith.constant 0 : i32
      %sign3A_879 = arith.cmpi sgt, %add3A_875, %sign3A_878 : i32
      %sign3A_880 = arith.extui %sign3A_879 : i1 to i32
      %sign3A_881 = arith.constant 0 : i32
      %sign3A_882 = arith.cmpi slt, %add3A_875, %sign3A_881 : i32
      %sign3A_883 = arith.extui %sign3A_882 : i1 to i32
      %sign3A_884 = arith.subi %sign3A_880, %sign3A_883 : i32
      %sign3A_885 = arith.constant 0 : i32
      %sign3A_886 = arith.cmpi sgt, %jit3A_876, %sign3A_885 : i32
      %sign3A_887 = arith.extui %sign3A_886 : i1 to i32
      %sign3A_888 = arith.constant 0 : i32
      %sign3A_889 = arith.cmpi slt, %jit3A_876, %sign3A_888 : i32
      %sign3A_890 = arith.extui %sign3A_889 : i1 to i32
      %sign3A_891 = arith.subi %sign3A_887, %sign3A_890 : i32
      %ne3A_892 = arith.cmpi ne, %sign3A_884, %sign3A_891 : i32
      %rem3A_893 = arith.remsi %add3A_875, %jit3A_876 : i32
      %ne3A_894 = arith.constant 0 : i32
      %ne3A_895 = arith.cmpi ne, %rem3A_893, %ne3A_894 : i32
      %and3A_896 = arith.andi %ne3A_892, %ne3A_895 : i1
      %sub3A_897 = arith.constant 1 : i32
      %sub3A_898 = arith.subi %div3A_877, %sub3A_897 : i32
      %select_n3A_899 = arith.select %and3A_896, %sub3A_898, %div3A_877 : i32
      %dma_wait3A_900 = arith.constant 0 : i32
      %dma_wait3A_901 = tpu.memref_slice %arg7[%select_n3A_899, %dma_wait3A_900] : memref<4x128xi32, #tpu.memory_space<vmem>> -> memref<1x128xi32, #tpu.memory_space<vmem>>
      %dma_wait3A_902 = tpu.memref_squeeze %dma_wait3A_901 : memref<1x128xi32, #tpu.memory_space<vmem>> -> memref<128xi32, #tpu.memory_space<vmem>>
      %dma_wait3A_903 = arith.constant 0 : i32
      %dma_wait3A_904 = arith.constant 0 : i32
      %dma_wait3A_905 = tpu.memref_slice %arg17[%dma_wait3A_903, %dma_wait3A_904] : memref<8192x32xf32, #tpu.memory_space<vmem_shared>> -> memref<8192x32xf32, #tpu.memory_space<vmem_shared>>
      tpu.wait_indirect_dma semaphore(%arg26 : memref<!tpu.dma_semaphore, #tpu.memory_space<semaphore_mem>>) src(%arg8 : memref<128x32xf32, #tpu.memory_space<vmem>>) dst(%dma_wait3A_905 : memref<8192x32xf32, #tpu.memory_space<vmem_shared>>)
      %add3A_906 = arith.constant 8 : i32
      %add3A_907 = arith.addi %add3A_875, %add3A_906 : i32
      %lt3A_908 = arith.constant 80 : i32
      %lt3A_909 = arith.cmpi slt, %add3A_907, %lt3A_908 : i32
      %convert_element_type3A = arith.extui %lt3A_909 : i1 to i32
      %cond3A = arith.constant 0 : i32
      %cond3A_910 = arith.cmpi ne, %convert_element_type3A, %cond3A : i32
      scf.if %cond3A_910 {
        %add3A_1184 = arith.constant 8 : i32
        %add3A_1185 = arith.addi %add3A_875, %add3A_1184 : i32
        %jit3A_1186 = arith.constant 20 : i32
        %div3A_1187 = arith.divsi %add3A_1185, %jit3A_1186 : i32
        %sign3A_1188 = arith.constant 0 : i32
        %sign3A_1189 = arith.cmpi sgt, %add3A_1185, %sign3A_1188 : i32
        %sign3A_1190 = arith.extui %sign3A_1189 : i1 to i32
        %sign3A_1191 = arith.constant 0 : i32
        %sign3A_1192 = arith.cmpi slt, %add3A_1185, %sign3A_1191 : i32
        %sign3A_1193 = arith.extui %sign3A_1192 : i1 to i32
        %sign3A_1194 = arith.subi %sign3A_1190, %sign3A_1193 : i32
        %sign3A_1195 = arith.constant 0 : i32
        %sign3A_1196 = arith.cmpi sgt, %jit3A_1186, %sign3A_1195 : i32
        %sign3A_1197 = arith.extui %sign3A_1196 : i1 to i32
        %sign3A_1198 = arith.constant 0 : i32
        %sign3A_1199 = arith.cmpi slt, %jit3A_1186, %sign3A_1198 : i32
        %sign3A_1200 = arith.extui %sign3A_1199 : i1 to i32
        %sign3A_1201 = arith.subi %sign3A_1197, %sign3A_1200 : i32
        %ne3A_1202 = arith.cmpi ne, %sign3A_1194, %sign3A_1201 : i32
        %rem3A_1203 = arith.remsi %add3A_1185, %jit3A_1186 : i32
        %ne3A_1204 = arith.constant 0 : i32
        %ne3A_1205 = arith.cmpi ne, %rem3A_1203, %ne3A_1204 : i32
        %and3A_1206 = arith.andi %ne3A_1202, %ne3A_1205 : i1
        %sub3A_1207 = arith.constant 1 : i32
        %sub3A_1208 = arith.subi %div3A_1187, %sub3A_1207 : i32
        %select_n3A_1209 = arith.select %and3A_1206, %sub3A_1208, %div3A_1187 : i32
        %mul3A_1210 = arith.constant 24 : i32
        %mul3A_1211 = arith.muli %mul3A_1210, %select_n3A_1209 : i32
        %jit3A_1212 = arith.constant 20 : i32
        %eq3A_1213 = arith.constant 0 : i32
        %eq3A_1214 = arith.cmpi eq, %jit3A_1212, %eq3A_1213 : i32
        %jit3A_1215 = arith.constant 1 : i32
        %select_n3A_1216 = arith.select %eq3A_1214, %jit3A_1215, %jit3A_1212 : i32
        %rem3A_1217 = arith.remsi %add3A_1185, %select_n3A_1216 : i32
        %ne3A_1218 = arith.constant 0 : i32
        %ne3A_1219 = arith.cmpi ne, %rem3A_1217, %ne3A_1218 : i32
        %lt3A_1220 = arith.constant 0 : i32
        %lt3A_1221 = arith.cmpi slt, %rem3A_1217, %lt3A_1220 : i32
        %lt3A_1222 = arith.constant 0 : i32
        %lt3A_1223 = arith.cmpi slt, %select_n3A_1216, %lt3A_1222 : i32
        %ne3A_1224 = arith.xori %lt3A_1221, %lt3A_1223 : i1
        %and3A_1225 = arith.andi %ne3A_1224, %ne3A_1219 : i1
        %add3A_1226 = arith.addi %rem3A_1217, %select_n3A_1216 : i32
        %select_n3A_1227 = arith.select %and3A_1225, %add3A_1226, %rem3A_1217 : i32
        %add3A_1228 = arith.addi %mul3A_1211, %select_n3A_1227 : i32
        %dma_start3A_1229 = arith.constant 0 : i32
        %dma_start3A_1230 = tpu.memref_slice %arg6[%add3A_1228, %dma_start3A_1229] : memref<96x128xi32, #tpu.memory_space<vmem>> -> memref<1x128xi32, #tpu.memory_space<vmem>>
        %dma_start3A_1231 = tpu.memref_squeeze %dma_start3A_1230 : memref<1x128xi32, #tpu.memory_space<vmem>> -> memref<128xi32, #tpu.memory_space<vmem>>
        %dma_start3A_1232 = arith.constant 0 : i32
        %dma_start3A_1233 = arith.constant 0 : i32
        %dma_start3A_1234 = tpu.memref_slice %arg2[%dma_start3A_1232, %dma_start3A_1233] : memref<1048576x32xf32, #tpu.memory_space<hbm>> -> memref<1048576x32xf32, #tpu.memory_space<hbm>>
        tpu.enqueue_indirect_dma source(%dma_start3A_1234 : memref<1048576x32xf32, #tpu.memory_space<hbm>>) target(%arg8 : memref<128x32xf32, #tpu.memory_space<vmem>>) offsets(%dma_start3A_1231 : memref<128xi32, #tpu.memory_space<vmem>>) semaphore(%arg18 : memref<!tpu.dma_semaphore, #tpu.memory_space<semaphore_mem>>)
      } else {
      }
      %add3A_911 = arith.constant 1 : i32
      %add3A_912 = arith.addi %mul3A_226, %add3A_911 : i32
      %jit3A_913 = arith.constant 20 : i32
      %div3A_914 = arith.divsi %add3A_912, %jit3A_913 : i32
      %sign3A_915 = arith.constant 0 : i32
      %sign3A_916 = arith.cmpi sgt, %add3A_912, %sign3A_915 : i32
      %sign3A_917 = arith.extui %sign3A_916 : i1 to i32
      %sign3A_918 = arith.constant 0 : i32
      %sign3A_919 = arith.cmpi slt, %add3A_912, %sign3A_918 : i32
      %sign3A_920 = arith.extui %sign3A_919 : i1 to i32
      %sign3A_921 = arith.subi %sign3A_917, %sign3A_920 : i32
      %sign3A_922 = arith.constant 0 : i32
      %sign3A_923 = arith.cmpi sgt, %jit3A_913, %sign3A_922 : i32
      %sign3A_924 = arith.extui %sign3A_923 : i1 to i32
      %sign3A_925 = arith.constant 0 : i32
      %sign3A_926 = arith.cmpi slt, %jit3A_913, %sign3A_925 : i32
      %sign3A_927 = arith.extui %sign3A_926 : i1 to i32
      %sign3A_928 = arith.subi %sign3A_924, %sign3A_927 : i32
      %ne3A_929 = arith.cmpi ne, %sign3A_921, %sign3A_928 : i32
      %rem3A_930 = arith.remsi %add3A_912, %jit3A_913 : i32
      %ne3A_931 = arith.constant 0 : i32
      %ne3A_932 = arith.cmpi ne, %rem3A_930, %ne3A_931 : i32
      %and3A_933 = arith.andi %ne3A_929, %ne3A_932 : i1
      %sub3A_934 = arith.constant 1 : i32
      %sub3A_935 = arith.subi %div3A_914, %sub3A_934 : i32
      %select_n3A_936 = arith.select %and3A_933, %sub3A_935, %div3A_914 : i32
      %dma_wait3A_937 = arith.constant 0 : i32
      %dma_wait3A_938 = tpu.memref_slice %arg7[%select_n3A_936, %dma_wait3A_937] : memref<4x128xi32, #tpu.memory_space<vmem>> -> memref<1x128xi32, #tpu.memory_space<vmem>>
      %dma_wait3A_939 = tpu.memref_squeeze %dma_wait3A_938 : memref<1x128xi32, #tpu.memory_space<vmem>> -> memref<128xi32, #tpu.memory_space<vmem>>
      %dma_wait3A_940 = arith.constant 0 : i32
      %dma_wait3A_941 = arith.constant 0 : i32
      %dma_wait3A_942 = tpu.memref_slice %arg17[%dma_wait3A_940, %dma_wait3A_941] : memref<8192x32xf32, #tpu.memory_space<vmem_shared>> -> memref<8192x32xf32, #tpu.memory_space<vmem_shared>>
      tpu.wait_indirect_dma semaphore(%arg27 : memref<!tpu.dma_semaphore, #tpu.memory_space<semaphore_mem>>) src(%arg9 : memref<128x32xf32, #tpu.memory_space<vmem>>) dst(%dma_wait3A_942 : memref<8192x32xf32, #tpu.memory_space<vmem_shared>>)
      %add3A_943 = arith.constant 8 : i32
      %add3A_944 = arith.addi %add3A_912, %add3A_943 : i32
      %lt3A_945 = arith.constant 80 : i32
      %lt3A_946 = arith.cmpi slt, %add3A_944, %lt3A_945 : i32
      %convert_element_type3A_947 = arith.extui %lt3A_946 : i1 to i32
      %cond3A_948 = arith.constant 0 : i32
      %cond3A_949 = arith.cmpi ne, %convert_element_type3A_947, %cond3A_948 : i32
      scf.if %cond3A_949 {
        %add3A_1184 = arith.constant 8 : i32
        %add3A_1185 = arith.addi %add3A_912, %add3A_1184 : i32
        %jit3A_1186 = arith.constant 20 : i32
        %div3A_1187 = arith.divsi %add3A_1185, %jit3A_1186 : i32
        %sign3A_1188 = arith.constant 0 : i32
        %sign3A_1189 = arith.cmpi sgt, %add3A_1185, %sign3A_1188 : i32
        %sign3A_1190 = arith.extui %sign3A_1189 : i1 to i32
        %sign3A_1191 = arith.constant 0 : i32
        %sign3A_1192 = arith.cmpi slt, %add3A_1185, %sign3A_1191 : i32
        %sign3A_1193 = arith.extui %sign3A_1192 : i1 to i32
        %sign3A_1194 = arith.subi %sign3A_1190, %sign3A_1193 : i32
        %sign3A_1195 = arith.constant 0 : i32
        %sign3A_1196 = arith.cmpi sgt, %jit3A_1186, %sign3A_1195 : i32
        %sign3A_1197 = arith.extui %sign3A_1196 : i1 to i32
        %sign3A_1198 = arith.constant 0 : i32
        %sign3A_1199 = arith.cmpi slt, %jit3A_1186, %sign3A_1198 : i32
        %sign3A_1200 = arith.extui %sign3A_1199 : i1 to i32
        %sign3A_1201 = arith.subi %sign3A_1197, %sign3A_1200 : i32
        %ne3A_1202 = arith.cmpi ne, %sign3A_1194, %sign3A_1201 : i32
        %rem3A_1203 = arith.remsi %add3A_1185, %jit3A_1186 : i32
        %ne3A_1204 = arith.constant 0 : i32
        %ne3A_1205 = arith.cmpi ne, %rem3A_1203, %ne3A_1204 : i32
        %and3A_1206 = arith.andi %ne3A_1202, %ne3A_1205 : i1
        %sub3A_1207 = arith.constant 1 : i32
        %sub3A_1208 = arith.subi %div3A_1187, %sub3A_1207 : i32
        %select_n3A_1209 = arith.select %and3A_1206, %sub3A_1208, %div3A_1187 : i32
        %mul3A_1210 = arith.constant 24 : i32
        %mul3A_1211 = arith.muli %mul3A_1210, %select_n3A_1209 : i32
        %jit3A_1212 = arith.constant 20 : i32
        %eq3A_1213 = arith.constant 0 : i32
        %eq3A_1214 = arith.cmpi eq, %jit3A_1212, %eq3A_1213 : i32
        %jit3A_1215 = arith.constant 1 : i32
        %select_n3A_1216 = arith.select %eq3A_1214, %jit3A_1215, %jit3A_1212 : i32
        %rem3A_1217 = arith.remsi %add3A_1185, %select_n3A_1216 : i32
        %ne3A_1218 = arith.constant 0 : i32
        %ne3A_1219 = arith.cmpi ne, %rem3A_1217, %ne3A_1218 : i32
        %lt3A_1220 = arith.constant 0 : i32
        %lt3A_1221 = arith.cmpi slt, %rem3A_1217, %lt3A_1220 : i32
        %lt3A_1222 = arith.constant 0 : i32
        %lt3A_1223 = arith.cmpi slt, %select_n3A_1216, %lt3A_1222 : i32
        %ne3A_1224 = arith.xori %lt3A_1221, %lt3A_1223 : i1
        %and3A_1225 = arith.andi %ne3A_1224, %ne3A_1219 : i1
        %add3A_1226 = arith.addi %rem3A_1217, %select_n3A_1216 : i32
        %select_n3A_1227 = arith.select %and3A_1225, %add3A_1226, %rem3A_1217 : i32
        %add3A_1228 = arith.addi %mul3A_1211, %select_n3A_1227 : i32
        %dma_start3A_1229 = arith.constant 0 : i32
        %dma_start3A_1230 = tpu.memref_slice %arg6[%add3A_1228, %dma_start3A_1229] : memref<96x128xi32, #tpu.memory_space<vmem>> -> memref<1x128xi32, #tpu.memory_space<vmem>>
        %dma_start3A_1231 = tpu.memref_squeeze %dma_start3A_1230 : memref<1x128xi32, #tpu.memory_space<vmem>> -> memref<128xi32, #tpu.memory_space<vmem>>
        %dma_start3A_1232 = arith.constant 0 : i32
        %dma_start3A_1233 = arith.constant 0 : i32
        %dma_start3A_1234 = tpu.memref_slice %arg2[%dma_start3A_1232, %dma_start3A_1233] : memref<1048576x32xf32, #tpu.memory_space<hbm>> -> memref<1048576x32xf32, #tpu.memory_space<hbm>>
        tpu.enqueue_indirect_dma source(%dma_start3A_1234 : memref<1048576x32xf32, #tpu.memory_space<hbm>>) target(%arg9 : memref<128x32xf32, #tpu.memory_space<vmem>>) offsets(%dma_start3A_1231 : memref<128xi32, #tpu.memory_space<vmem>>) semaphore(%arg19 : memref<!tpu.dma_semaphore, #tpu.memory_space<semaphore_mem>>)
      } else {
      }
      %add3A_950 = arith.constant 2 : i32
      %add3A_951 = arith.addi %mul3A_226, %add3A_950 : i32
      %jit3A_952 = arith.constant 20 : i32
      %div3A_953 = arith.divsi %add3A_951, %jit3A_952 : i32
      %sign3A_954 = arith.constant 0 : i32
      %sign3A_955 = arith.cmpi sgt, %add3A_951, %sign3A_954 : i32
      %sign3A_956 = arith.extui %sign3A_955 : i1 to i32
      %sign3A_957 = arith.constant 0 : i32
      %sign3A_958 = arith.cmpi slt, %add3A_951, %sign3A_957 : i32
      %sign3A_959 = arith.extui %sign3A_958 : i1 to i32
      %sign3A_960 = arith.subi %sign3A_956, %sign3A_959 : i32
      %sign3A_961 = arith.constant 0 : i32
      %sign3A_962 = arith.cmpi sgt, %jit3A_952, %sign3A_961 : i32
      %sign3A_963 = arith.extui %sign3A_962 : i1 to i32
      %sign3A_964 = arith.constant 0 : i32
      %sign3A_965 = arith.cmpi slt, %jit3A_952, %sign3A_964 : i32
      %sign3A_966 = arith.extui %sign3A_965 : i1 to i32
      %sign3A_967 = arith.subi %sign3A_963, %sign3A_966 : i32
      %ne3A_968 = arith.cmpi ne, %sign3A_960, %sign3A_967 : i32
      %rem3A_969 = arith.remsi %add3A_951, %jit3A_952 : i32
      %ne3A_970 = arith.constant 0 : i32
      %ne3A_971 = arith.cmpi ne, %rem3A_969, %ne3A_970 : i32
      %and3A_972 = arith.andi %ne3A_968, %ne3A_971 : i1
      %sub3A_973 = arith.constant 1 : i32
      %sub3A_974 = arith.subi %div3A_953, %sub3A_973 : i32
      %select_n3A_975 = arith.select %and3A_972, %sub3A_974, %div3A_953 : i32
      %dma_wait3A_976 = arith.constant 0 : i32
      %dma_wait3A_977 = tpu.memref_slice %arg7[%select_n3A_975, %dma_wait3A_976] : memref<4x128xi32, #tpu.memory_space<vmem>> -> memref<1x128xi32, #tpu.memory_space<vmem>>
      %dma_wait3A_978 = tpu.memref_squeeze %dma_wait3A_977 : memref<1x128xi32, #tpu.memory_space<vmem>> -> memref<128xi32, #tpu.memory_space<vmem>>
      %dma_wait3A_979 = arith.constant 0 : i32
      %dma_wait3A_980 = arith.constant 0 : i32
      %dma_wait3A_981 = tpu.memref_slice %arg17[%dma_wait3A_979, %dma_wait3A_980] : memref<8192x32xf32, #tpu.memory_space<vmem_shared>> -> memref<8192x32xf32, #tpu.memory_space<vmem_shared>>
      tpu.wait_indirect_dma semaphore(%arg28 : memref<!tpu.dma_semaphore, #tpu.memory_space<semaphore_mem>>) src(%arg10 : memref<128x32xf32, #tpu.memory_space<vmem>>) dst(%dma_wait3A_981 : memref<8192x32xf32, #tpu.memory_space<vmem_shared>>)
      %add3A_982 = arith.constant 8 : i32
      %add3A_983 = arith.addi %add3A_951, %add3A_982 : i32
      %lt3A_984 = arith.constant 80 : i32
      %lt3A_985 = arith.cmpi slt, %add3A_983, %lt3A_984 : i32
      %convert_element_type3A_986 = arith.extui %lt3A_985 : i1 to i32
      %cond3A_987 = arith.constant 0 : i32
      %cond3A_988 = arith.cmpi ne, %convert_element_type3A_986, %cond3A_987 : i32
      scf.if %cond3A_988 {
        %add3A_1184 = arith.constant 8 : i32
        %add3A_1185 = arith.addi %add3A_951, %add3A_1184 : i32
        %jit3A_1186 = arith.constant 20 : i32
        %div3A_1187 = arith.divsi %add3A_1185, %jit3A_1186 : i32
        %sign3A_1188 = arith.constant 0 : i32
        %sign3A_1189 = arith.cmpi sgt, %add3A_1185, %sign3A_1188 : i32
        %sign3A_1190 = arith.extui %sign3A_1189 : i1 to i32
        %sign3A_1191 = arith.constant 0 : i32
        %sign3A_1192 = arith.cmpi slt, %add3A_1185, %sign3A_1191 : i32
        %sign3A_1193 = arith.extui %sign3A_1192 : i1 to i32
        %sign3A_1194 = arith.subi %sign3A_1190, %sign3A_1193 : i32
        %sign3A_1195 = arith.constant 0 : i32
        %sign3A_1196 = arith.cmpi sgt, %jit3A_1186, %sign3A_1195 : i32
        %sign3A_1197 = arith.extui %sign3A_1196 : i1 to i32
        %sign3A_1198 = arith.constant 0 : i32
        %sign3A_1199 = arith.cmpi slt, %jit3A_1186, %sign3A_1198 : i32
        %sign3A_1200 = arith.extui %sign3A_1199 : i1 to i32
        %sign3A_1201 = arith.subi %sign3A_1197, %sign3A_1200 : i32
        %ne3A_1202 = arith.cmpi ne, %sign3A_1194, %sign3A_1201 : i32
        %rem3A_1203 = arith.remsi %add3A_1185, %jit3A_1186 : i32
        %ne3A_1204 = arith.constant 0 : i32
        %ne3A_1205 = arith.cmpi ne, %rem3A_1203, %ne3A_1204 : i32
        %and3A_1206 = arith.andi %ne3A_1202, %ne3A_1205 : i1
        %sub3A_1207 = arith.constant 1 : i32
        %sub3A_1208 = arith.subi %div3A_1187, %sub3A_1207 : i32
        %select_n3A_1209 = arith.select %and3A_1206, %sub3A_1208, %div3A_1187 : i32
        %mul3A_1210 = arith.constant 24 : i32
        %mul3A_1211 = arith.muli %mul3A_1210, %select_n3A_1209 : i32
        %jit3A_1212 = arith.constant 20 : i32
        %eq3A_1213 = arith.constant 0 : i32
        %eq3A_1214 = arith.cmpi eq, %jit3A_1212, %eq3A_1213 : i32
        %jit3A_1215 = arith.constant 1 : i32
        %select_n3A_1216 = arith.select %eq3A_1214, %jit3A_1215, %jit3A_1212 : i32
        %rem3A_1217 = arith.remsi %add3A_1185, %select_n3A_1216 : i32
        %ne3A_1218 = arith.constant 0 : i32
        %ne3A_1219 = arith.cmpi ne, %rem3A_1217, %ne3A_1218 : i32
        %lt3A_1220 = arith.constant 0 : i32
        %lt3A_1221 = arith.cmpi slt, %rem3A_1217, %lt3A_1220 : i32
        %lt3A_1222 = arith.constant 0 : i32
        %lt3A_1223 = arith.cmpi slt, %select_n3A_1216, %lt3A_1222 : i32
        %ne3A_1224 = arith.xori %lt3A_1221, %lt3A_1223 : i1
        %and3A_1225 = arith.andi %ne3A_1224, %ne3A_1219 : i1
        %add3A_1226 = arith.addi %rem3A_1217, %select_n3A_1216 : i32
        %select_n3A_1227 = arith.select %and3A_1225, %add3A_1226, %rem3A_1217 : i32
        %add3A_1228 = arith.addi %mul3A_1211, %select_n3A_1227 : i32
        %dma_start3A_1229 = arith.constant 0 : i32
        %dma_start3A_1230 = tpu.memref_slice %arg6[%add3A_1228, %dma_start3A_1229] : memref<96x128xi32, #tpu.memory_space<vmem>> -> memref<1x128xi32, #tpu.memory_space<vmem>>
        %dma_start3A_1231 = tpu.memref_squeeze %dma_start3A_1230 : memref<1x128xi32, #tpu.memory_space<vmem>> -> memref<128xi32, #tpu.memory_space<vmem>>
        %dma_start3A_1232 = arith.constant 0 : i32
        %dma_start3A_1233 = arith.constant 0 : i32
        %dma_start3A_1234 = tpu.memref_slice %arg2[%dma_start3A_1232, %dma_start3A_1233] : memref<1048576x32xf32, #tpu.memory_space<hbm>> -> memref<1048576x32xf32, #tpu.memory_space<hbm>>
        tpu.enqueue_indirect_dma source(%dma_start3A_1234 : memref<1048576x32xf32, #tpu.memory_space<hbm>>) target(%arg10 : memref<128x32xf32, #tpu.memory_space<vmem>>) offsets(%dma_start3A_1231 : memref<128xi32, #tpu.memory_space<vmem>>) semaphore(%arg20 : memref<!tpu.dma_semaphore, #tpu.memory_space<semaphore_mem>>)
      } else {
      }
      %add3A_989 = arith.constant 3 : i32
      %add3A_990 = arith.addi %mul3A_226, %add3A_989 : i32
      %jit3A_991 = arith.constant 20 : i32
      %div3A_992 = arith.divsi %add3A_990, %jit3A_991 : i32
      %sign3A_993 = arith.constant 0 : i32
      %sign3A_994 = arith.cmpi sgt, %add3A_990, %sign3A_993 : i32
      %sign3A_995 = arith.extui %sign3A_994 : i1 to i32
      %sign3A_996 = arith.constant 0 : i32
      %sign3A_997 = arith.cmpi slt, %add3A_990, %sign3A_996 : i32
      %sign3A_998 = arith.extui %sign3A_997 : i1 to i32
      %sign3A_999 = arith.subi %sign3A_995, %sign3A_998 : i32
      %sign3A_1000 = arith.constant 0 : i32
      %sign3A_1001 = arith.cmpi sgt, %jit3A_991, %sign3A_1000 : i32
      %sign3A_1002 = arith.extui %sign3A_1001 : i1 to i32
      %sign3A_1003 = arith.constant 0 : i32
      %sign3A_1004 = arith.cmpi slt, %jit3A_991, %sign3A_1003 : i32
      %sign3A_1005 = arith.extui %sign3A_1004 : i1 to i32
      %sign3A_1006 = arith.subi %sign3A_1002, %sign3A_1005 : i32
      %ne3A_1007 = arith.cmpi ne, %sign3A_999, %sign3A_1006 : i32
      %rem3A_1008 = arith.remsi %add3A_990, %jit3A_991 : i32
      %ne3A_1009 = arith.constant 0 : i32
      %ne3A_1010 = arith.cmpi ne, %rem3A_1008, %ne3A_1009 : i32
      %and3A_1011 = arith.andi %ne3A_1007, %ne3A_1010 : i1
      %sub3A_1012 = arith.constant 1 : i32
      %sub3A_1013 = arith.subi %div3A_992, %sub3A_1012 : i32
      %select_n3A_1014 = arith.select %and3A_1011, %sub3A_1013, %div3A_992 : i32
      %dma_wait3A_1015 = arith.constant 0 : i32
      %dma_wait3A_1016 = tpu.memref_slice %arg7[%select_n3A_1014, %dma_wait3A_1015] : memref<4x128xi32, #tpu.memory_space<vmem>> -> memref<1x128xi32, #tpu.memory_space<vmem>>
      %dma_wait3A_1017 = tpu.memref_squeeze %dma_wait3A_1016 : memref<1x128xi32, #tpu.memory_space<vmem>> -> memref<128xi32, #tpu.memory_space<vmem>>
      %dma_wait3A_1018 = arith.constant 0 : i32
      %dma_wait3A_1019 = arith.constant 0 : i32
      %dma_wait3A_1020 = tpu.memref_slice %arg17[%dma_wait3A_1018, %dma_wait3A_1019] : memref<8192x32xf32, #tpu.memory_space<vmem_shared>> -> memref<8192x32xf32, #tpu.memory_space<vmem_shared>>
      tpu.wait_indirect_dma semaphore(%arg29 : memref<!tpu.dma_semaphore, #tpu.memory_space<semaphore_mem>>) src(%arg11 : memref<128x32xf32, #tpu.memory_space<vmem>>) dst(%dma_wait3A_1020 : memref<8192x32xf32, #tpu.memory_space<vmem_shared>>)
      %add3A_1021 = arith.constant 8 : i32
      %add3A_1022 = arith.addi %add3A_990, %add3A_1021 : i32
      %lt3A_1023 = arith.constant 80 : i32
      %lt3A_1024 = arith.cmpi slt, %add3A_1022, %lt3A_1023 : i32
      %convert_element_type3A_1025 = arith.extui %lt3A_1024 : i1 to i32
      %cond3A_1026 = arith.constant 0 : i32
      %cond3A_1027 = arith.cmpi ne, %convert_element_type3A_1025, %cond3A_1026 : i32
      scf.if %cond3A_1027 {
        %add3A_1184 = arith.constant 8 : i32
        %add3A_1185 = arith.addi %add3A_990, %add3A_1184 : i32
        %jit3A_1186 = arith.constant 20 : i32
        %div3A_1187 = arith.divsi %add3A_1185, %jit3A_1186 : i32
        %sign3A_1188 = arith.constant 0 : i32
        %sign3A_1189 = arith.cmpi sgt, %add3A_1185, %sign3A_1188 : i32
        %sign3A_1190 = arith.extui %sign3A_1189 : i1 to i32
        %sign3A_1191 = arith.constant 0 : i32
        %sign3A_1192 = arith.cmpi slt, %add3A_1185, %sign3A_1191 : i32
        %sign3A_1193 = arith.extui %sign3A_1192 : i1 to i32
        %sign3A_1194 = arith.subi %sign3A_1190, %sign3A_1193 : i32
        %sign3A_1195 = arith.constant 0 : i32
        %sign3A_1196 = arith.cmpi sgt, %jit3A_1186, %sign3A_1195 : i32
        %sign3A_1197 = arith.extui %sign3A_1196 : i1 to i32
        %sign3A_1198 = arith.constant 0 : i32
        %sign3A_1199 = arith.cmpi slt, %jit3A_1186, %sign3A_1198 : i32
        %sign3A_1200 = arith.extui %sign3A_1199 : i1 to i32
        %sign3A_1201 = arith.subi %sign3A_1197, %sign3A_1200 : i32
        %ne3A_1202 = arith.cmpi ne, %sign3A_1194, %sign3A_1201 : i32
        %rem3A_1203 = arith.remsi %add3A_1185, %jit3A_1186 : i32
        %ne3A_1204 = arith.constant 0 : i32
        %ne3A_1205 = arith.cmpi ne, %rem3A_1203, %ne3A_1204 : i32
        %and3A_1206 = arith.andi %ne3A_1202, %ne3A_1205 : i1
        %sub3A_1207 = arith.constant 1 : i32
        %sub3A_1208 = arith.subi %div3A_1187, %sub3A_1207 : i32
        %select_n3A_1209 = arith.select %and3A_1206, %sub3A_1208, %div3A_1187 : i32
        %mul3A_1210 = arith.constant 24 : i32
        %mul3A_1211 = arith.muli %mul3A_1210, %select_n3A_1209 : i32
        %jit3A_1212 = arith.constant 20 : i32
        %eq3A_1213 = arith.constant 0 : i32
        %eq3A_1214 = arith.cmpi eq, %jit3A_1212, %eq3A_1213 : i32
        %jit3A_1215 = arith.constant 1 : i32
        %select_n3A_1216 = arith.select %eq3A_1214, %jit3A_1215, %jit3A_1212 : i32
        %rem3A_1217 = arith.remsi %add3A_1185, %select_n3A_1216 : i32
        %ne3A_1218 = arith.constant 0 : i32
        %ne3A_1219 = arith.cmpi ne, %rem3A_1217, %ne3A_1218 : i32
        %lt3A_1220 = arith.constant 0 : i32
        %lt3A_1221 = arith.cmpi slt, %rem3A_1217, %lt3A_1220 : i32
        %lt3A_1222 = arith.constant 0 : i32
        %lt3A_1223 = arith.cmpi slt, %select_n3A_1216, %lt3A_1222 : i32
        %ne3A_1224 = arith.xori %lt3A_1221, %lt3A_1223 : i1
        %and3A_1225 = arith.andi %ne3A_1224, %ne3A_1219 : i1
        %add3A_1226 = arith.addi %rem3A_1217, %select_n3A_1216 : i32
        %select_n3A_1227 = arith.select %and3A_1225, %add3A_1226, %rem3A_1217 : i32
        %add3A_1228 = arith.addi %mul3A_1211, %select_n3A_1227 : i32
        %dma_start3A_1229 = arith.constant 0 : i32
        %dma_start3A_1230 = tpu.memref_slice %arg6[%add3A_1228, %dma_start3A_1229] : memref<96x128xi32, #tpu.memory_space<vmem>> -> memref<1x128xi32, #tpu.memory_space<vmem>>
        %dma_start3A_1231 = tpu.memref_squeeze %dma_start3A_1230 : memref<1x128xi32, #tpu.memory_space<vmem>> -> memref<128xi32, #tpu.memory_space<vmem>>
        %dma_start3A_1232 = arith.constant 0 : i32
        %dma_start3A_1233 = arith.constant 0 : i32
        %dma_start3A_1234 = tpu.memref_slice %arg2[%dma_start3A_1232, %dma_start3A_1233] : memref<1048576x32xf32, #tpu.memory_space<hbm>> -> memref<1048576x32xf32, #tpu.memory_space<hbm>>
        tpu.enqueue_indirect_dma source(%dma_start3A_1234 : memref<1048576x32xf32, #tpu.memory_space<hbm>>) target(%arg11 : memref<128x32xf32, #tpu.memory_space<vmem>>) offsets(%dma_start3A_1231 : memref<128xi32, #tpu.memory_space<vmem>>) semaphore(%arg21 : memref<!tpu.dma_semaphore, #tpu.memory_space<semaphore_mem>>)
      } else {
      }
      %add3A_1028 = arith.constant 4 : i32
      %add3A_1029 = arith.addi %mul3A_226, %add3A_1028 : i32
      %jit3A_1030 = arith.constant 20 : i32
      %div3A_1031 = arith.divsi %add3A_1029, %jit3A_1030 : i32
      %sign3A_1032 = arith.constant 0 : i32
      %sign3A_1033 = arith.cmpi sgt, %add3A_1029, %sign3A_1032 : i32
      %sign3A_1034 = arith.extui %sign3A_1033 : i1 to i32
      %sign3A_1035 = arith.constant 0 : i32
      %sign3A_1036 = arith.cmpi slt, %add3A_1029, %sign3A_1035 : i32
      %sign3A_1037 = arith.extui %sign3A_1036 : i1 to i32
      %sign3A_1038 = arith.subi %sign3A_1034, %sign3A_1037 : i32
      %sign3A_1039 = arith.constant 0 : i32
      %sign3A_1040 = arith.cmpi sgt, %jit3A_1030, %sign3A_1039 : i32
      %sign3A_1041 = arith.extui %sign3A_1040 : i1 to i32
      %sign3A_1042 = arith.constant 0 : i32
      %sign3A_1043 = arith.cmpi slt, %jit3A_1030, %sign3A_1042 : i32
      %sign3A_1044 = arith.extui %sign3A_1043 : i1 to i32
      %sign3A_1045 = arith.subi %sign3A_1041, %sign3A_1044 : i32
      %ne3A_1046 = arith.cmpi ne, %sign3A_1038, %sign3A_1045 : i32
      %rem3A_1047 = arith.remsi %add3A_1029, %jit3A_1030 : i32
      %ne3A_1048 = arith.constant 0 : i32
      %ne3A_1049 = arith.cmpi ne, %rem3A_1047, %ne3A_1048 : i32
      %and3A_1050 = arith.andi %ne3A_1046, %ne3A_1049 : i1
      %sub3A_1051 = arith.constant 1 : i32
      %sub3A_1052 = arith.subi %div3A_1031, %sub3A_1051 : i32
      %select_n3A_1053 = arith.select %and3A_1050, %sub3A_1052, %div3A_1031 : i32
      %dma_wait3A_1054 = arith.constant 0 : i32
      %dma_wait3A_1055 = tpu.memref_slice %arg7[%select_n3A_1053, %dma_wait3A_1054] : memref<4x128xi32, #tpu.memory_space<vmem>> -> memref<1x128xi32, #tpu.memory_space<vmem>>
      %dma_wait3A_1056 = tpu.memref_squeeze %dma_wait3A_1055 : memref<1x128xi32, #tpu.memory_space<vmem>> -> memref<128xi32, #tpu.memory_space<vmem>>
      %dma_wait3A_1057 = arith.constant 0 : i32
      %dma_wait3A_1058 = arith.constant 0 : i32
      %dma_wait3A_1059 = tpu.memref_slice %arg17[%dma_wait3A_1057, %dma_wait3A_1058] : memref<8192x32xf32, #tpu.memory_space<vmem_shared>> -> memref<8192x32xf32, #tpu.memory_space<vmem_shared>>
      tpu.wait_indirect_dma semaphore(%arg30 : memref<!tpu.dma_semaphore, #tpu.memory_space<semaphore_mem>>) src(%arg12 : memref<128x32xf32, #tpu.memory_space<vmem>>) dst(%dma_wait3A_1059 : memref<8192x32xf32, #tpu.memory_space<vmem_shared>>)
      %add3A_1060 = arith.constant 8 : i32
      %add3A_1061 = arith.addi %add3A_1029, %add3A_1060 : i32
      %lt3A_1062 = arith.constant 80 : i32
      %lt3A_1063 = arith.cmpi slt, %add3A_1061, %lt3A_1062 : i32
      %convert_element_type3A_1064 = arith.extui %lt3A_1063 : i1 to i32
      %cond3A_1065 = arith.constant 0 : i32
      %cond3A_1066 = arith.cmpi ne, %convert_element_type3A_1064, %cond3A_1065 : i32
      scf.if %cond3A_1066 {
        %add3A_1184 = arith.constant 8 : i32
        %add3A_1185 = arith.addi %add3A_1029, %add3A_1184 : i32
        %jit3A_1186 = arith.constant 20 : i32
        %div3A_1187 = arith.divsi %add3A_1185, %jit3A_1186 : i32
        %sign3A_1188 = arith.constant 0 : i32
        %sign3A_1189 = arith.cmpi sgt, %add3A_1185, %sign3A_1188 : i32
        %sign3A_1190 = arith.extui %sign3A_1189 : i1 to i32
        %sign3A_1191 = arith.constant 0 : i32
        %sign3A_1192 = arith.cmpi slt, %add3A_1185, %sign3A_1191 : i32
        %sign3A_1193 = arith.extui %sign3A_1192 : i1 to i32
        %sign3A_1194 = arith.subi %sign3A_1190, %sign3A_1193 : i32
        %sign3A_1195 = arith.constant 0 : i32
        %sign3A_1196 = arith.cmpi sgt, %jit3A_1186, %sign3A_1195 : i32
        %sign3A_1197 = arith.extui %sign3A_1196 : i1 to i32
        %sign3A_1198 = arith.constant 0 : i32
        %sign3A_1199 = arith.cmpi slt, %jit3A_1186, %sign3A_1198 : i32
        %sign3A_1200 = arith.extui %sign3A_1199 : i1 to i32
        %sign3A_1201 = arith.subi %sign3A_1197, %sign3A_1200 : i32
        %ne3A_1202 = arith.cmpi ne, %sign3A_1194, %sign3A_1201 : i32
        %rem3A_1203 = arith.remsi %add3A_1185, %jit3A_1186 : i32
        %ne3A_1204 = arith.constant 0 : i32
        %ne3A_1205 = arith.cmpi ne, %rem3A_1203, %ne3A_1204 : i32
        %and3A_1206 = arith.andi %ne3A_1202, %ne3A_1205 : i1
        %sub3A_1207 = arith.constant 1 : i32
        %sub3A_1208 = arith.subi %div3A_1187, %sub3A_1207 : i32
        %select_n3A_1209 = arith.select %and3A_1206, %sub3A_1208, %div3A_1187 : i32
        %mul3A_1210 = arith.constant 24 : i32
        %mul3A_1211 = arith.muli %mul3A_1210, %select_n3A_1209 : i32
        %jit3A_1212 = arith.constant 20 : i32
        %eq3A_1213 = arith.constant 0 : i32
        %eq3A_1214 = arith.cmpi eq, %jit3A_1212, %eq3A_1213 : i32
        %jit3A_1215 = arith.constant 1 : i32
        %select_n3A_1216 = arith.select %eq3A_1214, %jit3A_1215, %jit3A_1212 : i32
        %rem3A_1217 = arith.remsi %add3A_1185, %select_n3A_1216 : i32
        %ne3A_1218 = arith.constant 0 : i32
        %ne3A_1219 = arith.cmpi ne, %rem3A_1217, %ne3A_1218 : i32
        %lt3A_1220 = arith.constant 0 : i32
        %lt3A_1221 = arith.cmpi slt, %rem3A_1217, %lt3A_1220 : i32
        %lt3A_1222 = arith.constant 0 : i32
        %lt3A_1223 = arith.cmpi slt, %select_n3A_1216, %lt3A_1222 : i32
        %ne3A_1224 = arith.xori %lt3A_1221, %lt3A_1223 : i1
        %and3A_1225 = arith.andi %ne3A_1224, %ne3A_1219 : i1
        %add3A_1226 = arith.addi %rem3A_1217, %select_n3A_1216 : i32
        %select_n3A_1227 = arith.select %and3A_1225, %add3A_1226, %rem3A_1217 : i32
        %add3A_1228 = arith.addi %mul3A_1211, %select_n3A_1227 : i32
        %dma_start3A_1229 = arith.constant 0 : i32
        %dma_start3A_1230 = tpu.memref_slice %arg6[%add3A_1228, %dma_start3A_1229] : memref<96x128xi32, #tpu.memory_space<vmem>> -> memref<1x128xi32, #tpu.memory_space<vmem>>
        %dma_start3A_1231 = tpu.memref_squeeze %dma_start3A_1230 : memref<1x128xi32, #tpu.memory_space<vmem>> -> memref<128xi32, #tpu.memory_space<vmem>>
        %dma_start3A_1232 = arith.constant 0 : i32
        %dma_start3A_1233 = arith.constant 0 : i32
        %dma_start3A_1234 = tpu.memref_slice %arg2[%dma_start3A_1232, %dma_start3A_1233] : memref<1048576x32xf32, #tpu.memory_space<hbm>> -> memref<1048576x32xf32, #tpu.memory_space<hbm>>
        tpu.enqueue_indirect_dma source(%dma_start3A_1234 : memref<1048576x32xf32, #tpu.memory_space<hbm>>) target(%arg12 : memref<128x32xf32, #tpu.memory_space<vmem>>) offsets(%dma_start3A_1231 : memref<128xi32, #tpu.memory_space<vmem>>) semaphore(%arg22 : memref<!tpu.dma_semaphore, #tpu.memory_space<semaphore_mem>>)
      } else {
      }
      %add3A_1067 = arith.constant 5 : i32
      %add3A_1068 = arith.addi %mul3A_226, %add3A_1067 : i32
      %jit3A_1069 = arith.constant 20 : i32
      %div3A_1070 = arith.divsi %add3A_1068, %jit3A_1069 : i32
      %sign3A_1071 = arith.constant 0 : i32
      %sign3A_1072 = arith.cmpi sgt, %add3A_1068, %sign3A_1071 : i32
      %sign3A_1073 = arith.extui %sign3A_1072 : i1 to i32
      %sign3A_1074 = arith.constant 0 : i32
      %sign3A_1075 = arith.cmpi slt, %add3A_1068, %sign3A_1074 : i32
      %sign3A_1076 = arith.extui %sign3A_1075 : i1 to i32
      %sign3A_1077 = arith.subi %sign3A_1073, %sign3A_1076 : i32
      %sign3A_1078 = arith.constant 0 : i32
      %sign3A_1079 = arith.cmpi sgt, %jit3A_1069, %sign3A_1078 : i32
      %sign3A_1080 = arith.extui %sign3A_1079 : i1 to i32
      %sign3A_1081 = arith.constant 0 : i32
      %sign3A_1082 = arith.cmpi slt, %jit3A_1069, %sign3A_1081 : i32
      %sign3A_1083 = arith.extui %sign3A_1082 : i1 to i32
      %sign3A_1084 = arith.subi %sign3A_1080, %sign3A_1083 : i32
      %ne3A_1085 = arith.cmpi ne, %sign3A_1077, %sign3A_1084 : i32
      %rem3A_1086 = arith.remsi %add3A_1068, %jit3A_1069 : i32
      %ne3A_1087 = arith.constant 0 : i32
      %ne3A_1088 = arith.cmpi ne, %rem3A_1086, %ne3A_1087 : i32
      %and3A_1089 = arith.andi %ne3A_1085, %ne3A_1088 : i1
      %sub3A_1090 = arith.constant 1 : i32
      %sub3A_1091 = arith.subi %div3A_1070, %sub3A_1090 : i32
      %select_n3A_1092 = arith.select %and3A_1089, %sub3A_1091, %div3A_1070 : i32
      %dma_wait3A_1093 = arith.constant 0 : i32
      %dma_wait3A_1094 = tpu.memref_slice %arg7[%select_n3A_1092, %dma_wait3A_1093] : memref<4x128xi32, #tpu.memory_space<vmem>> -> memref<1x128xi32, #tpu.memory_space<vmem>>
      %dma_wait3A_1095 = tpu.memref_squeeze %dma_wait3A_1094 : memref<1x128xi32, #tpu.memory_space<vmem>> -> memref<128xi32, #tpu.memory_space<vmem>>
      %dma_wait3A_1096 = arith.constant 0 : i32
      %dma_wait3A_1097 = arith.constant 0 : i32
      %dma_wait3A_1098 = tpu.memref_slice %arg17[%dma_wait3A_1096, %dma_wait3A_1097] : memref<8192x32xf32, #tpu.memory_space<vmem_shared>> -> memref<8192x32xf32, #tpu.memory_space<vmem_shared>>
      tpu.wait_indirect_dma semaphore(%arg31 : memref<!tpu.dma_semaphore, #tpu.memory_space<semaphore_mem>>) src(%arg13 : memref<128x32xf32, #tpu.memory_space<vmem>>) dst(%dma_wait3A_1098 : memref<8192x32xf32, #tpu.memory_space<vmem_shared>>)
      %add3A_1099 = arith.constant 8 : i32
      %add3A_1100 = arith.addi %add3A_1068, %add3A_1099 : i32
      %lt3A_1101 = arith.constant 80 : i32
      %lt3A_1102 = arith.cmpi slt, %add3A_1100, %lt3A_1101 : i32
      %convert_element_type3A_1103 = arith.extui %lt3A_1102 : i1 to i32
      %cond3A_1104 = arith.constant 0 : i32
      %cond3A_1105 = arith.cmpi ne, %convert_element_type3A_1103, %cond3A_1104 : i32
      scf.if %cond3A_1105 {
        %add3A_1184 = arith.constant 8 : i32
        %add3A_1185 = arith.addi %add3A_1068, %add3A_1184 : i32
        %jit3A_1186 = arith.constant 20 : i32
        %div3A_1187 = arith.divsi %add3A_1185, %jit3A_1186 : i32
        %sign3A_1188 = arith.constant 0 : i32
        %sign3A_1189 = arith.cmpi sgt, %add3A_1185, %sign3A_1188 : i32
        %sign3A_1190 = arith.extui %sign3A_1189 : i1 to i32
        %sign3A_1191 = arith.constant 0 : i32
        %sign3A_1192 = arith.cmpi slt, %add3A_1185, %sign3A_1191 : i32
        %sign3A_1193 = arith.extui %sign3A_1192 : i1 to i32
        %sign3A_1194 = arith.subi %sign3A_1190, %sign3A_1193 : i32
        %sign3A_1195 = arith.constant 0 : i32
        %sign3A_1196 = arith.cmpi sgt, %jit3A_1186, %sign3A_1195 : i32
        %sign3A_1197 = arith.extui %sign3A_1196 : i1 to i32
        %sign3A_1198 = arith.constant 0 : i32
        %sign3A_1199 = arith.cmpi slt, %jit3A_1186, %sign3A_1198 : i32
        %sign3A_1200 = arith.extui %sign3A_1199 : i1 to i32
        %sign3A_1201 = arith.subi %sign3A_1197, %sign3A_1200 : i32
        %ne3A_1202 = arith.cmpi ne, %sign3A_1194, %sign3A_1201 : i32
        %rem3A_1203 = arith.remsi %add3A_1185, %jit3A_1186 : i32
        %ne3A_1204 = arith.constant 0 : i32
        %ne3A_1205 = arith.cmpi ne, %rem3A_1203, %ne3A_1204 : i32
        %and3A_1206 = arith.andi %ne3A_1202, %ne3A_1205 : i1
        %sub3A_1207 = arith.constant 1 : i32
        %sub3A_1208 = arith.subi %div3A_1187, %sub3A_1207 : i32
        %select_n3A_1209 = arith.select %and3A_1206, %sub3A_1208, %div3A_1187 : i32
        %mul3A_1210 = arith.constant 24 : i32
        %mul3A_1211 = arith.muli %mul3A_1210, %select_n3A_1209 : i32
        %jit3A_1212 = arith.constant 20 : i32
        %eq3A_1213 = arith.constant 0 : i32
        %eq3A_1214 = arith.cmpi eq, %jit3A_1212, %eq3A_1213 : i32
        %jit3A_1215 = arith.constant 1 : i32
        %select_n3A_1216 = arith.select %eq3A_1214, %jit3A_1215, %jit3A_1212 : i32
        %rem3A_1217 = arith.remsi %add3A_1185, %select_n3A_1216 : i32
        %ne3A_1218 = arith.constant 0 : i32
        %ne3A_1219 = arith.cmpi ne, %rem3A_1217, %ne3A_1218 : i32
        %lt3A_1220 = arith.constant 0 : i32
        %lt3A_1221 = arith.cmpi slt, %rem3A_1217, %lt3A_1220 : i32
        %lt3A_1222 = arith.constant 0 : i32
        %lt3A_1223 = arith.cmpi slt, %select_n3A_1216, %lt3A_1222 : i32
        %ne3A_1224 = arith.xori %lt3A_1221, %lt3A_1223 : i1
        %and3A_1225 = arith.andi %ne3A_1224, %ne3A_1219 : i1
        %add3A_1226 = arith.addi %rem3A_1217, %select_n3A_1216 : i32
        %select_n3A_1227 = arith.select %and3A_1225, %add3A_1226, %rem3A_1217 : i32
        %add3A_1228 = arith.addi %mul3A_1211, %select_n3A_1227 : i32
        %dma_start3A_1229 = arith.constant 0 : i32
        %dma_start3A_1230 = tpu.memref_slice %arg6[%add3A_1228, %dma_start3A_1229] : memref<96x128xi32, #tpu.memory_space<vmem>> -> memref<1x128xi32, #tpu.memory_space<vmem>>
        %dma_start3A_1231 = tpu.memref_squeeze %dma_start3A_1230 : memref<1x128xi32, #tpu.memory_space<vmem>> -> memref<128xi32, #tpu.memory_space<vmem>>
        %dma_start3A_1232 = arith.constant 0 : i32
        %dma_start3A_1233 = arith.constant 0 : i32
        %dma_start3A_1234 = tpu.memref_slice %arg2[%dma_start3A_1232, %dma_start3A_1233] : memref<1048576x32xf32, #tpu.memory_space<hbm>> -> memref<1048576x32xf32, #tpu.memory_space<hbm>>
        tpu.enqueue_indirect_dma source(%dma_start3A_1234 : memref<1048576x32xf32, #tpu.memory_space<hbm>>) target(%arg13 : memref<128x32xf32, #tpu.memory_space<vmem>>) offsets(%dma_start3A_1231 : memref<128xi32, #tpu.memory_space<vmem>>) semaphore(%arg23 : memref<!tpu.dma_semaphore, #tpu.memory_space<semaphore_mem>>)
      } else {
      }
      %add3A_1106 = arith.constant 6 : i32
      %add3A_1107 = arith.addi %mul3A_226, %add3A_1106 : i32
      %jit3A_1108 = arith.constant 20 : i32
      %div3A_1109 = arith.divsi %add3A_1107, %jit3A_1108 : i32
      %sign3A_1110 = arith.constant 0 : i32
      %sign3A_1111 = arith.cmpi sgt, %add3A_1107, %sign3A_1110 : i32
      %sign3A_1112 = arith.extui %sign3A_1111 : i1 to i32
      %sign3A_1113 = arith.constant 0 : i32
      %sign3A_1114 = arith.cmpi slt, %add3A_1107, %sign3A_1113 : i32
      %sign3A_1115 = arith.extui %sign3A_1114 : i1 to i32
      %sign3A_1116 = arith.subi %sign3A_1112, %sign3A_1115 : i32
      %sign3A_1117 = arith.constant 0 : i32
      %sign3A_1118 = arith.cmpi sgt, %jit3A_1108, %sign3A_1117 : i32
      %sign3A_1119 = arith.extui %sign3A_1118 : i1 to i32
      %sign3A_1120 = arith.constant 0 : i32
      %sign3A_1121 = arith.cmpi slt, %jit3A_1108, %sign3A_1120 : i32
      %sign3A_1122 = arith.extui %sign3A_1121 : i1 to i32
      %sign3A_1123 = arith.subi %sign3A_1119, %sign3A_1122 : i32
      %ne3A_1124 = arith.cmpi ne, %sign3A_1116, %sign3A_1123 : i32
      %rem3A_1125 = arith.remsi %add3A_1107, %jit3A_1108 : i32
      %ne3A_1126 = arith.constant 0 : i32
      %ne3A_1127 = arith.cmpi ne, %rem3A_1125, %ne3A_1126 : i32
      %and3A_1128 = arith.andi %ne3A_1124, %ne3A_1127 : i1
      %sub3A_1129 = arith.constant 1 : i32
      %sub3A_1130 = arith.subi %div3A_1109, %sub3A_1129 : i32
      %select_n3A_1131 = arith.select %and3A_1128, %sub3A_1130, %div3A_1109 : i32
      %dma_wait3A_1132 = arith.constant 0 : i32
      %dma_wait3A_1133 = tpu.memref_slice %arg7[%select_n3A_1131, %dma_wait3A_1132] : memref<4x128xi32, #tpu.memory_space<vmem>> -> memref<1x128xi32, #tpu.memory_space<vmem>>
      %dma_wait3A_1134 = tpu.memref_squeeze %dma_wait3A_1133 : memref<1x128xi32, #tpu.memory_space<vmem>> -> memref<128xi32, #tpu.memory_space<vmem>>
      %dma_wait3A_1135 = arith.constant 0 : i32
      %dma_wait3A_1136 = arith.constant 0 : i32
      %dma_wait3A_1137 = tpu.memref_slice %arg17[%dma_wait3A_1135, %dma_wait3A_1136] : memref<8192x32xf32, #tpu.memory_space<vmem_shared>> -> memref<8192x32xf32, #tpu.memory_space<vmem_shared>>
      tpu.wait_indirect_dma semaphore(%arg32 : memref<!tpu.dma_semaphore, #tpu.memory_space<semaphore_mem>>) src(%arg14 : memref<128x32xf32, #tpu.memory_space<vmem>>) dst(%dma_wait3A_1137 : memref<8192x32xf32, #tpu.memory_space<vmem_shared>>)
      %add3A_1138 = arith.constant 8 : i32
      %add3A_1139 = arith.addi %add3A_1107, %add3A_1138 : i32
      %lt3A_1140 = arith.constant 80 : i32
      %lt3A_1141 = arith.cmpi slt, %add3A_1139, %lt3A_1140 : i32
      %convert_element_type3A_1142 = arith.extui %lt3A_1141 : i1 to i32
      %cond3A_1143 = arith.constant 0 : i32
      %cond3A_1144 = arith.cmpi ne, %convert_element_type3A_1142, %cond3A_1143 : i32
      scf.if %cond3A_1144 {
        %add3A_1184 = arith.constant 8 : i32
        %add3A_1185 = arith.addi %add3A_1107, %add3A_1184 : i32
        %jit3A_1186 = arith.constant 20 : i32
        %div3A_1187 = arith.divsi %add3A_1185, %jit3A_1186 : i32
        %sign3A_1188 = arith.constant 0 : i32
        %sign3A_1189 = arith.cmpi sgt, %add3A_1185, %sign3A_1188 : i32
        %sign3A_1190 = arith.extui %sign3A_1189 : i1 to i32
        %sign3A_1191 = arith.constant 0 : i32
        %sign3A_1192 = arith.cmpi slt, %add3A_1185, %sign3A_1191 : i32
        %sign3A_1193 = arith.extui %sign3A_1192 : i1 to i32
        %sign3A_1194 = arith.subi %sign3A_1190, %sign3A_1193 : i32
        %sign3A_1195 = arith.constant 0 : i32
        %sign3A_1196 = arith.cmpi sgt, %jit3A_1186, %sign3A_1195 : i32
        %sign3A_1197 = arith.extui %sign3A_1196 : i1 to i32
        %sign3A_1198 = arith.constant 0 : i32
        %sign3A_1199 = arith.cmpi slt, %jit3A_1186, %sign3A_1198 : i32
        %sign3A_1200 = arith.extui %sign3A_1199 : i1 to i32
        %sign3A_1201 = arith.subi %sign3A_1197, %sign3A_1200 : i32
        %ne3A_1202 = arith.cmpi ne, %sign3A_1194, %sign3A_1201 : i32
        %rem3A_1203 = arith.remsi %add3A_1185, %jit3A_1186 : i32
        %ne3A_1204 = arith.constant 0 : i32
        %ne3A_1205 = arith.cmpi ne, %rem3A_1203, %ne3A_1204 : i32
        %and3A_1206 = arith.andi %ne3A_1202, %ne3A_1205 : i1
        %sub3A_1207 = arith.constant 1 : i32
        %sub3A_1208 = arith.subi %div3A_1187, %sub3A_1207 : i32
        %select_n3A_1209 = arith.select %and3A_1206, %sub3A_1208, %div3A_1187 : i32
        %mul3A_1210 = arith.constant 24 : i32
        %mul3A_1211 = arith.muli %mul3A_1210, %select_n3A_1209 : i32
        %jit3A_1212 = arith.constant 20 : i32
        %eq3A_1213 = arith.constant 0 : i32
        %eq3A_1214 = arith.cmpi eq, %jit3A_1212, %eq3A_1213 : i32
        %jit3A_1215 = arith.constant 1 : i32
        %select_n3A_1216 = arith.select %eq3A_1214, %jit3A_1215, %jit3A_1212 : i32
        %rem3A_1217 = arith.remsi %add3A_1185, %select_n3A_1216 : i32
        %ne3A_1218 = arith.constant 0 : i32
        %ne3A_1219 = arith.cmpi ne, %rem3A_1217, %ne3A_1218 : i32
        %lt3A_1220 = arith.constant 0 : i32
        %lt3A_1221 = arith.cmpi slt, %rem3A_1217, %lt3A_1220 : i32
        %lt3A_1222 = arith.constant 0 : i32
        %lt3A_1223 = arith.cmpi slt, %select_n3A_1216, %lt3A_1222 : i32
        %ne3A_1224 = arith.xori %lt3A_1221, %lt3A_1223 : i1
        %and3A_1225 = arith.andi %ne3A_1224, %ne3A_1219 : i1
        %add3A_1226 = arith.addi %rem3A_1217, %select_n3A_1216 : i32
        %select_n3A_1227 = arith.select %and3A_1225, %add3A_1226, %rem3A_1217 : i32
        %add3A_1228 = arith.addi %mul3A_1211, %select_n3A_1227 : i32
        %dma_start3A_1229 = arith.constant 0 : i32
        %dma_start3A_1230 = tpu.memref_slice %arg6[%add3A_1228, %dma_start3A_1229] : memref<96x128xi32, #tpu.memory_space<vmem>> -> memref<1x128xi32, #tpu.memory_space<vmem>>
        %dma_start3A_1231 = tpu.memref_squeeze %dma_start3A_1230 : memref<1x128xi32, #tpu.memory_space<vmem>> -> memref<128xi32, #tpu.memory_space<vmem>>
        %dma_start3A_1232 = arith.constant 0 : i32
        %dma_start3A_1233 = arith.constant 0 : i32
        %dma_start3A_1234 = tpu.memref_slice %arg2[%dma_start3A_1232, %dma_start3A_1233] : memref<1048576x32xf32, #tpu.memory_space<hbm>> -> memref<1048576x32xf32, #tpu.memory_space<hbm>>
        tpu.enqueue_indirect_dma source(%dma_start3A_1234 : memref<1048576x32xf32, #tpu.memory_space<hbm>>) target(%arg14 : memref<128x32xf32, #tpu.memory_space<vmem>>) offsets(%dma_start3A_1231 : memref<128xi32, #tpu.memory_space<vmem>>) semaphore(%arg24 : memref<!tpu.dma_semaphore, #tpu.memory_space<semaphore_mem>>)
      } else {
      }
      %add3A_1145 = arith.constant 7 : i32
      %add3A_1146 = arith.addi %mul3A_226, %add3A_1145 : i32
      %jit3A_1147 = arith.constant 20 : i32
      %div3A_1148 = arith.divsi %add3A_1146, %jit3A_1147 : i32
      %sign3A_1149 = arith.constant 0 : i32
      %sign3A_1150 = arith.cmpi sgt, %add3A_1146, %sign3A_1149 : i32
      %sign3A_1151 = arith.extui %sign3A_1150 : i1 to i32
      %sign3A_1152 = arith.constant 0 : i32
      %sign3A_1153 = arith.cmpi slt, %add3A_1146, %sign3A_1152 : i32
      %sign3A_1154 = arith.extui %sign3A_1153 : i1 to i32
      %sign3A_1155 = arith.subi %sign3A_1151, %sign3A_1154 : i32
      %sign3A_1156 = arith.constant 0 : i32
      %sign3A_1157 = arith.cmpi sgt, %jit3A_1147, %sign3A_1156 : i32
      %sign3A_1158 = arith.extui %sign3A_1157 : i1 to i32
      %sign3A_1159 = arith.constant 0 : i32
      %sign3A_1160 = arith.cmpi slt, %jit3A_1147, %sign3A_1159 : i32
      %sign3A_1161 = arith.extui %sign3A_1160 : i1 to i32
      %sign3A_1162 = arith.subi %sign3A_1158, %sign3A_1161 : i32
      %ne3A_1163 = arith.cmpi ne, %sign3A_1155, %sign3A_1162 : i32
      %rem3A_1164 = arith.remsi %add3A_1146, %jit3A_1147 : i32
      %ne3A_1165 = arith.constant 0 : i32
      %ne3A_1166 = arith.cmpi ne, %rem3A_1164, %ne3A_1165 : i32
      %and3A_1167 = arith.andi %ne3A_1163, %ne3A_1166 : i1
      %sub3A_1168 = arith.constant 1 : i32
      %sub3A_1169 = arith.subi %div3A_1148, %sub3A_1168 : i32
      %select_n3A_1170 = arith.select %and3A_1167, %sub3A_1169, %div3A_1148 : i32
      %dma_wait3A_1171 = arith.constant 0 : i32
      %dma_wait3A_1172 = tpu.memref_slice %arg7[%select_n3A_1170, %dma_wait3A_1171] : memref<4x128xi32, #tpu.memory_space<vmem>> -> memref<1x128xi32, #tpu.memory_space<vmem>>
      %dma_wait3A_1173 = tpu.memref_squeeze %dma_wait3A_1172 : memref<1x128xi32, #tpu.memory_space<vmem>> -> memref<128xi32, #tpu.memory_space<vmem>>
      %dma_wait3A_1174 = arith.constant 0 : i32
      %dma_wait3A_1175 = arith.constant 0 : i32
      %dma_wait3A_1176 = tpu.memref_slice %arg17[%dma_wait3A_1174, %dma_wait3A_1175] : memref<8192x32xf32, #tpu.memory_space<vmem_shared>> -> memref<8192x32xf32, #tpu.memory_space<vmem_shared>>
      tpu.wait_indirect_dma semaphore(%arg33 : memref<!tpu.dma_semaphore, #tpu.memory_space<semaphore_mem>>) src(%arg15 : memref<128x32xf32, #tpu.memory_space<vmem>>) dst(%dma_wait3A_1176 : memref<8192x32xf32, #tpu.memory_space<vmem_shared>>)
      %add3A_1177 = arith.constant 8 : i32
      %add3A_1178 = arith.addi %add3A_1146, %add3A_1177 : i32
      %lt3A_1179 = arith.constant 80 : i32
      %lt3A_1180 = arith.cmpi slt, %add3A_1178, %lt3A_1179 : i32
      %convert_element_type3A_1181 = arith.extui %lt3A_1180 : i1 to i32
      %cond3A_1182 = arith.constant 0 : i32
      %cond3A_1183 = arith.cmpi ne, %convert_element_type3A_1181, %cond3A_1182 : i32
      scf.if %cond3A_1183 {
        %add3A_1184 = arith.constant 8 : i32
        %add3A_1185 = arith.addi %add3A_1146, %add3A_1184 : i32
        %jit3A_1186 = arith.constant 20 : i32
        %div3A_1187 = arith.divsi %add3A_1185, %jit3A_1186 : i32
        %sign3A_1188 = arith.constant 0 : i32
        %sign3A_1189 = arith.cmpi sgt, %add3A_1185, %sign3A_1188 : i32
        %sign3A_1190 = arith.extui %sign3A_1189 : i1 to i32
        %sign3A_1191 = arith.constant 0 : i32
        %sign3A_1192 = arith.cmpi slt, %add3A_1185, %sign3A_1191 : i32
        %sign3A_1193 = arith.extui %sign3A_1192 : i1 to i32
        %sign3A_1194 = arith.subi %sign3A_1190, %sign3A_1193 : i32
        %sign3A_1195 = arith.constant 0 : i32
        %sign3A_1196 = arith.cmpi sgt, %jit3A_1186, %sign3A_1195 : i32
        %sign3A_1197 = arith.extui %sign3A_1196 : i1 to i32
        %sign3A_1198 = arith.constant 0 : i32
        %sign3A_1199 = arith.cmpi slt, %jit3A_1186, %sign3A_1198 : i32
        %sign3A_1200 = arith.extui %sign3A_1199 : i1 to i32
        %sign3A_1201 = arith.subi %sign3A_1197, %sign3A_1200 : i32
        %ne3A_1202 = arith.cmpi ne, %sign3A_1194, %sign3A_1201 : i32
        %rem3A_1203 = arith.remsi %add3A_1185, %jit3A_1186 : i32
        %ne3A_1204 = arith.constant 0 : i32
        %ne3A_1205 = arith.cmpi ne, %rem3A_1203, %ne3A_1204 : i32
        %and3A_1206 = arith.andi %ne3A_1202, %ne3A_1205 : i1
        %sub3A_1207 = arith.constant 1 : i32
        %sub3A_1208 = arith.subi %div3A_1187, %sub3A_1207 : i32
        %select_n3A_1209 = arith.select %and3A_1206, %sub3A_1208, %div3A_1187 : i32
        %mul3A_1210 = arith.constant 24 : i32
        %mul3A_1211 = arith.muli %mul3A_1210, %select_n3A_1209 : i32
        %jit3A_1212 = arith.constant 20 : i32
        %eq3A_1213 = arith.constant 0 : i32
        %eq3A_1214 = arith.cmpi eq, %jit3A_1212, %eq3A_1213 : i32
        %jit3A_1215 = arith.constant 1 : i32
        %select_n3A_1216 = arith.select %eq3A_1214, %jit3A_1215, %jit3A_1212 : i32
        %rem3A_1217 = arith.remsi %add3A_1185, %select_n3A_1216 : i32
        %ne3A_1218 = arith.constant 0 : i32
        %ne3A_1219 = arith.cmpi ne, %rem3A_1217, %ne3A_1218 : i32
        %lt3A_1220 = arith.constant 0 : i32
        %lt3A_1221 = arith.cmpi slt, %rem3A_1217, %lt3A_1220 : i32
        %lt3A_1222 = arith.constant 0 : i32
        %lt3A_1223 = arith.cmpi slt, %select_n3A_1216, %lt3A_1222 : i32
        %ne3A_1224 = arith.xori %lt3A_1221, %lt3A_1223 : i1
        %and3A_1225 = arith.andi %ne3A_1224, %ne3A_1219 : i1
        %add3A_1226 = arith.addi %rem3A_1217, %select_n3A_1216 : i32
        %select_n3A_1227 = arith.select %and3A_1225, %add3A_1226, %rem3A_1217 : i32
        %add3A_1228 = arith.addi %mul3A_1211, %select_n3A_1227 : i32
        %dma_start3A_1229 = arith.constant 0 : i32
        %dma_start3A_1230 = tpu.memref_slice %arg6[%add3A_1228, %dma_start3A_1229] : memref<96x128xi32, #tpu.memory_space<vmem>> -> memref<1x128xi32, #tpu.memory_space<vmem>>
        %dma_start3A_1231 = tpu.memref_squeeze %dma_start3A_1230 : memref<1x128xi32, #tpu.memory_space<vmem>> -> memref<128xi32, #tpu.memory_space<vmem>>
        %dma_start3A_1232 = arith.constant 0 : i32
        %dma_start3A_1233 = arith.constant 0 : i32
        %dma_start3A_1234 = tpu.memref_slice %arg2[%dma_start3A_1232, %dma_start3A_1233] : memref<1048576x32xf32, #tpu.memory_space<hbm>> -> memref<1048576x32xf32, #tpu.memory_space<hbm>>
        tpu.enqueue_indirect_dma source(%dma_start3A_1234 : memref<1048576x32xf32, #tpu.memory_space<hbm>>) target(%arg15 : memref<128x32xf32, #tpu.memory_space<vmem>>) offsets(%dma_start3A_1231 : memref<128xi32, #tpu.memory_space<vmem>>) semaphore(%arg25 : memref<!tpu.dma_semaphore, #tpu.memory_space<semaphore_mem>>)
      } else {
      }
    }
    %scan3A_140 = arith.constant 10 : i32
    %jit3A = arith.constant 8 : i32
    %eq3A = arith.constant 0 : i32
    %eq3A_141 = arith.cmpi eq, %jit3A, %eq3A : i32
    %jit3A_142 = arith.constant 1 : i32
    %select_n3A = arith.select %eq3A_141, %jit3A_142, %jit3A : i32
    %rem3A = arith.remsi %add3A, %select_n3A : i32
    %ne3A = arith.constant 0 : i32
    %ne3A_143 = arith.cmpi ne, %rem3A, %ne3A : i32
    %lt3A = arith.constant 0 : i32
    %lt3A_144 = arith.cmpi slt, %rem3A, %lt3A : i32
    %lt3A_145 = arith.constant 0 : i32
    %lt3A_146 = arith.cmpi slt, %select_n3A, %lt3A_145 : i32
    %ne3A_147 = arith.xori %lt3A_144, %lt3A_146 : i1
    %and3A = arith.andi %ne3A_147, %ne3A_143 : i1
    %add3A_148 = arith.addi %rem3A, %select_n3A : i32
    %select_n3A_149 = arith.select %and3A, %add3A_148, %rem3A : i32
    %jit3A_150 = arith.constant 8 : i32
    %div3A = arith.divsi %add3A, %jit3A_150 : i32
    %sign3A = arith.constant 0 : i32
    %sign3A_151 = arith.cmpi sgt, %add3A, %sign3A : i32
    %sign3A_152 = arith.extui %sign3A_151 : i1 to i32
    %sign3A_153 = arith.constant 0 : i32
    %sign3A_154 = arith.cmpi slt, %add3A, %sign3A_153 : i32
    %sign3A_155 = arith.extui %sign3A_154 : i1 to i32
    %sign3A_156 = arith.subi %sign3A_152, %sign3A_155 : i32
    %sign3A_157 = arith.constant 0 : i32
    %sign3A_158 = arith.cmpi sgt, %jit3A_150, %sign3A_157 : i32
    %sign3A_159 = arith.extui %sign3A_158 : i1 to i32
    %sign3A_160 = arith.constant 0 : i32
    %sign3A_161 = arith.cmpi slt, %jit3A_150, %sign3A_160 : i32
    %sign3A_162 = arith.extui %sign3A_161 : i1 to i32
    %sign3A_163 = arith.subi %sign3A_159, %sign3A_162 : i32
    %ne3A_164 = arith.cmpi ne, %sign3A_156, %sign3A_163 : i32
    %rem3A_165 = arith.remsi %add3A, %jit3A_150 : i32
    %ne3A_166 = arith.constant 0 : i32
    %ne3A_167 = arith.cmpi ne, %rem3A_165, %ne3A_166 : i32
    %and3A_168 = arith.andi %ne3A_164, %ne3A_167 : i1
    %sub3A = arith.constant 1 : i32
    %sub3A_169 = arith.subi %div3A, %sub3A : i32
    %select_n3A_170 = arith.select %and3A_168, %sub3A_169, %div3A : i32
    %mul3A_171 = arith.constant 1024 : i32
    %mul3A_172 = arith.muli %mul3A_171, %select_n3A_170 : i32
    %jit3A_173 = arith.constant 2 : i32
    %eq3A_174 = arith.constant 0 : i32
    %eq3A_175 = arith.cmpi eq, %jit3A_173, %eq3A_174 : i32
    %jit3A_176 = arith.constant 1 : i32
    %select_n3A_177 = arith.select %eq3A_175, %jit3A_176, %jit3A_173 : i32
    %rem3A_178 = arith.remsi %select_n3A_149, %select_n3A_177 : i32
    %ne3A_179 = arith.constant 0 : i32
    %ne3A_180 = arith.cmpi ne, %rem3A_178, %ne3A_179 : i32
    %lt3A_181 = arith.constant 0 : i32
    %lt3A_182 = arith.cmpi slt, %rem3A_178, %lt3A_181 : i32
    %lt3A_183 = arith.constant 0 : i32
    %lt3A_184 = arith.cmpi slt, %select_n3A_177, %lt3A_183 : i32
    %ne3A_185 = arith.xori %lt3A_182, %lt3A_184 : i1
    %and3A_186 = arith.andi %ne3A_185, %ne3A_180 : i1
    %add3A_187 = arith.addi %rem3A_178, %select_n3A_177 : i32
    %select_n3A_188 = arith.select %and3A_186, %add3A_187, %rem3A_178 : i32
    %mul3A_189 = arith.constant 512 : i32
    %mul3A_190 = arith.muli %mul3A_189, %select_n3A_188 : i32
    %add3A_191 = arith.addi %mul3A_172, %mul3A_190 : i32
    %jit3A_192 = arith.constant 2 : i32
    %div3A_193 = arith.divsi %select_n3A_149, %jit3A_192 : i32
    %sign3A_194 = arith.constant 0 : i32
    %sign3A_195 = arith.cmpi sgt, %select_n3A_149, %sign3A_194 : i32
    %sign3A_196 = arith.extui %sign3A_195 : i1 to i32
    %sign3A_197 = arith.constant 0 : i32
    %sign3A_198 = arith.cmpi slt, %select_n3A_149, %sign3A_197 : i32
    %sign3A_199 = arith.extui %sign3A_198 : i1 to i32
    %sign3A_200 = arith.subi %sign3A_196, %sign3A_199 : i32
    %sign3A_201 = arith.constant 0 : i32
    %sign3A_202 = arith.cmpi sgt, %jit3A_192, %sign3A_201 : i32
    %sign3A_203 = arith.extui %sign3A_202 : i1 to i32
    %sign3A_204 = arith.constant 0 : i32
    %sign3A_205 = arith.cmpi slt, %jit3A_192, %sign3A_204 : i32
    %sign3A_206 = arith.extui %sign3A_205 : i1 to i32
    %sign3A_207 = arith.subi %sign3A_203, %sign3A_206 : i32
    %ne3A_208 = arith.cmpi ne, %sign3A_200, %sign3A_207 : i32
    %rem3A_209 = arith.remsi %select_n3A_149, %jit3A_192 : i32
    %ne3A_210 = arith.constant 0 : i32
    %ne3A_211 = arith.cmpi ne, %rem3A_209, %ne3A_210 : i32
    %and3A_212 = arith.andi %ne3A_208, %ne3A_211 : i1
    %sub3A_213 = arith.constant 1 : i32
    %sub3A_214 = arith.subi %div3A_193, %sub3A_213 : i32
    %select_n3A_215 = arith.select %and3A_212, %sub3A_214, %div3A_193 : i32
    %mul3A_216 = arith.constant 32 : i32
    %mul3A_217 = arith.muli %mul3A_216, %select_n3A_215 : i32
    %mul3A_218 = arith.constant 512 : i32
    %mul3A_219 = arith.muli %arg1, %mul3A_218 : i32
    "tpu.region"() ({
      %run_scoped3A_220 = tpu.sem_alloc : memref<!tpu.dma_semaphore, #tpu.memory_space<semaphore_mem>>
      %dma_start3A_221 = tpu.memref_slice %arg5[%add3A_191, %mul3A_217] : memref<4096x128xf32, #tpu.memory_space<hbm>> -> memref<512x32xf32, #tpu.memory_space<hbm>>
      %dma_start3A_222 = arith.constant 0 : i32
      %dma_start3A_223 = tpu.memref_slice %arg17[%mul3A_219, %dma_start3A_222] : memref<8192x32xf32, #tpu.memory_space<vmem_shared>> -> memref<512x32xf32, #tpu.memory_space<vmem_shared>>
      tpu.enqueue_dma source(%dma_start3A_223 : memref<512x32xf32, #tpu.memory_space<vmem_shared>>) target(%dma_start3A_221 : memref<512x32xf32, #tpu.memory_space<hbm>>) target_semaphore(%run_scoped3A_220 : memref<!tpu.dma_semaphore, #tpu.memory_space<semaphore_mem>>)
      %dma_wait3A = tpu.memref_slice %arg5[%add3A_191, %mul3A_217] : memref<4096x128xf32, #tpu.memory_space<hbm>> -> memref<512x32xf32, #tpu.memory_space<hbm>>
      %dma_wait3A_224 = arith.constant 0 : i32
      %dma_wait3A_225 = tpu.memref_slice %arg17[%mul3A_219, %dma_wait3A_224] : memref<8192x32xf32, #tpu.memory_space<vmem_shared>> -> memref<512x32xf32, #tpu.memory_space<vmem_shared>>
      tpu.wait_dma2 semaphore(%run_scoped3A_220 : memref<!tpu.dma_semaphore, #tpu.memory_space<semaphore_mem>>) src(%dma_wait3A_225 : memref<512x32xf32, #tpu.memory_space<vmem_shared>>) dst(%dma_wait3A : memref<512x32xf32, #tpu.memory_space<hbm>>)
      tpu.yield
    }) : () -> ()
    return
  }
}

module attributes {stable_mosaic.version = 14 : i64} {
  func.func @_transpose_body(%arg0: i32, %arg1: memref<32x65536xf32, #tpu.memory_space<vmem>>, %arg2: memref<16384x128xf32, #tpu.memory_space<vmem>>) attributes {dimension_semantics = [#tpu.dimension_semantics<parallel>], iteration_bounds = array<i64: 16>, scalar_prefetch = 0 : i64, scratch_operands = 0 : i64, tpu.core_type = #tpu.core_type<tc>, window_params = [{transform_indices = @transform_0, window_bounds = array<i64: 32, 65536>}, {transform_indices = @transform_1, window_bounds = array<i64: 16384, 128>}]} {
    %get3A = arith.constant 0 : index
    %get3A_0 = arith.constant 0 : index
    %get3A_1 = vector.load %arg1[%get3A, %get3A_0] : memref<32x65536xf32, #tpu.memory_space<vmem>>, vector<32x65536xf32>
    %slice3A = vector.extract_strided_slice %get3A_1 {offsets = [0, 0], sizes = [32, 16384], strides = [1, 1]} : vector<32x65536xf32> to vector<32x16384xf32>
    %slice3A_2 = vector.extract_strided_slice %get3A_1 {offsets = [0, 16384], sizes = [32, 16384], strides = [1, 1]} : vector<32x65536xf32> to vector<32x16384xf32>
    %slice3A_3 = vector.extract_strided_slice %get3A_1 {offsets = [0, 32768], sizes = [32, 16384], strides = [1, 1]} : vector<32x65536xf32> to vector<32x16384xf32>
    %slice3A_4 = vector.extract_strided_slice %get3A_1 {offsets = [0, 49152], sizes = [32, 16384], strides = [1, 1]} : vector<32x65536xf32> to vector<32x16384xf32>
    %concatenate3A = tpu.concatenate %slice3A, %slice3A_2, %slice3A_3, %slice3A_4 in 0 : vector<32x16384xf32>, vector<32x16384xf32>, vector<32x16384xf32>, vector<32x16384xf32> -> vector<128x16384xf32>
    %transpose3A = tpu.transpose %concatenate3A, [1, 0] : vector<128x16384xf32> -> vector<16384x128xf32>
    %swap3A = arith.constant 0 : index
    %swap3A_5 = arith.constant 0 : index
    %swap3A_6 = vector.load %arg2[%swap3A, %swap3A_5] : memref<16384x128xf32, #tpu.memory_space<vmem>>, vector<16384x128xf32>
    tpu.vector_store %arg2[%swap3A, %swap3A_5], %transpose3A {strides = array<i32>} : memref<16384x128xf32, #tpu.memory_space<vmem>>, vector<16384x128xf32>,
    return
  }
  func.func @transform_0(%arg0: i32) -> (i32, i32) {
    %c0_i32 = arith.constant 0 : i32
    %c0_i32_0 = arith.constant 0 : i32
    return %c0_i32, %arg0 : i32, i32
  }
  func.func @transform_1(%arg0: i32) -> (i32, i32) {
    %c0_i32 = arith.constant 0 : i32
    %c0_i32_0 = arith.constant 0 : i32
    return %arg0, %c0_i32 : i32, i32
  }
}

module attributes {stable_mosaic.version = 14 : i64} {
  func.func @_mlp_body(%arg0: i32, %arg1: memref<1024x128xf32, #tpu.memory_space<vmem>>, %arg2: memref<32x1xf32, #tpu.memory_space<vmem>>, %arg3: memref<32x1xf32, #tpu.memory_space<vmem>>, %arg4: memref<128x32xf32, #tpu.memory_space<vmem>>, %arg5: memref<128x1xf32, #tpu.memory_space<vmem>>, %arg6: memref<20x128xf32, #tpu.memory_space<vmem>>, %arg7: memref<20x1xf32, #tpu.memory_space<vmem>>, %arg8: memref<20x4096xf32, #tpu.memory_space<vmem>>) attributes {dimension_semantics = [#tpu.dimension_semantics<arbitrary>], iteration_bounds = array<i64: 4>, scalar_prefetch = 0 : i64, scratch_operands = 0 : i64, tpu.core_type = #tpu.core_type<tc>, window_params = [{transform_indices = @transform_0, window_bounds = array<i64: 1024, 128>}, {pipeline_mode = #tpu.pipeline_mode<synchronous>, transform_indices = @transform_1, window_bounds = array<i64: 32, 1>}, {pipeline_mode = #tpu.pipeline_mode<synchronous>, transform_indices = @transform_2, window_bounds = array<i64: 32, 1>}, {pipeline_mode = #tpu.pipeline_mode<synchronous>, transform_indices = @transform_3, window_bounds = array<i64: 128, 32>}, {pipeline_mode = #tpu.pipeline_mode<synchronous>, transform_indices = @transform_4, window_bounds = array<i64: 128, 1>}, {pipeline_mode = #tpu.pipeline_mode<synchronous>, transform_indices = @transform_5, window_bounds = array<i64: 20, 128>}, {pipeline_mode = #tpu.pipeline_mode<synchronous>, transform_indices = @transform_6, window_bounds = array<i64: 20, 1>}, {transform_indices = @transform_7, window_bounds = array<i64: 20, 4096>}]} {
    %get3A = arith.constant 0 : index
    %get3A_0 = arith.constant 0 : index
    %get3A_1 = vector.load %arg1[%get3A, %get3A_0] : memref<1024x128xf32, #tpu.memory_space<vmem>>, vector<1024x128xf32>
    %transpose3A = tpu.transpose %get3A_1, [1, 0] : vector<1024x128xf32> -> vector<128x1024xf32>
    %slice3A = vector.extract_strided_slice %transpose3A {offsets = [0, 0], sizes = [32, 1024], strides = [1, 1]} : vector<128x1024xf32> to vector<32x1024xf32>
    %slice3A_2 = vector.extract_strided_slice %transpose3A {offsets = [32, 0], sizes = [32, 1024], strides = [1, 1]} : vector<128x1024xf32> to vector<32x1024xf32>
    %slice3A_3 = vector.extract_strided_slice %transpose3A {offsets = [64, 0], sizes = [32, 1024], strides = [1, 1]} : vector<128x1024xf32> to vector<32x1024xf32>
    %slice3A_4 = vector.extract_strided_slice %transpose3A {offsets = [96, 0], sizes = [32, 1024], strides = [1, 1]} : vector<128x1024xf32> to vector<32x1024xf32>
    %concatenate3A = tpu.concatenate %slice3A, %slice3A_2, %slice3A_3, %slice3A_4 in 1 : vector<32x1024xf32>, vector<32x1024xf32>, vector<32x1024xf32>, vector<32x1024xf32> -> vector<32x4096xf32>
    %get3A_5 = arith.constant 0 : index
    %get3A_6 = arith.constant 0 : index
    %get3A_7 = vector.load %arg2[%get3A_5, %get3A_6] : memref<32x1xf32, #tpu.memory_space<vmem>>, vector<32x1xf32>
    %mul3A = vector.broadcast %get3A_7 : vector<32x1xf32> to vector<32x4096xf32>
    %mul3A_8 = arith.mulf %concatenate3A, %mul3A : vector<32x4096xf32>
    %get3A_9 = arith.constant 0 : index
    %get3A_10 = arith.constant 0 : index
    %get3A_11 = vector.load %arg3[%get3A_9, %get3A_10] : memref<32x1xf32, #tpu.memory_space<vmem>>, vector<32x1xf32>
    %add3A = vector.broadcast %get3A_11 : vector<32x1xf32> to vector<32x4096xf32>
    %add3A_12 = arith.addf %mul3A_8, %add3A : vector<32x4096xf32>
    %max3A = arith.constant 0.000000e+00 : f32
    %max3A_13 = vector.broadcast %max3A : f32 to vector<32x4096xf32>
    %max3A_14 = arith.maximumf %add3A_12, %max3A_13 : vector<32x4096xf32>
    %get3A_15 = arith.constant 0 : index
    %get3A_16 = arith.constant 0 : index
    %get3A_17 = vector.load %arg4[%get3A_15, %get3A_16] : memref<128x32xf32, #tpu.memory_space<vmem>>, vector<128x32xf32>
    %dot_general3A = arith.constant dense<0.000000e+00> : vector<128x4096xf32>
    %dot_general3A_18 = tpu.matmul %get3A_17, %max3A_14, %dot_general3A {dimension_numbers = #tpu.dot_dimension_numbers<[1], [0], [0], [1], [0, 0, 1, 1], [], []>, transpose_lhs_hint = false} : vector<128x32xf32>, vector<32x4096xf32>, vector<128x4096xf32> -> vector<128x4096xf32>
    %get3A_19 = arith.constant 0 : index
    %get3A_20 = arith.constant 0 : index
    %get3A_21 = vector.load %arg5[%get3A_19, %get3A_20] : memref<128x1xf32, #tpu.memory_space<vmem>>, vector<128x1xf32>
    %add3A_22 = vector.broadcast %get3A_21 : vector<128x1xf32> to vector<128x4096xf32>
    %add3A_23 = arith.addf %dot_general3A_18, %add3A_22 : vector<128x4096xf32>
    %max3A_24 = arith.constant 0.000000e+00 : f32
    %max3A_25 = vector.broadcast %max3A_24 : f32 to vector<128x4096xf32>
    %max3A_26 = arith.maximumf %add3A_23, %max3A_25 : vector<128x4096xf32>
    %get3A_27 = arith.constant 0 : index
    %get3A_28 = arith.constant 0 : index
    %get3A_29 = vector.load %arg6[%get3A_27, %get3A_28] : memref<20x128xf32, #tpu.memory_space<vmem>>, vector<20x128xf32>
    %dot_general3A_30 = arith.constant dense<0.000000e+00> : vector<20x4096xf32>
    %dot_general3A_31 = tpu.matmul %get3A_29, %max3A_26, %dot_general3A_30 {dimension_numbers = #tpu.dot_dimension_numbers<[1], [0], [0], [1], [0, 0, 1, 1], [], []>, transpose_lhs_hint = false} : vector<20x128xf32>, vector<128x4096xf32>, vector<20x4096xf32> -> vector<20x4096xf32>
    %get3A_32 = arith.constant 0 : index
    %get3A_33 = arith.constant 0 : index
    %get3A_34 = vector.load %arg7[%get3A_32, %get3A_33] : memref<20x1xf32, #tpu.memory_space<vmem>>, vector<20x1xf32>
    %add3A_35 = vector.broadcast %get3A_34 : vector<20x1xf32> to vector<20x4096xf32>
    %add3A_36 = arith.addf %dot_general3A_31, %add3A_35 : vector<20x4096xf32>
    %swap3A = arith.constant 0 : index
    %swap3A_37 = arith.constant 0 : index
    %swap3A_38 = vector.load %arg8[%swap3A, %swap3A_37] : memref<20x4096xf32, #tpu.memory_space<vmem>>, vector<20x4096xf32>
    tpu.vector_store %arg8[%swap3A, %swap3A_37], %add3A_36 {strides = array<i32>} : memref<20x4096xf32, #tpu.memory_space<vmem>>, vector<20x4096xf32>,
    return
  }
  func.func @transform_0(%arg0: i32) -> (i32, i32) {
    %c0_i32 = arith.constant 0 : i32
    %c0_i32_0 = arith.constant 0 : i32
    return %arg0, %c0_i32 : i32, i32
  }
  func.func @transform_1(%arg0: i32) -> (i32, i32) {
    %c0_i32 = arith.constant 0 : i32
    %c0_i32_0 = arith.constant 0 : i32
    %c0_i32_1 = arith.constant 0 : i32
    return %c0_i32, %c0_i32_0 : i32, i32
  }
  func.func @transform_2(%arg0: i32) -> (i32, i32) {
    %c0_i32 = arith.constant 0 : i32
    %c0_i32_0 = arith.constant 0 : i32
    %c0_i32_1 = arith.constant 0 : i32
    return %c0_i32, %c0_i32_0 : i32, i32
  }
  func.func @transform_3(%arg0: i32) -> (i32, i32) {
    %c0_i32 = arith.constant 0 : i32
    %c0_i32_0 = arith.constant 0 : i32
    %c0_i32_1 = arith.constant 0 : i32
    return %c0_i32, %c0_i32_0 : i32, i32
  }
  func.func @transform_4(%arg0: i32) -> (i32, i32) {
    %c0_i32 = arith.constant 0 : i32
    %c0_i32_0 = arith.constant 0 : i32
    %c0_i32_1 = arith.constant 0 : i32
    return %c0_i32, %c0_i32_0 : i32, i32
  }
  func.func @transform_5(%arg0: i32) -> (i32, i32) {
    %c0_i32 = arith.constant 0 : i32
    %c0_i32_0 = arith.constant 0 : i32
    %c0_i32_1 = arith.constant 0 : i32
    return %c0_i32, %c0_i32_0 : i32, i32
  }
  func.func @transform_6(%arg0: i32) -> (i32, i32) {
    %c0_i32 = arith.constant 0 : i32
    %c0_i32_0 = arith.constant 0 : i32
    %c0_i32_1 = arith.constant 0 : i32
    return %c0_i32, %c0_i32_0 : i32, i32
  }
  func.func @transform_7(%arg0: i32) -> (i32, i32) {
    %c0_i32 = arith.constant 0 : i32
    %c0_i32_0 = arith.constant 0 : i32
    return %c0_i32, %arg0 : i32, i32
  }
}

</mosaic_0001>

<sc_bundles>
// kernel: kernel.5.cloned.1.call-start
scs
__scs_entry_jumppad:
0x0: {  	(pc) =	sbr.rel $0x88, $3  }
0x1: {  	(tag) =	ssettag $0x0;
	lr =	simm.s32 $0x1  }
0x2: {  	[smem:$0x3F97] =	sst lr;
	_ =	strace $0xD0000000  }
0x3: {  	_ = 	snop  }
0x4: {  	_ = 	snop  }
0x5: {  	_ = 	snop  }
0x6: {  	_ = 	snop  }
0x7: {  	_ = 	snop  }
__scs_overlays_trampoline_lowered:
0x8: {  	[smem:$0x3FA6] =	sst s0  }
0x9: {  	[smem:$0x3FA7] =	sst s1  }
0xa: {  	[smem:$0x3FA8] =	sst s2  }
0xb: {  	[smem:$0x3FA9] =	sst s3  }
0xc: {  	[smem:$0x3FAA] =	sst s4  }
0xd: {  	[smem:$0x3FAB] =	sst s5  }
0xe: {  	[smem:$0x3FAC] =	sst s6  }
0xf: {  	[smem:$0x3FAD] =	sst s7  }
0x10: {  	[smem:$0x3FAE] =	sst s8  }
0x11: {  	[smem:$0x3FAF] =	sst s9;
	s0 =	simm.s32 @!p0 $0x0  }
0x12: {  	s1 =	sld [smem:$0x3F95];
	s0 =	simm.s32 @p0 $0x1  }
0x13: {  	[smem:$0x3FB0] =	sst s0;
	s0 =	simm.s32 @!p1 $0x0  }
0x14: {  	s2 =	sld [smem:$0x3F94];
	s0 =	simm.s32 @p1 $0x1  }
0x15: {  	[smem:$0x3FB1] =	sst s0;
	s0 =	simm.s32 @!p2 $0x0  }
0x16: {  	s3 =	sld [smem:$0x3FDB];
	s0 =	simm.s32 @p2 $0x1  }
0x17: {  	s4 =	simm.s32 $0x1BF5;
	[smem:$0x3FB3] =	sst s0  }
0x18: {  	s0 =	sld [smem:$0x3F96];
	_ =	swait.ge [sflag:s4], $0x0  }
0x19: {  	s7 =	sld [smem:$0x3F97]  }
0x1a: {  	s8 =	sadd.s32 $0xFFFFE003, lr  }
0x1b: {  	s9 =	sadd.s32 $0xFFFFFEF7, lr;
	s5 =	simm.s32 $0xFFFFFFFF;
	p2 =	slt.u32 s8, $0xFFFFF086  }
0x1c: {  	p1 =	slt.u32 s9, $0xF7A;
	s5 =	simm.s32 @!p2 $0x0  }
0x1d: {  	s5 =	simm.s32 @p1 $0x1;
	p0 =	seq.s32 s7, s2  }
0x1e: {  	s7 =	smul.u32 @!p0 $0xF7A, s2;
	p2 =	seq.s32 @!p0 s5, $0x0  }
0x1f: {  	s9 =	smul.u32 $0xF7A, s1;
	s8 =	simm.s32 @!p0 $0x1BF5;
	p2 =	por !p2, p0  }
0x20: {  	[sflag:s8] =	ssyncset.s32 @!p0 $0xFFFFF086;
	s6 =	sadd.s32 @!p0 s3, s7;
	s7 =	simm.s32 @!p0 $0x108  }
0x21: {  	s3 =	sadd.s32 s3, s9;
	s6 =	sadd.s32 @!p0 $0x88, s6;
	s7 =	simm.s32 @p2 $0x1082  }
0x22: {  	[simem:s7], [sflag:s8] =	dma.local @!p0 [hbm:s6], $0xF7A  }
0x23: {  	s9 =	sor.u32 $0xD0000000, s2;
	s6 =	simm.s32 $0x108;
	_ =	swait.ge @!p0 [sflag:s8], $0x0  }
0x24: {  	s3 =	sadd.s32 $0x88, s3;
	s6 =	simm.s32 @!p1 $0x1082;
	[sflag:s4] =	ssyncset.s32 $0xFFFFF086  }
0x25: {  	[simem:s6], [sflag:s4] =	dma.local [hbm:s3], $0xF7A  }
0x26: {  	[smem:$0x3F97] =	sst s1;
	(tag) =	ssettag s2;
	_ =	strace s9  }
0x27: {  	s1 =	sld [smem:$0x3FA7]  }
0x28: {  	s2 =	sld [smem:$0x3FA8]  }
0x29: {  	s4 =	sld [smem:$0x3FAA]  }
0x2a: {  	p0 =	seq.s32 s5, $0x0;
	s5 =	sld [smem:$0x3FAB]  }
0x2b: {  	s6 =	sld [smem:$0x3FAC]  }
0x2c: {  	s7 =	sld [smem:$0x3FAD]  }
0x2d: {  	s3 =	simm.s32 $0x108;
	s8 =	sld [smem:$0x3FAE]  }
0x2e: {  	s3 =	simm.s32 @!p0 $0x1082;
	s9 =	sld [smem:$0x3FAF]  }
0x2f: {  	lr =	sadd.s32 s0, s3;
	s0 =	sld [smem:$0x3FA6]  }
0x30: {  	s3 =	sld [smem:$0x3FA9]  }
0x31: {  	[smem:$0x3FB2] =	sst s10  }
0x32: {  	s10 =	sld [smem:$0x3FB0];
	_ =	sdelay $0x3  }
0x33: {  	p0 =	seq.s32 s10, $0x1;
	s10 =	sld [smem:$0x3FB2];
	_ =	sdelay $0x3  }
0x34: {  	[smem:$0x3FB2] =	sst s10  }
0x35: {  	s10 =	sld [smem:$0x3FB1];
	_ =	sdelay $0x3  }
0x36: {  	p1 =	seq.s32 s10, $0x1;
	s10 =	sld [smem:$0x3FB2];
	_ =	sdelay $0x3  }
0x37: {  	[smem:$0x3FB2] =	sst s10  }
0x38: {  	s10 =	sld [smem:$0x3FB3]  }
0x39: {  	_ = 	snop;
	(pc) =	sbr.ind lr, $3  }
0x3a: {  	_ = 	snop  }
0x3b: {  	_ = 	snop  }
0x3c: {  	p2 =	seq.s32 s10, $0x1;
	s10 =	sld [smem:$0x3FB2]  }
0x3d: {  	_ =	shalt  }
0x3e: {  	_ =	shalt  }
0x3f: {  	_ =	shalt  }
0x40: {  	_ =	shalt  }
0x41: {  	_ =	shalt  }
0x42: {  	_ =	shalt  }
0x43: {  	_ =	shalt  }
0x44: {  	_ =	shalt  }
0x45: {  	_ =	shalt  }
0x46: {  	_ =	shalt  }
0x47: {  	_ =	shalt  }
0x48: {  	_ =	shalt  }
0x49: {  	_ =	shalt  }
0x4a: {  	_ =	shalt  }
0x4b: {  	_ =	shalt  }
0x4c: {  	_ =	shalt  }
0x4d: {  	_ =	shalt  }
0x4e: {  	_ =	shalt  }
0x4f: {  	_ =	shalt  }
0x50: {  	_ =	shalt  }
0x51: {  	_ =	shalt  }
0x52: {  	_ =	shalt  }
0x53: {  	_ =	shalt  }
0x54: {  	_ =	shalt  }
0x55: {  	_ =	shalt  }
0x56: {  	_ =	shalt  }
0x57: {  	_ =	shalt  }
0x58: {  	_ =	shalt  }
0x59: {  	_ =	shalt  }
0x5a: {  	_ =	shalt  }
0x5b: {  	_ =	shalt  }
0x5c: {  	_ =	shalt  }
0x5d: {  	_ =	shalt  }
0x5e: {  	_ =	shalt  }
0x5f: {  	_ =	shalt  }
0x60: {  	_ =	shalt  }
0x61: {  	_ =	shalt  }
0x62: {  	_ =	shalt  }
0x63: {  	_ =	shalt  }
0x64: {  	_ =	shalt  }
0x65: {  	_ =	shalt  }
0x66: {  	_ =	shalt  }
0x67: {  	_ =	shalt  }
0x68: {  	_ =	shalt  }
0x69: {  	_ =	shalt  }
0x6a: {  	_ =	shalt  }
0x6b: {  	_ =	shalt  }
0x6c: {  	_ =	shalt  }
0x6d: {  	_ =	shalt  }
0x6e: {  	_ =	shalt  }
0x6f: {  	_ =	shalt  }
0x70: {  	_ =	shalt  }
0x71: {  	_ =	shalt  }
0x72: {  	_ =	shalt  }
0x73: {  	_ =	shalt  }
0x74: {  	_ =	shalt  }
0x75: {  	_ =	shalt  }
0x76: {  	_ =	shalt  }
0x77: {  	_ =	shalt  }
0x78: {  	_ =	shalt  }
0x79: {  	_ =	shalt  }
0x7a: {  	_ =	shalt  }
0x7b: {  	_ =	shalt  }
0x7c: {  	_ =	shalt  }
0x7d: {  	_ =	shalt  }
0x7e: {  	_ =	shalt  }
0x7f: {  	_ =	shalt  }
0x80: {  	_ =	shalt  }
0x81: {  	_ =	shalt  }
0x82: {  	_ =	shalt  }
0x83: {  	_ =	shalt  }
0x84: {  	_ =	shalt  }
0x85: {  	_ =	shalt  }
0x86: {  	_ =	shalt  }
0x87: {  	_ =	shalt  }
.Lfunc_end0:
.L_simem_size_0:
called_computation_lowered:
.L_overlay_start_0:
0x88: {  	s2 =	sld [smem:$0x3FD9]  }
0x89: {  	s3 =	sld [smem:$0x3FFE];
	_ =	sdelay $0x1  }
0x8a: {  	s1 =	srdreg.scid  }
0x8b: {  	s0 =	sand.u32 $0x1, s1  }
0x8c: {  	s17 =	sshll.u32 s0, $0xA;
	s2 =	sadd.s32 s3, s2  }
0x8d: {  	s2 =	sadd.s32 s2, s17  }
0x8e: {  	[smem:$0x3FBE] =	sst s2  }
0x8f: {  	_ = 	snop  }
0x90: {  	s2 =	sld [smem:$0x3FD0];
	(tm) =	ssettm $0x1  }
0x91: {  	s18 =	sld [smem:$0x3FFB];
	_ =	sdelay $0x3  }
0x92: {  	_ =	strace s18  }
0x93: {  	s3 =	sld [smem:$0x3FFC];
	_ =	sdelay $0x3  }
0x94: {  	_ =	strace s3  }
0x95: {  	s3 =	sld [smem:$0x3FFD];
	_ =	sdelay $0x3  }
0x96: {  	_ =	strace s3  }
0x97: {  	_ =	strace $0x8FFFFFFF  }
0x98: {  	s19 =	sld [smem:$0x3FDB];
	_ =	sdelay $0x1  }
0x99: {  	s4 =	simm.s32 $_scs_section_size  }
0x9a: {  	s5 =	simm.s32 $_size__tile_overlayer_lowered;
	s6 =	simm.s32 $_tile_overlayer_lowered  }
0x9b: {  	s22 =	simm.s32 $0x1BFF;
	s21 =	sshll.u32 s6, $0x1;
	s3 =	sadd.s32 s4, s19  }
0x9c: {  	s7 =	simm.s32 $0x0;
	s20 =	sshll.u32 s5, $0x1;
	s5 =	sadd.s32 s21, s3  }
0x9d: {  	[timem:s7], [sflag:s22] =	dma.local [hbm:s5], s20  }
0x9e: {  	_ =	swait.ge [sflag:s22], s20  }
0x9f: {  	s4 =	ssub.s32 $0x0, s20;
	[sflag:s22] =	ssyncset.done $0x0  }
0xa0: {  	[sflag:s22] =	ssyncadd.s32 s4;
	_ =	sdelay $0x1  }
0xa1: {  	s23 =	simm.s32 $0x1B8B  }
0xa2: {  	_ =	swait.ge [sflag:s23], $0x1  }
0xa3: {  	[sflag:s23] =	ssyncset.done $0x0  }
0xa4: {  	s25 =	simm.s32 $0x1B8E;
	s24 =	sld [smem:$0x3FFE];
	[sflag:s23] =	ssyncadd.s32 $0xFFFFFFFF  }
0xa5: {  	s26 =	simm.s32 $execute0_lowered;
	[smem:$0x3FD2] =	sst s25  }
0xa6: {  	s5 =	sshll.u32 s26, $0x1;
	_ =	strace $0x80000046;
	[dreg:$0x1] =	wrdreg $0xFFFFFFFF  }
0xa7: {  	s28 =	simm.s32 $_size_execute0_lowered;
	s3 =	sadd.s32 s3, s5;
	[dreg:$0x0] =	wrdreg $0x0  }
0xa8: {  	s5 =	sshll.u32 s28, $0x1;
	[dreg:$0x2] =	wrdreg s3  }
0xa9: {  	[dreg:$0x3] =	wrdreg s5  }
0xaa: {  	[dreg:$0x4] =	wrdreg $0xC0  }
0xab: {  	_ =	task [dreg:s7], $0x5FFFF  }
0xac: {  	[dreg:$0x1] =	wrdreg $0xFFFFFFFF  }
0xad: {  	[dreg:$0x0] =	wrdreg $0x60  }
0xae: {  	[dreg:$0x2] =	wrdreg s24  }
0xaf: {  	[dreg:$0x3] =	wrdreg s2  }
0xb0: {  	[dreg:$0x4] =	wrdreg $0xC2000  }
0xb1: {  	[dreg:$0x5] =	wrdreg $0x9  }
0xb2: {  	_ =	task.clear_ibuf [dreg:s7], $0x6FFFF;
	_ =	strace $0x90000046  }
0xb3: {  	s29 =	simm.s32 $0x9;
	_ =	strace $0x80000048  }
0xb4: {  	_ =	swait.ge [sflag:s29], $0x1  }
0xb5: {  	[sflag:s29] =	ssyncadd.s32 $0xFFFFFFFF  }
0xb6: {  	_ =	strace $0x90000048  }
0xb7: {  	_ =	sfence  }
0xb8: {  	s30 =	sld [smem:$0x0];
	_ =	sdelay $0x2  }
0xb9: {  	s31 =	sshll.u32 s1, $0xD;
	s1 =	sshrl.u32 s1, $0x2  }
0xba: {  	s3 =	sand.u32 $0x4000, s31;
	s1 =	sadd.s32 s1, s30  }
0xbb: {  	s0 =	sor.u32 s3, s0;
	s1 =	sshll.u32 s1, $0x11  }
0xbc: {  	s0 =	sor.u32 s1, s0  }
0xbd: {  	s0 =	sadd.s32 $0x8F2B, s0  }
0xbe: {  	[sflag:s0] =	ssyncadd.remote.s32 $0x1  }
0xbf: {  	_ =	sfence.sel $0xFFFF  }
0xc0: {  	[dreg:$0x0] =	wrdreg $0xFFFFFFFF;
	(pc) =	sbr.abs _section_cstart, $3  }
0xc1: {  	[dreg:$0x1] =	wrdreg $0xFFFFFFFF  }
0xc2: {  	_ =	task.clear_ibuf [dreg:s7], $0x2FFFF;
	_ =	strace $0x9FFFFFFF  }
0xc3: {  	(tm) =	ssettm $0x7FFFFFFF  }
tec
execute0_lowered:
.L_overlay_start_1:
0x0: {  	(tag) =	ssettag $0x1  }
0x1: {  	s0 =	rddreg [dreg:$0x0]  }
0x2: {  	s1 =	rddreg [dreg:$0x1];
	s3 =	srdreg.scid  }
0x3: {  	s8 =	stileid.u32;
	s2 =	rddreg [dreg:$0x2];
	s6 =	simm.s32 $0x0  }
0x4: {  	s28 =	simm.s32 $0x3200;
	s30 =	simm.s32 $0x4200;
	s29 =	simm.s32 $0x6200  }
0x5: {  	s3 =	sand.u32 $0x1, s3;
	s4 =	sshll.u32 s8, $0x1;
	[smem:$0x7FF] =	sst s6  }
0x6: {  	s19 =	sshll.u32 s8, $0xE;
	s20 =	sshll.u32 s8, $0xC;
	s22 =	sshll.u32 s8, $0x2  }
0x7: {  	s5 =	sor.u32 s3, s4;
	_ =	strace $0x80000047;
	s7 =	sshll.u32 s3, $0xD  }
0x8: {  	s3 =	ssub.s32 $0x2, s3;
	s24 =	sadd.s32 s19, s2;
	s25 =	sshll.u32 s5, $0x6  }
0x9: {  	s5 =	sshll.u32 s5, $0x9;
	s23 =	sadd.s32 $0x1000, s24;
	[dreg:$0x11] =	wrdreg s24  }
0xa: {  	s26 =	sshrl.u32 s3, $0x1;
	s5 =	sadd.s32 s1, s5;
	[dreg:$0x12] =	wrdreg s23  }
0xb: {  	s6 =	sadd.s32 s25, s0;
	s25 =	sadd.s32 $0x2000, s24;
	[dreg:$0x4] =	wrdreg s5  }
0xc: {  	s31 =	ssub.s32 s3, s26;
	s26 =	sadd.s32 $0x3000, s24;
	[dreg:$0x13] =	wrdreg s25  }
0xd: {  	s4 =	sadd.s32 $0x1A00, s0;
	s6 =	sadd.s32 $0x401A00, s6;
	[dreg:$0x14] =	wrdreg s26  }
0xe: {  	s0 =	sadd.s32 s7, s0;
	s7 =	sadd.s32 $0x4000, s5;
	[dreg:$0x5] =	wrdreg s6  }
0xf: {  	s8 =	simm.s32 $0x1;
	s9 =	sadd.s32 $0x8000, s5;
	[dreg:$0x6] =	wrdreg s7  }
0x10: {  	s21 =	sand.u32 $0xC000, s20;
	s10 =	sadd.s32 $0x80, s5;
	[dreg:$0x7] =	wrdreg s9  }
0x11: {  	s19 =	simm.s32 $0xB;
	s11 =	sadd.s32 $0x4080, s5;
	[dreg:$0x8] =	wrdreg s10  }
0x12: {  	s20 =	simm.s32 $0xC;
	s12 =	sadd.s32 $0x8080, s5;
	[dreg:$0x9] =	wrdreg s11  }
0x13: {  	s23 =	simm.s32 $0xF;
	s13 =	sadd.s32 $0x100, s5;
	[dreg:$0xa] =	wrdreg s12  }
0x14: {  	s3 =	simm.s32 $0x0;
	s14 =	sadd.s32 $0x4100, s5;
	[dreg:$0xb] =	wrdreg s13  }
0x15: {  	s15 =	sadd.s32 $0x8100, s5;
	s16 =	sadd.s32 $0x180, s5;
	[dreg:$0xc] =	wrdreg s14  }
0x16: {  	s17 =	sadd.s32 $0x4180, s5;
	s18 =	sadd.s32 $0x8180, s5;
	[dreg:$0xd] =	wrdreg s15  }
0x17: {  	s5 =	sand.u32 $0xC, s22;
	s0 =	sadd.s32 s21, s0;
	[dreg:$0xe] =	wrdreg s16  }
0x18: {  	s31 =	smax.u32 s31, $0x1;
	s25 =	simm.s32 $0x11;
	[dreg:$0xf] =	wrdreg s17  }
0x19: {  	s26 =	simm.s32 $0x7200;
	s21 =	simm.s32 $0xD;
	[dreg:$0x10] =	wrdreg s18  }
0x1a: {  	s22 =	simm.s32 $0xE;
	s0 =	sadd.s32 s5, s0;
	[dreg:$0x16] =	wrdreg s31  }
.Ltmp0:
0x1b: {  	s6 =	simm.s32 $0x8200;
	s7 =	simm.s32 $0x9200;
	(pc) =	sbr.rel .LBB2_1-.Ltmp0, $4  }
0x1c: {  	s9 =	simm.s32 $0xA200;
	s11 =	simm.s32 $0x4;
	s12 =	simm.s32 $0x5  }
0x1d: {  	s13 =	simm.s32 $0x6;
	s14 =	simm.s32 $0x7;
	s15 =	simm.s32 $0x8  }
0x1e: {  	s16 =	simm.s32 $0x9;
	s17 =	simm.s32 $0xA;
	s0 =	sadd.s32 $0x402200, s0  }
0x1f: {  	v0 =	vimm.f32 $0.0e+00;
	s5 =	simm.s32 $0x10;
	[dreg:$0x15] =	wrdreg s0;
	s0 =	simm.s32 $0x80  }
.LBB2_6:
0x20: {  	_ =	swait.ge [sflag:s17], $0x1000  }
0x21: {  	[sflag:s17] =	ssyncset.done $0x0  }
0x22: {  	[sflag:s17] =	ssyncadd.s32 $0xFFFFF000  }
0x23: {  	_ =	swait.ge [sflag:s19], $0x1000  }
0x24: {  	[sflag:s19] =	ssyncset.done $0x0  }
0x25: {  	[sflag:s19] =	ssyncadd.s32 $0xFFFFF000  }
0x26: {  	_ =	swait.ge [sflag:s20], $0x1000  }
0x27: {  	[sflag:s20] =	ssyncset.done $0x0  }
0x28: {  	[sflag:s20] =	ssyncadd.s32 $0xFFFFF000  }
0x29: {  	_ =	swait.ge [sflag:s21], $0x1000  }
0x2a: {  	[sflag:s21] =	ssyncset.done $0x0  }
0x2b: {  	[sflag:s21] =	ssyncadd.s32 $0xFFFFF000  }
0x2c: {  	_ =	swait.ge [sflag:s22], $0x1000  }
0x2d: {  	[sflag:s22] =	ssyncset.done $0x0  }
0x2e: {  	[sflag:s22] =	ssyncadd.s32 $0xFFFFF000  }
0x2f: {  	_ =	swait.ge [sflag:s23], $0x1000  }
0x30: {  	[sflag:s23] =	ssyncset.done $0x0  }
0x31: {  	s1 =	stileid.u32;
	[sflag:s23] =	ssyncadd.s32 $0xFFFFF000  }
0x32: {  	s25 =	simm.s32 $0x11;
	s1 =	sshll.u32 s1, $0x6;
	_ =	swait.ge [sflag:s5], $0x1000  }
0x33: {  	s1 =	sor.u32 $0x1C11, s1;
	[sflag:s5] =	ssyncset.done $0x0;
	s24 =	rddreg [dreg:$0x11]  }
0x34: {  	s18 =	rddreg [dreg:$0x15];
	[sflag:s5] =	ssyncadd.s32 $0xFFFFF000;
	s3 =	sshrl.u32 s24, $0x3  }
0x35: {  	[hbm:s18@s5], [sflag:s1] =	dma.strided [spmem:s3@s11], $0x800, s8, $0x4   }
0x36: {  	_ =	swait.ge [sflag:s25], $0x800  }
0x37: {  	s26 =	rddreg [dreg:$0x17]  }
0x38: {  	s31 =	rddreg [dreg:$0x16];
	s3 =	sadd.s32 $0x1, s26  }
0x39: {  	p0 =	sne.s32 s3, s31  }
.Ltmp1:
0x3a: {  	_ = 	snop;
	(pc) =	sbr.rel @!p0 .LBB2_7-.Ltmp1, $4  }
0x3b: {  	_ = 	snop  }
0x3c: {  	s29 =	simm.s32 $0x6200  }
0x3d: {  	s6 =	simm.s32 $0x8200;
	s7 =	simm.s32 $0x9200;
	[sflag:s25] =	ssyncset.done $0x0  }
0x3e: {  	s9 =	simm.s32 $0xA200;
	[sflag:s25] =	ssyncadd.s32 $0xFFFFF800;
	s26 =	simm.s32 $0x7200  }
.LBB2_1:
0x3f: {  	[dreg:$0x17] =	wrdreg s3  }
0x40: {  	s1 =	simm.s32 $0x0;
	s10 =	rddreg [dreg:$0x5];
	s18 =	simm.s32 $0x3000  }
0x41: {  	[tilespmem:s18], [sflag:$0x11] =	stream.linear.gather [hbm4b:s10+s1], $0x200, $0x38;
	[tilespmem:$0x10200] =	vst v63  }
0x42: {  	_ =	swait.ge [sflag:s25], $0x200  }
0x43: {  	[sflag:s25] =	ssyncset.done $0x0  }
0x44: {  	s10 =	rddreg [dreg:$0x4];
	[sflag:s25] =	ssyncadd.s32 $0xFFFFFE00  }
0x45: {  	[tilespmem:s1], [sflag:$0x11] =	stream.linear.gather [hbm4b:s10+s1], $0x400, $0x38;
	[tilespmem:$0x10200] =	vst v63  }
0x46: {  	_ =	swait.ge [sflag:s25], $0x400  }
0x47: {  	[sflag:s25] =	ssyncset.done $0x0  }
0x48: {  	s10 =	simm.s32 $0x400;
	s18 =	rddreg [dreg:$0x6];
	[sflag:s25] =	ssyncadd.s32 $0xFFFFFC00  }
0x49: {  	[tilespmem:s10], [sflag:$0x11] =	stream.linear.gather [hbm4b:s18+s1], $0x400, $0x38;
	[tilespmem:$0x10200] =	vst v63  }
0x4a: {  	_ =	swait.ge [sflag:s25], $0x400  }
0x4b: {  	[sflag:s25] =	ssyncset.done $0x0  }
0x4c: {  	s10 =	simm.s32 $0x800;
	s18 =	rddreg [dreg:$0x7];
	[sflag:s25] =	ssyncadd.s32 $0xFFFFFC00  }
0x4d: {  	[tilespmem:s10], [sflag:$0x11] =	stream.linear.gather [hbm4b:s18+s1], $0x400, $0x38;
	[tilespmem:$0x10200] =	vst v63  }
0x4e: {  	_ =	swait.ge [sflag:s25], $0x400  }
0x4f: {  	[sflag:s25] =	ssyncset.done $0x0  }
0x50: {  	s10 =	simm.s32 $0xC00;
	s18 =	rddreg [dreg:$0x8];
	[sflag:s25] =	ssyncadd.s32 $0xFFFFFC00  }
0x51: {  	[tilespmem:s10], [sflag:$0x11] =	stream.linear.gather [hbm4b:s18+s1], $0x400, $0x38;
	[tilespmem:$0x10200] =	vst v63  }
0x52: {  	_ =	swait.ge [sflag:s25], $0x400  }
0x53: {  	[sflag:s25] =	ssyncset.done $0x0  }
0x54: {  	s10 =	simm.s32 $0x1000;
	s18 =	rddreg [dreg:$0x9];
	[sflag:s25] =	ssyncadd.s32 $0xFFFFFC00  }
0x55: {  	[tilespmem:s10], [sflag:$0x11] =	stream.linear.gather [hbm4b:s18+s1], $0x400, $0x38;
	[tilespmem:$0x10200] =	vst v63  }
0x56: {  	_ =	swait.ge [sflag:s25], $0x400  }
0x57: {  	[sflag:s25] =	ssyncset.done $0x0  }
0x58: {  	s10 =	simm.s32 $0x1400;
	s18 =	rddreg [dreg:$0xa];
	[sflag:s25] =	ssyncadd.s32 $0xFFFFFC00  }
0x59: {  	[tilespmem:s10], [sflag:$0x11] =	stream.linear.gather [hbm4b:s18+s1], $0x400, $0x38;
	[tilespmem:$0x10200] =	vst v63  }
0x5a: {  	_ =	swait.ge [sflag:s25], $0x400  }
0x5b: {  	[sflag:s25] =	ssyncset.done $0x0  }
0x5c: {  	s10 =	simm.s32 $0x1800;
	s18 =	rddreg [dreg:$0xb];
	[sflag:s25] =	ssyncadd.s32 $0xFFFFFC00  }
0x5d: {  	[tilespmem:s10], [sflag:$0x11] =	stream.linear.gather [hbm4b:s18+s1], $0x400, $0x38;
	[tilespmem:$0x10200] =	vst v63  }
0x5e: {  	_ =	swait.ge [sflag:s25], $0x400  }
0x5f: {  	[sflag:s25] =	ssyncset.done $0x0  }
0x60: {  	s10 =	simm.s32 $0x1C00;
	s18 =	rddreg [dreg:$0xc];
	[sflag:s25] =	ssyncadd.s32 $0xFFFFFC00  }
0x61: {  	[tilespmem:s10], [sflag:$0x11] =	stream.linear.gather [hbm4b:s18+s1], $0x400, $0x38;
	[tilespmem:$0x10200] =	vst v63  }
0x62: {  	_ =	swait.ge [sflag:s25], $0x400  }
0x63: {  	[sflag:s25] =	ssyncset.done $0x0  }
0x64: {  	s10 =	simm.s32 $0x2000;
	s18 =	rddreg [dreg:$0xd];
	[sflag:s25] =	ssyncadd.s32 $0xFFFFFC00  }
0x65: {  	[tilespmem:s10], [sflag:$0x11] =	stream.linear.gather [hbm4b:s18+s1], $0x400, $0x38;
	[tilespmem:$0x10200] =	vst v63  }
0x66: {  	_ =	swait.ge [sflag:s25], $0x400  }
0x67: {  	[sflag:s25] =	ssyncset.done $0x0  }
0x68: {  	s10 =	simm.s32 $0x2400;
	s18 =	rddreg [dreg:$0xe];
	[sflag:s25] =	ssyncadd.s32 $0xFFFFFC00  }
0x69: {  	[tilespmem:s10], [sflag:$0x11] =	stream.linear.gather [hbm4b:s18+s1], $0x400, $0x38;
	[tilespmem:$0x10200] =	vst v63  }
0x6a: {  	_ =	swait.ge [sflag:s25], $0x400  }
0x6b: {  	[sflag:s25] =	ssyncset.done $0x0  }
0x6c: {  	s10 =	simm.s32 $0x2800;
	s18 =	rddreg [dreg:$0xf];
	[sflag:s25] =	ssyncadd.s32 $0xFFFFFC00  }
0x6d: {  	[tilespmem:s10], [sflag:$0x11] =	stream.linear.gather [hbm4b:s18+s1], $0x400, $0x38;
	[tilespmem:$0x10200] =	vst v63  }
0x6e: {  	_ =	swait.ge [sflag:s25], $0x400  }
0x6f: {  	[sflag:s25] =	ssyncset.done $0x0  }
0x70: {  	s10 =	simm.s32 $0x2C00;
	s18 =	rddreg [dreg:$0x10];
	[sflag:s25] =	ssyncadd.s32 $0xFFFFFC00  }
0x71: {  	[tilespmem:s10], [sflag:$0x11] =	stream.linear.gather [hbm4b:s18+s1], $0x400, $0x38;
	[tilespmem:$0x10200] =	vst v63  }
0x72: {  	_ =	swait.ge [sflag:s25], $0x400  }
0x73: {  	[sflag:s25] =	ssyncset.done $0x0  }
0x74: {  	s3 =	simm.s32 $0x80;
	s31 =	simm.s32 $0x0;
	[sflag:s25] =	ssyncadd.s32 $0xFFFFFC00  }
.LBB2_2:
0x75: {  	p0 =	sne.s32 s3, $0x3F80;
	[tilespmem:s31+$0xB200] =	vst v0;
	s18 =	smov.u32 s3;
	s3 =	sadd.s32 $0x80, s3  }
.Ltmp2:
0x76: {  	[tilespmem:s31+$0xB210] =	vst v0;
	(pc) =	sbr.rel @p0 .LBB2_2-.Ltmp2, $2  }
0x77: {  	_ =	sdelay $0x2  }
0x78: {  	s31 =	sshra.s32 s18, $0x2  }
0x79: {  	[tilespmem:s31+$0xB200] =	vst v0  }
0x7a: {  	[tilespmem:s31+$0xB210] =	vst v0;
	s3 =	simm.s32 $0xB200  }
0x7b: {  	[spmem:s24] =	stream.linear.scatter [tilespmem:s3], [sflag:$0x11], $0x1000, $0x38;
	[tilespmem:$0x10200] =	vst v63  }
0x7c: {  	_ =	swait.ge [sflag:s25], $0x1000  }
0x7d: {  	[sflag:s25] =	ssyncset.done $0x0  }
0x7e: {  	s1 =	rddreg [dreg:$0x12];
	[sflag:s25] =	ssyncadd.s32 $0xFFFFF000  }
0x7f: {  	[spmem:s1] =	stream.linear.scatter [tilespmem:s3], [sflag:$0x11], $0x1000, $0x38;
	[tilespmem:$0x10200] =	vst v63  }
0x80: {  	_ =	swait.ge [sflag:s25], $0x1000  }
0x81: {  	[sflag:s25] =	ssyncset.done $0x0  }
0x82: {  	s24 =	rddreg [dreg:$0x13];
	[sflag:s25] =	ssyncadd.s32 $0xFFFFF000  }
0x83: {  	[spmem:s24] =	stream.linear.scatter [tilespmem:s3], [sflag:$0x11], $0x1000, $0x38;
	[tilespmem:$0x10200] =	vst v63  }
0x84: {  	_ =	swait.ge [sflag:s25], $0x1000  }
0x85: {  	[sflag:s25] =	ssyncset.done $0x0  }
0x86: {  	s10 =	rddreg [dreg:$0x14];
	[sflag:s25] =	ssyncadd.s32 $0xFFFFF000  }
0x87: {  	[spmem:s10] =	stream.linear.scatter [tilespmem:s3], [sflag:$0x11], $0x1000, $0x38;
	[tilespmem:$0x10200] =	vst v63  }
0x88: {  	_ =	swait.ge [sflag:s25], $0x1000  }
0x89: {  	[sflag:s25] =	ssyncset.done $0x0  }
0x8a: {  	s31 =	simm.s32 $0x0;
	[sflag:s25] =	ssyncadd.s32 $0xFFFFF000  }
0x8b: {  	[tilespmem:s28], [sflag:$0x1] =	stream.indirect.gather [hbm4b:s4+s0], $0x20, s31, s0, $0xb8;
	[tilespmem:$0x10200] =	vst v63  }
0x8c: {  	_ = 	snop  }
0x8d: {  	[tilespmem:s30], [sflag:$0x2] =	stream.indirect.gather [hbm4b:s4+s0], $0x20, s0, s0, $0xb8;
	[tilespmem:$0x10200] =	vst v63  }
0x8e: {  	s18 =	simm.s32 $0x100;
	s24 =	simm.s32 $0x5200  }
0x8f: {  	[tilespmem:s24], [sflag:$0x3] =	stream.indirect.gather [hbm4b:s4+s0], $0x20, s18, s0, $0xb8;
	[tilespmem:$0x10200] =	vst v63  }
0x90: {  	s25 =	simm.s32 $0x180  }
0x91: {  	[tilespmem:s29], [sflag:$0x4] =	stream.indirect.gather [hbm4b:s4+s0], $0x20, s25, s0, $0xb8;
	[tilespmem:$0x10200] =	vst v63  }
0x92: {  	s10 =	simm.s32 $0x200  }
0x93: {  	[tilespmem:s26], [sflag:$0x5] =	stream.indirect.gather [hbm4b:s4+s0], $0x20, s10, s0, $0xb8;
	[tilespmem:$0x10200] =	vst v63  }
0x94: {  	s18 =	simm.s32 $0x280  }
0x95: {  	[tilespmem:s6], [sflag:$0x6] =	stream.indirect.gather [hbm4b:s4+s0], $0x20, s18, s0, $0xb8;
	[tilespmem:$0x10200] =	vst v63  }
0x96: {  	s24 =	simm.s32 $0x300  }
0x97: {  	[tilespmem:s7], [sflag:$0x7] =	stream.indirect.gather [hbm4b:s4+s0], $0x20, s24, s0, $0xb8;
	[tilespmem:$0x10200] =	vst v63  }
0x98: {  	s1 =	simm.s32 $0x5200;
	s25 =	simm.s32 $0x380  }
0x99: {  	[tilespmem:s9], [sflag:$0x8] =	stream.indirect.gather [hbm4b:s4+s0], $0x20, s25, s0, $0xb8;
	[tilespmem:$0x10200] =	vst v63  }
.LBB2_4:
0x9a: {  	s3 =	sshll.u32 s31, $0x3  }
0x9b: {  	s18 =	sand.u32 $0xF8, s3  }
0x9c: {  	s18 =	smul.u32 $0xCD, s18;
	_ =	sdelay $0x1  }
0x9d: {  	_ =	swait.ge [sflag:s8], $0x1000;
	s18 =	sshrl.u32 s18, $0x5  }
0x9e: {  	[sflag:s8] =	ssyncset.done $0x0;
	s18 =	sand.u32 $0x780, s18  }
0x9f: {  	s10 =	simm.s32 $0x2;
	[sflag:s8] =	ssyncadd.s32 $0xFFFFF000;
	s18 =	sor.u32 $0x3000, s18  }
0xa0: {  	[spmem:s2] =	stream.indirect.scatter.add.f32 [tilespmem:s28], [sflag:$0x9], $0x20, s18, s0, $0xb8;
	[tilespmem:$0x10200] =	vst v63  }
0xa1: {  	_ =	swait.ge [sflag:s10], $0x1000  }
0xa2: {  	[sflag:s10] =	ssyncset.done $0x0  }
0xa3: {  	s24 =	simm.s32 $0x3;
	[sflag:s10] =	ssyncadd.s32 $0xFFFFF000  }
0xa4: {  	[spmem:s2] =	stream.indirect.scatter.add.f32 [tilespmem:s30], [sflag:$0xA], $0x20, s18, s0, $0xb8;
	[tilespmem:$0x10200] =	vst v63  }
0xa5: {  	_ =	swait.ge [sflag:s24], $0x1000  }
0xa6: {  	[sflag:s24] =	ssyncset.done $0x0  }
0xa7: {  	[sflag:s24] =	ssyncadd.s32 $0xFFFFF000  }
0xa8: {  	[spmem:s2] =	stream.indirect.scatter.add.f32 [tilespmem:s1], [sflag:$0xB], $0x20, s18, s0, $0xb8;
	[tilespmem:$0x10200] =	vst v63  }
0xa9: {  	s25 =	sor.u32 $0x4, s3;
	_ =	swait.ge [sflag:s11], $0x1000  }
0xaa: {  	s25 =	sand.u32 $0xFC, s25;
	[sflag:s11] =	ssyncset.done $0x0  }
0xab: {  	s25 =	smul.u32 $0xCD, s25;
	[sflag:s11] =	ssyncadd.s32 $0xFFFFF000  }
0xac: {  	[spmem:s2] =	stream.indirect.scatter.add.f32 [tilespmem:s29], [sflag:$0xC], $0x20, s18, s0, $0xb8;
	[tilespmem:$0x10200] =	vst v63  }
0xad: {  	s25 =	sshrl.u32 s25, $0x5;
	_ =	swait.ge [sflag:s12], $0x1000  }
0xae: {  	s18 =	sand.u32 $0x780, s25;
	[sflag:s12] =	ssyncset.done $0x0  }
0xaf: {  	s18 =	sor.u32 $0x3000, s18;
	[sflag:s12] =	ssyncadd.s32 $0xFFFFF000  }
0xb0: {  	[spmem:s2] =	stream.indirect.scatter.add.f32 [tilespmem:s26], [sflag:$0xD], $0x20, s18, s0, $0xb8;
	[tilespmem:$0x10200] =	vst v63  }
0xb1: {  	_ =	swait.ge [sflag:s13], $0x1000  }
0xb2: {  	[sflag:s13] =	ssyncset.done $0x0  }
0xb3: {  	[sflag:s13] =	ssyncadd.s32 $0xFFFFF000  }
0xb4: {  	[spmem:s2] =	stream.indirect.scatter.add.f32 [tilespmem:s6], [sflag:$0xE], $0x20, s18, s0, $0xb8;
	[tilespmem:$0x10200] =	vst v63  }
0xb5: {  	_ =	swait.ge [sflag:s14], $0x1000  }
0xb6: {  	[sflag:s14] =	ssyncset.done $0x0  }
0xb7: {  	[sflag:s14] =	ssyncadd.s32 $0xFFFFF000  }
0xb8: {  	[spmem:s2] =	stream.indirect.scatter.add.f32 [tilespmem:s7], [sflag:$0xF], $0x20, s18, s0, $0xb8;
	[tilespmem:$0x10200] =	vst v63  }
0xb9: {  	_ =	swait.ge [sflag:s15], $0x1000  }
0xba: {  	p0 =	seq.s32 s31, $0x9;
	[sflag:s15] =	ssyncset.done $0x0  }
.Ltmp3:
0xbb: {  	[sflag:s15] =	ssyncadd.s32 $0xFFFFF000;
	(pc) =	sbr.rel @p0 .LBB2_6-.Ltmp3, $4  }
0xbc: {  	[spmem:s2] =	stream.indirect.scatter.add.f32 [tilespmem:s9], [sflag:$0x10], $0x20, s18, s0, $0xb8;
	[tilespmem:$0x10200] =	vst v63  }
0xbd: {  	s10 =	simm.s32 $0xA200;
	s29 =	simm.s32 $0x5200;
	_ =	swait.ge [sflag:s16], $0x1000  }
0xbe: {  	s26 =	simm.s32 $0x6200;
	s6 =	simm.s32 $0x7200;
	[sflag:s16] =	ssyncset.done $0x0  }
0xbf: {  	s7 =	simm.s32 $0x8200;
	s9 =	simm.s32 $0x9200;
	[sflag:s16] =	ssyncadd.s32 $0xFFFFF000  }
0xc0: {  	s18 =	sadd.s32 $0x8, s3  }
0xc1: {  	s25 =	sand.u32 $0xFF, s18  }
0xc2: {  	s25 =	smul.u32 $0xCD, s25;
	_ =	sdelay $0x1  }
0xc3: {  	s25 =	sshrl.u32 s25, $0xC  }
0xc4: {  	s24 =	sadd.s32 $0x9, s3;
	s1 =	smul.u32 $0x14, s25  }
0xc5: {  	s28 =	sand.u32 $0xFF, s24;
	s25 =	smul.u32 $0x18, s25  }
0xc6: {  	s1 =	ssub.s32 s18, s1;
	s18 =	smul.u32 $0xCD, s28  }
0xc7: {  	s1 =	sand.u32 $0xFF, s1  }
0xc8: {  	s1 =	sadd.s32 s1, s25;
	s18 =	sshrl.u32 s18, $0xC  }
0xc9: {  	s30 =	simm.s32 $0x3200;
	s1 =	sshll.u32 s1, $0x7;
	s25 =	smul.u32 $0x14, s18  }
0xca: {  	[tilespmem:s30], [sflag:$0x1] =	stream.indirect.gather [hbm4b:s4+s0], $0x20, s1, s0, $0xb8;
	[tilespmem:$0x10200] =	vst v63  }
0xcb: {  	s18 =	smul.u32 $0x18, s18;
	s30 =	simm.s32 $0x4200;
	s24 =	ssub.s32 s24, s25  }
0xcc: {  	_ =	swait.ge [sflag:s17], $0x1000;
	s1 =	sand.u32 $0xFF, s24;
	s24 =	sadd.s32 $0xA, s3  }
0xcd: {  	[sflag:s17] =	ssyncset.done $0x0;
	s1 =	sadd.s32 s1, s18;
	s25 =	sand.u32 $0xFF, s24  }
0xce: {  	[sflag:s17] =	ssyncadd.s32 $0xFFFFF000;
	s1 =	sshll.u32 s1, $0x7;
	s18 =	smul.u32 $0xCD, s25  }
0xcf: {  	[tilespmem:s30], [sflag:$0x2] =	stream.indirect.gather [hbm4b:s4+s0], $0x20, s1, s0, $0xb8;
	[tilespmem:$0x10200] =	vst v63  }
0xd0: {  	s1 =	sshrl.u32 s18, $0xC  }
0xd1: {  	s25 =	sadd.s32 $0xB, s3;
	s18 =	smul.u32 $0x14, s1  }
0xd2: {  	s28 =	sand.u32 $0xFF, s25;
	s1 =	smul.u32 $0x18, s1  }
0xd3: {  	s18 =	ssub.s32 s24, s18;
	s24 =	smul.u32 $0xCD, s28  }
0xd4: {  	_ =	swait.ge [sflag:s19], $0x1000;
	s18 =	sand.u32 $0xFF, s18  }
0xd5: {  	[sflag:s19] =	ssyncset.done $0x0;
	s1 =	sadd.s32 s18, s1;
	s18 =	sshrl.u32 s24, $0xC  }
0xd6: {  	[sflag:s19] =	ssyncadd.s32 $0xFFFFF000;
	s1 =	sshll.u32 s1, $0x7;
	s24 =	smul.u32 $0x14, s18  }
0xd7: {  	[tilespmem:s29], [sflag:$0x3] =	stream.indirect.gather [hbm4b:s4+s0], $0x20, s1, s0, $0xb8;
	[tilespmem:$0x10200] =	vst v63  }
0xd8: {  	s18 =	smul.u32 $0x18, s18;
	s24 =	ssub.s32 s25, s24  }
0xd9: {  	_ =	swait.ge [sflag:s20], $0x1000;
	s1 =	sand.u32 $0xFF, s24;
	s24 =	sadd.s32 $0xC, s3  }
0xda: {  	[sflag:s20] =	ssyncset.done $0x0;
	s1 =	sadd.s32 s1, s18;
	s25 =	sand.u32 $0xFF, s24  }
0xdb: {  	[sflag:s20] =	ssyncadd.s32 $0xFFFFF000;
	s1 =	sshll.u32 s1, $0x7;
	s18 =	smul.u32 $0xCD, s25  }
0xdc: {  	[tilespmem:s26], [sflag:$0x4] =	stream.indirect.gather [hbm4b:s4+s0], $0x20, s1, s0, $0xb8;
	[tilespmem:$0x10200] =	vst v63  }
0xdd: {  	s26 =	sshrl.u32 s18, $0xC  }
0xde: {  	s25 =	sadd.s32 $0xD, s3;
	s18 =	smul.u32 $0x14, s26  }
0xdf: {  	s28 =	sand.u32 $0xFF, s25;
	s1 =	smul.u32 $0x18, s26  }
0xe0: {  	s26 =	smul.u32 $0xCD, s28;
	s18 =	ssub.s32 s24, s18  }
0xe1: {  	s31 =	sadd.s32 $0x1, s31;
	_ =	swait.ge [sflag:s21], $0x1000;
	s18 =	sand.u32 $0xFF, s18  }
0xe2: {  	[sflag:s21] =	ssyncset.done $0x0;
	s1 =	sadd.s32 s18, s1;
	s18 =	sshrl.u32 s26, $0xC  }
0xe3: {  	[sflag:s21] =	ssyncadd.s32 $0xFFFFF000;
	s1 =	sshll.u32 s1, $0x7;
	s24 =	smul.u32 $0x14, s18  }
0xe4: {  	[tilespmem:s6], [sflag:$0x5] =	stream.indirect.gather [hbm4b:s4+s0], $0x20, s1, s0, $0xb8;
	[tilespmem:$0x10200] =	vst v63  }
0xe5: {  	s18 =	smul.u32 $0x18, s18;
	s26 =	ssub.s32 s25, s24;
	s24 =	sadd.s32 $0xE, s3  }
0xe6: {  	s29 =	simm.s32 $0x6200;
	s1 =	sand.u32 $0xFF, s26;
	s6 =	sand.u32 $0xFF, s24  }
0xe7: {  	s3 =	sadd.s32 $0xF, s3;
	s1 =	sadd.s32 s1, s18;
	s18 =	smul.u32 $0xCD, s6  }
0xe8: {  	s28 =	simm.s32 $0x3200;
	_ =	swait.ge [sflag:s22], $0x1000;
	s26 =	sand.u32 $0xFF, s3  }
0xe9: {  	[sflag:s22] =	ssyncset.done $0x0;
	s6 =	smul.u32 $0xCD, s26;
	s25 =	sshrl.u32 s18, $0xC  }
0xea: {  	[sflag:s22] =	ssyncadd.s32 $0xFFFFF000;
	s1 =	sshll.u32 s1, $0x7;
	s18 =	smul.u32 $0x14, s25  }
0xeb: {  	[tilespmem:s7], [sflag:$0x6] =	stream.indirect.gather [hbm4b:s4+s0], $0x20, s1, s0, $0xb8;
	[tilespmem:$0x10200] =	vst v63  }
0xec: {  	s7 =	sshrl.u32 s6, $0xC;
	s1 =	smul.u32 $0x18, s25;
	s18 =	ssub.s32 s24, s18  }
0xed: {  	_ =	swait.ge [sflag:s23], $0x1000;
	s24 =	smul.u32 $0x14, s7;
	s18 =	sand.u32 $0xFF, s18  }
0xee: {  	s26 =	smul.u32 $0x18, s7;
	[sflag:s23] =	ssyncset.done $0x0;
	s1 =	sadd.s32 s18, s1  }
0xef: {  	[sflag:s23] =	ssyncadd.s32 $0xFFFFF000;
	s25 =	ssub.s32 s3, s24;
	s1 =	sshll.u32 s1, $0x7  }
0xf0: {  	[tilespmem:s9], [sflag:$0x7] =	stream.indirect.gather [hbm4b:s4+s0], $0x20, s1, s0, $0xb8;
	[tilespmem:$0x10200] =	vst v63  }
.Ltmp4:
0xf1: {  	s1 =	sand.u32 $0xFF, s25;
	_ =	swait.ge [sflag:s5], $0x1000;
	(pc) =	sbr.rel .LBB2_4-.Ltmp4, $4  }
0xf2: {  	s6 =	simm.s32 $0x8200;
	s1 =	sadd.s32 s1, s26;
	[sflag:s5] =	ssyncset.done $0x0  }
0xf3: {  	s7 =	simm.s32 $0x9200;
	s1 =	sshll.u32 s1, $0x7;
	[sflag:s5] =	ssyncadd.s32 $0xFFFFF000  }
0xf4: {  	[tilespmem:s10], [sflag:$0x8] =	stream.indirect.gather [hbm4b:s4+s0], $0x20, s1, s0, $0xb8;
	[tilespmem:$0x10200] =	vst v63  }
0xf5: {  	s9 =	simm.s32 $0xA200;
	s26 =	simm.s32 $0x7200;
	s1 =	simm.s32 $0x5200  }
.LBB2_7:
0xf6: {  	_ =	sfence.sel $0x180000  }
0xf7: {  	[bflag:$0x0] =	sbarrier.arrive $0xFFFF  }
0xf8: {  	_ =	strace $0x90000047  }
0xf9: {  	s0 =	stileid.u32;
	[bflag:$0x2] =	sbarrier.arrive $0xFFFF  }
0xfa: {  	p0 =	sne.s32 s0, $0x0;
	s0 =	rddreg [dreg:$0x3]  }
0xfb: {  	s0 =	sadd.s32 @!p0 $0x100000, s0  }
0xfc: {  	[sflag:s0] =	ssyncadd.tile.s32 @!p0 $0x1;
	_ =	shalt  }
.Lfunc_end2:
_tile_overlayer_lowered:
.L_overlay_start_2:
0xfd: {  	(tag) =	ssettag $0x2  }
0xfe: {  	s0 =	rddreg [dreg:$0x0];
	s2 =	stileid.u32  }
0xff: {  	s1 =	rddreg [dreg:$0x1];
	p0 =	sne.s32 s2, $0x0  }
0x100: {  	s3 =	rddreg [dreg:$0x2];
	[bflag:$0x3] =	sbarrier.arrive $0xFFFF;
	s2 =	simm.s32 @!p0 $0x1C11  }
0x101: {  	[timem:s3], [sflag:s2] =	dma.local @!p0 [hbm:s0], s1  }
0x102: {  	s0 =	simm.s32 @!p0 $0x11  }
0x103: {  	_ =	swait.ge @!p0 [sflag:s0], s1  }
0x104: {  	s1 =	ssub.s32 @!p0 $0x0, s1;
	[sflag:s0] =	ssyncset.done @!p0 $0x0  }
0x105: {  	[sflag:s0] =	ssyncadd.s32 @!p0 s1  }
0x106: {  	[bflag:$0x3] =	sbarrier.arrive $0xFFFF  }
0x107: {  	_ =	shalt  }

</sc_bundles>
